<compile_context>
chip_gen: v7x
topology: tpu7x:2x2x1
jax: 0.10.2.dev20260603
libtpu: 0.0.44.dev20260713+nightly
codegen_flags: <defaults>
</compile_context>

<pallas_src>
import functools
import math

import jax
import jax.numpy as jnp
from jax import lax
from jax.experimental import pallas as pl
from jax.experimental.pallas import tpu as pltpu
from jax.experimental.pallas import tpu_sc as plsc

VOCAB_SIZE = 100000
D_MODEL = 64
SCALE = math.sqrt(D_MODEL)

NC = 2
NS = 16
NW = NC * NS

G = 128
NB = 10
LOOKAHEAD = 5


def _gather_body(n_rounds, ids_hbm, table_hbm, out_hbm, idx_v, gbuf,
                 gsem, osem):
  npw = n_rounds * NB
  wid = lax.axis_index("s") * NC + lax.axis_index("c")
  m0 = wid * npw

  pltpu.sync_copy(ids_hbm.at[pl.ds(m0 * G, npw * G)], idx_v)

  def out_row0(m):
    i = m // 64
    tb = lax.rem(m, 64) // 8
    j = lax.rem(m, 8)
    return i * 8192 + j * 1024 + tb * G

  def start_gather(g, b):
    pltpu.async_copy(table_hbm.at[idx_v.at[pl.ds(g * G, G)]], gbuf.at[b],
                     gsem.at[b])

  def wait_gather(b):
    pltpu.make_async_copy(table_hbm.at[idx_v.at[pl.ds(0, G)]], gbuf.at[b],
                          gsem.at[b]).wait()

  def start_out(g, b):
    pltpu.async_copy(gbuf.at[b],
                     out_hbm.at[pl.ds(out_row0(m0 + g), G),
                                pl.ds(0, D_MODEL)],
                     osem.at[b])

  def wait_out(b):
    pltpu.make_async_copy(gbuf.at[b],
                          out_hbm.at[pl.ds(0, G), pl.ds(0, D_MODEL)],
                          osem.at[b]).wait()

  for b in range(LOOKAHEAD):
    start_gather(b, b)

  def round_body(r):
    for j in range(NB):
      g = r * NB + j
      wait_gather(j)
      start_out(g, j)
      j2 = (j + LOOKAHEAD) % NB
      if j < NB - LOOKAHEAD:
        @pl.when(r > 0)
        def _():
          wait_out(j2)
        start_gather(g + LOOKAHEAD, j2)
      else:
        @pl.when(r < n_rounds - 1)
        def _():
          wait_out(j2)
          start_gather(g + LOOKAHEAD, j2)

  lax.fori_loop(0, n_rounds, lambda r, _: (round_body(r), 0)[1], 0)

  for b in range(NB):
    wait_out(b)


def _sc_gather(ids_flat, table):
  n = ids_flat.shape[0]
  assert n % (NW * G * NB) == 0
  n_rounds = n // (NW * G * NB)

  mesh = plsc.VectorSubcoreMesh(core_axis_name="c", subcore_axis_name="s",
                                num_cores=NC, num_subcores=NS)
  run = pl.kernel(
      functools.partial(_gather_body, n_rounds),
      out_type=jax.ShapeDtypeStruct((n, 2 * D_MODEL), jnp.float32),
      mesh=mesh,
      scratch_types=[
          pltpu.VMEM((n // NW,), jnp.int32),
          pltpu.VMEM((NB, G, D_MODEL), jnp.float32),
          pltpu.SemaphoreType.DMA((NB,)),
          pltpu.SemaphoreType.DMA((NB,)),
      ],
      compiler_params=pltpu.CompilerParams(use_tc_tiling_on_sc=False),
  )
  return run(ids_flat, table)


def _transform_kernel(in_hbm, out_ref, scratch, sem):
  step = pl.program_id(0)
  nsteps = pl.num_programs(0)
  rows_per_s = scratch.shape[1]
  nbuf = scratch.shape[0]
  slot = lax.rem(step, nbuf)

  def copy(i, sl):
    return pltpu.make_async_copy(
        in_hbm.at[pl.ds(i * rows_per_s, rows_per_s)],
        scratch.at[sl], sem.at[sl])

  @pl.when(step == 0)
  def _():
    for i in range(nbuf - 1):
      copy(i, i).start()

  @pl.when(step + nbuf - 1 < nsteps)
  def _():
    nxt = step + nbuf - 1
    slot2 = lax.rem(nxt, nbuf)
    copy(nxt, slot2).start()

  copy(step, slot).wait()

  scale = jnp.float32(SCALE)
  n_sb = out_ref.shape[0]
  for sl in range(n_sb):
    for t in range(8):
      xt = scratch[slot, pl.ds(sl * 1024 + t * G, G),
                   pl.ds(0, D_MODEL)]
      y = xt.T * scale
      out_ref[sl, :, t, :, :] = y.reshape(8, 8, G)


def _tc_transform(inter, s_len, b_len):
  n_sb = 4
  return pl.pallas_call(
      _transform_kernel,
      out_shape=jax.ShapeDtypeStruct(
          (s_len, D_MODEL // 8, b_len // G, 8, G), jnp.float32),
      grid=(s_len // n_sb,),
      in_specs=[pl.BlockSpec(memory_space=pl.ANY)],
      out_specs=pl.BlockSpec((n_sb, D_MODEL // 8, b_len // G, 8, G),
                             lambda i: (i, 0, 0, 0, 0)),
      scratch_shapes=[
          pltpu.VMEM((6, n_sb * b_len, 2 * D_MODEL), jnp.float32),
          pltpu.SemaphoreType.DMA((6,)),
      ],
  )(inter)


def kernel(input_ids, embedding_table):
  b, s = input_ids.shape
  ids_flat = (input_ids.T.astype(jnp.int32)
              .reshape(s // 8, 8, b // G, G)
              .transpose(0, 2, 1, 3)
              .reshape(b * s))
  inter = _sc_gather(ids_flat, embedding_table)
  out5 = _tc_transform(inter, s, b)
  return out5.transpose(2, 4, 0, 1, 3).reshape(b, s, D_MODEL)

# --- scband reference (transcript-rebuilt; emitter-appended) ---
"""Pipeline reference for scband-token-embedding-45226005627039 (READ-ONLY COPY).

The authoritative reference and input builder live on the scoring server;
editing this copy changes nothing except your own understanding.
"""

import jax, jax.numpy as jnp
import numpy as np
import math

VOCAB_SIZE = 100000
D_MODEL = 64

def setup_inputs(seed: int = 0) -> dict:
    key = jax.random.key(seed)
    k1, k2 = jax.random.split(key)
    input_ids = jax.random.randint(k1, (1024, 200), 0, VOCAB_SIZE, dtype=jnp.int64 if jax.config.jax_enable_x64 else jnp.int32)
    embedding_table = jax.random.normal(k2, (VOCAB_SIZE, D_MODEL), dtype=jnp.float32)
    return {"input_ids": input_ids, "embedding_table": embedding_table}

def reference(input_ids, embedding_table):
    # token_embeddings = self._embedding(input_ids)
    token_embeddings = jnp.take(embedding_table, input_ids, axis=0)
    # return token_embeddings * math.sqrt(self._d_model)
    return token_embeddings * math.sqrt(D_MODEL)

if __name__ == "__main__":
    import jax
    _d = setup_inputs()
    print(jax.jit(kernel)(*tuple(_d.values())))

</pallas_src>

<mosaic_0001>
#map = affine_map<(d0, d1) -> (0)>
#map1 = affine_map<(d0, d1) -> (0, 0)>
module attributes {stable_mosaic.version = 14 : i64} {
  func.func @_gather_body(%arg0: i32, %arg1: i32, %arg2: memref<204800xi32, #tpu.memory_space<hbm>>, %arg3: memref<100000x64xf32, #tpu.memory_space<hbm>>, %arg4: memref<204800x128xf32, #tpu.memory_space<hbm>>, %arg5: memref<6400xi32, #tpu.memory_space<vmem>>, %arg6: memref<10x128x64xf32, #tpu.memory_space<vmem>>, %arg7: memref<10x!tpu.dma_semaphore, #tpu.memory_space<semaphore_mem>>, %arg8: memref<10x!tpu.dma_semaphore, #tpu.memory_space<semaphore_mem>>) attributes {dimension_semantics = [#tpu.dimension_semantics<core_parallel>, #tpu.dimension_semantics<subcore_parallel>], iteration_bounds = array<i64: 2, 16>, scalar_prefetch = 0 : i64, scratch_operands = 4 : i64, tpu.core_type = #tpu.core_type<sc_vector_subcore>, window_params = [{transform_indices = #map}, {transform_indices = #map1}, {transform_indices = #map1}]} {
    %mul3A = arith.constant 2 : i32
    %mul3A_0 = arith.muli %arg1, %mul3A : i32
    %add3A = arith.addi %mul3A_0, %arg0 : i32
    %mul3A_1 = arith.constant 50 : i32
    %mul3A_2 = arith.muli %add3A, %mul3A_1 : i32
    %mul3A_3 = arith.constant 128 : i32
    %mul3A_4 = arith.muli %mul3A_2, %mul3A_3 : i32
    "tpu.region"() ({
      %run_scoped3A = tpu.sem_alloc : memref<!tpu.dma_semaphore, #tpu.memory_space<semaphore_mem>>
      %dma_start3A_254 = tpu.memref_slice %arg2[%mul3A_4] : memref<204800xi32, #tpu.memory_space<hbm>> -> memref<6400xi32, #tpu.memory_space<hbm>>
      %dma_start3A_255 = tpu.memref_slice %arg2[%mul3A_4] : memref<204800xi32, #tpu.memory_space<hbm>> -> memref<6400xi32, #tpu.memory_space<hbm>>
      tpu.enqueue_dma source(%dma_start3A_255 : memref<6400xi32, #tpu.memory_space<hbm>>) target(%arg5 : memref<6400xi32, #tpu.memory_space<vmem>>) target_semaphore(%run_scoped3A : memref<!tpu.dma_semaphore, #tpu.memory_space<semaphore_mem>>)
      %dma_wait3A_256 = tpu.memref_slice %arg2[%mul3A_4] : memref<204800xi32, #tpu.memory_space<hbm>> -> memref<6400xi32, #tpu.memory_space<hbm>>
      %dma_wait3A_257 = tpu.memref_slice %arg2[%mul3A_4] : memref<204800xi32, #tpu.memory_space<hbm>> -> memref<6400xi32, #tpu.memory_space<hbm>>
      tpu.wait_dma2 semaphore(%run_scoped3A : memref<!tpu.dma_semaphore, #tpu.memory_space<semaphore_mem>>) src(%dma_wait3A_257 : memref<6400xi32, #tpu.memory_space<hbm>>) dst(%arg5 : memref<6400xi32, #tpu.memory_space<vmem>>)
      tpu.yield
    }) : () -> ()
    %dma_start3A = arith.constant 0 : i32
    %dma_start3A_5 = arith.constant 0 : i32
    %dma_start3A_6 = arith.constant 0 : i32
    %dma_start3A_7 = arith.constant 0 : i32
    %dma_start3A_8 = tpu.memref_slice %arg6[%dma_start3A, %dma_start3A_6, %dma_start3A_7] : memref<10x128x64xf32, #tpu.memory_space<vmem>> -> memref<1x128x64xf32, #tpu.memory_space<vmem>>
    %dma_start3A_9 = tpu.memref_squeeze %dma_start3A_8 : memref<1x128x64xf32, #tpu.memory_space<vmem>> -> memref<128x64xf32, #tpu.memory_space<vmem>>
    %dma_start3A_10 = arith.constant 0 : i32
    %dma_start3A_11 = tpu.memref_slice %arg5[%dma_start3A_10] : memref<6400xi32, #tpu.memory_space<vmem>> -> memref<128xi32, #tpu.memory_space<vmem>>
    %dma_start3A_12 = arith.constant 0 : i32
    %dma_start3A_13 = arith.constant 0 : i32
    %dma_start3A_14 = tpu.memref_slice %arg3[%dma_start3A_12, %dma_start3A_13] : memref<100000x64xf32, #tpu.memory_space<hbm>> -> memref<100000x64xf32, #tpu.memory_space<hbm>>
    %dma_start3A_15 = tpu.memref_slice %arg7[%dma_start3A_5] : memref<10x!tpu.dma_semaphore, #tpu.memory_space<semaphore_mem>> -> memref<1x!tpu.dma_semaphore, #tpu.memory_space<semaphore_mem>>
    %dma_start3A_16 = tpu.memref_squeeze %dma_start3A_15 : memref<1x!tpu.dma_semaphore, #tpu.memory_space<semaphore_mem>> -> memref<!tpu.dma_semaphore, #tpu.memory_space<semaphore_mem>>
    tpu.enqueue_indirect_dma source(%dma_start3A_14 : memref<100000x64xf32, #tpu.memory_space<hbm>>) target(%dma_start3A_9 : memref<128x64xf32, #tpu.memory_space<vmem>>) offsets(%dma_start3A_11 : memref<128xi32, #tpu.memory_space<vmem>>) semaphore(%dma_start3A_16 : memref<!tpu.dma_semaphore, #tpu.memory_space<semaphore_mem>>)
    %dma_start3A_17 = arith.constant 1 : i32
    %dma_start3A_18 = arith.constant 1 : i32
    %dma_start3A_19 = arith.constant 0 : i32
    %dma_start3A_20 = arith.constant 0 : i32
    %dma_start3A_21 = tpu.memref_slice %arg6[%dma_start3A_17, %dma_start3A_19, %dma_start3A_20] : memref<10x128x64xf32, #tpu.memory_space<vmem>> -> memref<1x128x64xf32, #tpu.memory_space<vmem>>
    %dma_start3A_22 = tpu.memref_squeeze %dma_start3A_21 : memref<1x128x64xf32, #tpu.memory_space<vmem>> -> memref<128x64xf32, #tpu.memory_space<vmem>>
    %dma_start3A_23 = arith.constant 128 : i32
    %dma_start3A_24 = tpu.memref_slice %arg5[%dma_start3A_23] : memref<6400xi32, #tpu.memory_space<vmem>> -> memref<128xi32, #tpu.memory_space<vmem>>
    %dma_start3A_25 = arith.constant 0 : i32
    %dma_start3A_26 = arith.constant 0 : i32
    %dma_start3A_27 = tpu.memref_slice %arg3[%dma_start3A_25, %dma_start3A_26] : memref<100000x64xf32, #tpu.memory_space<hbm>> -> memref<100000x64xf32, #tpu.memory_space<hbm>>
    %dma_start3A_28 = tpu.memref_slice %arg7[%dma_start3A_18] : memref<10x!tpu.dma_semaphore, #tpu.memory_space<semaphore_mem>> -> memref<1x!tpu.dma_semaphore, #tpu.memory_space<semaphore_mem>>
    %dma_start3A_29 = tpu.memref_squeeze %dma_start3A_28 : memref<1x!tpu.dma_semaphore, #tpu.memory_space<semaphore_mem>> -> memref<!tpu.dma_semaphore, #tpu.memory_space<semaphore_mem>>
    tpu.enqueue_indirect_dma source(%dma_start3A_27 : memref<100000x64xf32, #tpu.memory_space<hbm>>) target(%dma_start3A_22 : memref<128x64xf32, #tpu.memory_space<vmem>>) offsets(%dma_start3A_24 : memref<128xi32, #tpu.memory_space<vmem>>) semaphore(%dma_start3A_29 : memref<!tpu.dma_semaphore, #tpu.memory_space<semaphore_mem>>)
    %dma_start3A_30 = arith.constant 2 : i32
    %dma_start3A_31 = arith.constant 2 : i32
    %dma_start3A_32 = arith.constant 0 : i32
    %dma_start3A_33 = arith.constant 0 : i32
    %dma_start3A_34 = tpu.memref_slice %arg6[%dma_start3A_30, %dma_start3A_32, %dma_start3A_33] : memref<10x128x64xf32, #tpu.memory_space<vmem>> -> memref<1x128x64xf32, #tpu.memory_space<vmem>>
    %dma_start3A_35 = tpu.memref_squeeze %dma_start3A_34 : memref<1x128x64xf32, #tpu.memory_space<vmem>> -> memref<128x64xf32, #tpu.memory_space<vmem>>
    %dma_start3A_36 = arith.constant 256 : i32
    %dma_start3A_37 = tpu.memref_slice %arg5[%dma_start3A_36] : memref<6400xi32, #tpu.memory_space<vmem>> -> memref<128xi32, #tpu.memory_space<vmem>>
    %dma_start3A_38 = arith.constant 0 : i32
    %dma_start3A_39 = arith.constant 0 : i32
    %dma_start3A_40 = tpu.memref_slice %arg3[%dma_start3A_38, %dma_start3A_39] : memref<100000x64xf32, #tpu.memory_space<hbm>> -> memref<100000x64xf32, #tpu.memory_space<hbm>>
    %dma_start3A_41 = tpu.memref_slice %arg7[%dma_start3A_31] : memref<10x!tpu.dma_semaphore, #tpu.memory_space<semaphore_mem>> -> memref<1x!tpu.dma_semaphore, #tpu.memory_space<semaphore_mem>>
    %dma_start3A_42 = tpu.memref_squeeze %dma_start3A_41 : memref<1x!tpu.dma_semaphore, #tpu.memory_space<semaphore_mem>> -> memref<!tpu.dma_semaphore, #tpu.memory_space<semaphore_mem>>
    tpu.enqueue_indirect_dma source(%dma_start3A_40 : memref<100000x64xf32, #tpu.memory_space<hbm>>) target(%dma_start3A_35 : memref<128x64xf32, #tpu.memory_space<vmem>>) offsets(%dma_start3A_37 : memref<128xi32, #tpu.memory_space<vmem>>) semaphore(%dma_start3A_42 : memref<!tpu.dma_semaphore, #tpu.memory_space<semaphore_mem>>)
    %dma_start3A_43 = arith.constant 3 : i32
    %dma_start3A_44 = arith.constant 3 : i32
    %dma_start3A_45 = arith.constant 0 : i32
    %dma_start3A_46 = arith.constant 0 : i32
    %dma_start3A_47 = tpu.memref_slice %arg6[%dma_start3A_43, %dma_start3A_45, %dma_start3A_46] : memref<10x128x64xf32, #tpu.memory_space<vmem>> -> memref<1x128x64xf32, #tpu.memory_space<vmem>>
    %dma_start3A_48 = tpu.memref_squeeze %dma_start3A_47 : memref<1x128x64xf32, #tpu.memory_space<vmem>> -> memref<128x64xf32, #tpu.memory_space<vmem>>
    %dma_start3A_49 = arith.constant 384 : i32
    %dma_start3A_50 = tpu.memref_slice %arg5[%dma_start3A_49] : memref<6400xi32, #tpu.memory_space<vmem>> -> memref<128xi32, #tpu.memory_space<vmem>>
    %dma_start3A_51 = arith.constant 0 : i32
    %dma_start3A_52 = arith.constant 0 : i32
    %dma_start3A_53 = tpu.memref_slice %arg3[%dma_start3A_51, %dma_start3A_52] : memref<100000x64xf32, #tpu.memory_space<hbm>> -> memref<100000x64xf32, #tpu.memory_space<hbm>>
    %dma_start3A_54 = tpu.memref_slice %arg7[%dma_start3A_44] : memref<10x!tpu.dma_semaphore, #tpu.memory_space<semaphore_mem>> -> memref<1x!tpu.dma_semaphore, #tpu.memory_space<semaphore_mem>>
    %dma_start3A_55 = tpu.memref_squeeze %dma_start3A_54 : memref<1x!tpu.dma_semaphore, #tpu.memory_space<semaphore_mem>> -> memref<!tpu.dma_semaphore, #tpu.memory_space<semaphore_mem>>
    tpu.enqueue_indirect_dma source(%dma_start3A_53 : memref<100000x64xf32, #tpu.memory_space<hbm>>) target(%dma_start3A_48 : memref<128x64xf32, #tpu.memory_space<vmem>>) offsets(%dma_start3A_50 : memref<128xi32, #tpu.memory_space<vmem>>) semaphore(%dma_start3A_55 : memref<!tpu.dma_semaphore, #tpu.memory_space<semaphore_mem>>)
    %dma_start3A_56 = arith.constant 4 : i32
    %dma_start3A_57 = arith.constant 4 : i32
    %dma_start3A_58 = arith.constant 0 : i32
    %dma_start3A_59 = arith.constant 0 : i32
    %dma_start3A_60 = tpu.memref_slice %arg6[%dma_start3A_56, %dma_start3A_58, %dma_start3A_59] : memref<10x128x64xf32, #tpu.memory_space<vmem>> -> memref<1x128x64xf32, #tpu.memory_space<vmem>>
    %dma_start3A_61 = tpu.memref_squeeze %dma_start3A_60 : memref<1x128x64xf32, #tpu.memory_space<vmem>> -> memref<128x64xf32, #tpu.memory_space<vmem>>
    %dma_start3A_62 = arith.constant 512 : i32
    %dma_start3A_63 = tpu.memref_slice %arg5[%dma_start3A_62] : memref<6400xi32, #tpu.memory_space<vmem>> -> memref<128xi32, #tpu.memory_space<vmem>>
    %dma_start3A_64 = arith.constant 0 : i32
    %dma_start3A_65 = arith.constant 0 : i32
    %dma_start3A_66 = tpu.memref_slice %arg3[%dma_start3A_64, %dma_start3A_65] : memref<100000x64xf32, #tpu.memory_space<hbm>> -> memref<100000x64xf32, #tpu.memory_space<hbm>>
    %dma_start3A_67 = tpu.memref_slice %arg7[%dma_start3A_57] : memref<10x!tpu.dma_semaphore, #tpu.memory_space<semaphore_mem>> -> memref<1x!tpu.dma_semaphore, #tpu.memory_space<semaphore_mem>>
    %dma_start3A_68 = tpu.memref_squeeze %dma_start3A_67 : memref<1x!tpu.dma_semaphore, #tpu.memory_space<semaphore_mem>> -> memref<!tpu.dma_semaphore, #tpu.memory_space<semaphore_mem>>
    tpu.enqueue_indirect_dma source(%dma_start3A_66 : memref<100000x64xf32, #tpu.memory_space<hbm>>) target(%dma_start3A_61 : memref<128x64xf32, #tpu.memory_space<vmem>>) offsets(%dma_start3A_63 : memref<128xi32, #tpu.memory_space<vmem>>) semaphore(%dma_start3A_68 : memref<!tpu.dma_semaphore, #tpu.memory_space<semaphore_mem>>)
    %scan3A = arith.constant 0 : i32
    %scan3A_69 = arith.constant 0 : i32
    %scan3A_70 = arith.constant 5 : i32
    %scan3A_71 = arith.addi %scan3A_69, %scan3A_70 : i32
    %scan3A_72 = arith.constant 1 : i32
    %scan3A_73 = scf.for %scan3A_254 = %scan3A_69 to %scan3A_71 step %scan3A_72 iter_args(%scan3A_255 = %scan3A) -> (i32)  : i32 {
      %mul3A_256 = arith.constant 10 : i32
      %mul3A_257 = arith.muli %scan3A_254, %mul3A_256 : i32
      %add3A_258 = arith.constant 0 : i32
      %add3A_259 = arith.addi %mul3A_257, %add3A_258 : i32
      %dma_wait3A_260 = arith.constant 0 : i32
      %dma_wait3A_261 = arith.constant 0 : i32
      %dma_wait3A_262 = arith.constant 0 : i32
      %dma_wait3A_263 = arith.constant 0 : i32
      %dma_wait3A_264 = tpu.memref_slice %arg6[%dma_wait3A_260, %dma_wait3A_262, %dma_wait3A_263] : memref<10x128x64xf32, #tpu.memory_space<vmem>> -> memref<1x128x64xf32, #tpu.memory_space<vmem>>
      %dma_wait3A_265 = tpu.memref_squeeze %dma_wait3A_264 : memref<1x128x64xf32, #tpu.memory_space<vmem>> -> memref<128x64xf32, #tpu.memory_space<vmem>>
      %dma_wait3A_266 = arith.constant 0 : i32
      %dma_wait3A_267 = tpu.memref_slice %arg5[%dma_wait3A_266] : memref<6400xi32, #tpu.memory_space<vmem>> -> memref<128xi32, #tpu.memory_space<vmem>>
      %dma_wait3A_268 = arith.constant 0 : i32
      %dma_wait3A_269 = arith.constant 0 : i32
      %dma_wait3A_270 = tpu.memref_slice %arg3[%dma_wait3A_268, %dma_wait3A_269] : memref<100000x64xf32, #tpu.memory_space<hbm>> -> memref<100000x64xf32, #tpu.memory_space<hbm>>
      %dma_wait3A_271 = tpu.memref_slice %arg7[%dma_wait3A_261] : memref<10x!tpu.dma_semaphore, #tpu.memory_space<semaphore_mem>> -> memref<1x!tpu.dma_semaphore, #tpu.memory_space<semaphore_mem>>
      %dma_wait3A_272 = tpu.memref_squeeze %dma_wait3A_271 : memref<1x!tpu.dma_semaphore, #tpu.memory_space<semaphore_mem>> -> memref<!tpu.dma_semaphore, #tpu.memory_space<semaphore_mem>>
      tpu.wait_indirect_dma semaphore(%dma_wait3A_272 : memref<!tpu.dma_semaphore, #tpu.memory_space<semaphore_mem>>) src(%dma_wait3A_270 : memref<100000x64xf32, #tpu.memory_space<hbm>>) dst(%dma_wait3A_265 : memref<128x64xf32, #tpu.memory_space<vmem>>)
      %add3A_273 = arith.addi %mul3A_2, %add3A_259 : i32
      %jit3A = arith.constant 64 : i32
      %div3A = arith.divsi %add3A_273, %jit3A : i32
      %sign3A = arith.constant 0 : i32
      %sign3A_274 = arith.cmpi sgt, %add3A_273, %sign3A : i32
      %sign3A_275 = arith.extui %sign3A_274 : i1 to i32
      %sign3A_276 = arith.constant 0 : i32
      %sign3A_277 = arith.cmpi slt, %add3A_273, %sign3A_276 : i32
      %sign3A_278 = arith.extui %sign3A_277 : i1 to i32
      %sign3A_279 = arith.subi %sign3A_275, %sign3A_278 : i32
      %sign3A_280 = arith.constant 0 : i32
      %sign3A_281 = arith.cmpi sgt, %jit3A, %sign3A_280 : i32
      %sign3A_282 = arith.extui %sign3A_281 : i1 to i32
      %sign3A_283 = arith.constant 0 : i32
      %sign3A_284 = arith.cmpi slt, %jit3A, %sign3A_283 : i32
      %sign3A_285 = arith.extui %sign3A_284 : i1 to i32
      %sign3A_286 = arith.subi %sign3A_282, %sign3A_285 : i32
      %ne3A = arith.cmpi ne, %sign3A_279, %sign3A_286 : i32
      %rem3A = arith.remsi %add3A_273, %jit3A : i32
      %ne3A_287 = arith.constant 0 : i32
      %ne3A_288 = arith.cmpi ne, %rem3A, %ne3A_287 : i32
      %and3A = arith.andi %ne3A, %ne3A_288 : i1
      %sub3A = arith.constant 1 : i32
      %sub3A_289 = arith.subi %div3A, %sub3A : i32
      %select_n3A = arith.select %and3A, %sub3A_289, %div3A : i32
      %rem3A_290 = arith.constant 64 : i32
      %rem3A_291 = arith.remsi %add3A_273, %rem3A_290 : i32
      %jit3A_292 = arith.constant 8 : i32
      %div3A_293 = arith.divsi %rem3A_291, %jit3A_292 : i32
      %sign3A_294 = arith.constant 0 : i32
      %sign3A_295 = arith.cmpi sgt, %rem3A_291, %sign3A_294 : i32
      %sign3A_296 = arith.extui %sign3A_295 : i1 to i32
      %sign3A_297 = arith.constant 0 : i32
      %sign3A_298 = arith.cmpi slt, %rem3A_291, %sign3A_297 : i32
      %sign3A_299 = arith.extui %sign3A_298 : i1 to i32
      %sign3A_300 = arith.subi %sign3A_296, %sign3A_299 : i32
      %sign3A_301 = arith.constant 0 : i32
      %sign3A_302 = arith.cmpi sgt, %jit3A_292, %sign3A_301 : i32
      %sign3A_303 = arith.extui %sign3A_302 : i1 to i32
      %sign3A_304 = arith.constant 0 : i32
      %sign3A_305 = arith.cmpi slt, %jit3A_292, %sign3A_304 : i32
      %sign3A_306 = arith.extui %sign3A_305 : i1 to i32
      %sign3A_307 = arith.subi %sign3A_303, %sign3A_306 : i32
      %ne3A_308 = arith.cmpi ne, %sign3A_300, %sign3A_307 : i32
      %rem3A_309 = arith.remsi %rem3A_291, %jit3A_292 : i32
      %ne3A_310 = arith.constant 0 : i32
      %ne3A_311 = arith.cmpi ne, %rem3A_309, %ne3A_310 : i32
      %and3A_312 = arith.andi %ne3A_308, %ne3A_311 : i1
      %sub3A_313 = arith.constant 1 : i32
      %sub3A_314 = arith.subi %div3A_293, %sub3A_313 : i32
      %select_n3A_315 = arith.select %and3A_312, %sub3A_314, %div3A_293 : i32
      %rem3A_316 = arith.constant 8 : i32
      %rem3A_317 = arith.remsi %add3A_273, %rem3A_316 : i32
      %mul3A_318 = arith.constant 8192 : i32
      %mul3A_319 = arith.muli %select_n3A, %mul3A_318 : i32
      %mul3A_320 = arith.constant 1024 : i32
      %mul3A_321 = arith.muli %rem3A_317, %mul3A_320 : i32
      %add3A_322 = arith.addi %mul3A_319, %mul3A_321 : i32
      %mul3A_323 = arith.constant 128 : i32
      %mul3A_324 = arith.muli %select_n3A_315, %mul3A_323 : i32
      %add3A_325 = arith.addi %add3A_322, %mul3A_324 : i32
      %dma_start3A_326 = arith.constant 0 : i32
      %dma_start3A_327 = arith.constant 0 : i32
      %dma_start3A_328 = arith.constant 0 : i32
      %dma_start3A_329 = arith.constant 0 : i32
      %dma_start3A_330 = tpu.memref_slice %arg6[%dma_start3A_326, %dma_start3A_328, %dma_start3A_329] : memref<10x128x64xf32, #tpu.memory_space<vmem>> -> memref<1x128x64xf32, #tpu.memory_space<vmem>>
      %dma_start3A_331 = tpu.memref_squeeze %dma_start3A_330 : memref<1x128x64xf32, #tpu.memory_space<vmem>> -> memref<128x64xf32, #tpu.memory_space<vmem>>
      %dma_start3A_332 = arith.constant 0 : i32
      %dma_start3A_333 = tpu.memref_slice %arg4[%add3A_325, %dma_start3A_332] : memref<204800x128xf32, #tpu.memory_space<hbm>> -> memref<128x64xf32, #tpu.memory_space<hbm>>
      %dma_start3A_334 = tpu.memref_slice %arg8[%dma_start3A_327] : memref<10x!tpu.dma_semaphore, #tpu.memory_space<semaphore_mem>> -> memref<1x!tpu.dma_semaphore, #tpu.memory_space<semaphore_mem>>
      %dma_start3A_335 = tpu.memref_squeeze %dma_start3A_334 : memref<1x!tpu.dma_semaphore, #tpu.memory_space<semaphore_mem>> -> memref<!tpu.dma_semaphore, #tpu.memory_space<semaphore_mem>>
      %dma_start3A_336 = arith.constant 0 : i32
      %dma_start3A_337 = tpu.memref_slice %arg4[%add3A_325, %dma_start3A_336] : memref<204800x128xf32, #tpu.memory_space<hbm>> -> memref<128x64xf32, #tpu.memory_space<hbm>>
      %dma_start3A_338 = arith.constant 0 : i32
      %dma_start3A_339 = arith.constant 0 : i32
      %dma_start3A_340 = tpu.memref_slice %arg6[%dma_start3A_326, %dma_start3A_338, %dma_start3A_339] : memref<10x128x64xf32, #tpu.memory_space<vmem>> -> memref<1x128x64xf32, #tpu.memory_space<vmem>>
      %dma_start3A_341 = tpu.memref_squeeze %dma_start3A_340 : memref<1x128x64xf32, #tpu.memory_space<vmem>> -> memref<128x64xf32, #tpu.memory_space<vmem>>
      tpu.enqueue_dma source(%dma_start3A_341 : memref<128x64xf32, #tpu.memory_space<vmem>>) target(%dma_start3A_337 : memref<128x64xf32, #tpu.memory_space<hbm>>) target_semaphore(%dma_start3A_335 : memref<!tpu.dma_semaphore, #tpu.memory_space<semaphore_mem>>)
      %gt3A = arith.constant 0 : i32
      %gt3A_342 = arith.cmpi sgt, %scan3A_254, %gt3A : i32
      %convert_element_type3A = arith.extui %gt3A_342 : i1 to i32
      %cond3A = arith.constant 0 : i32
      %cond3A_343 = arith.cmpi ne, %convert_element_type3A, %cond3A : i32
      scf.if %cond3A_343 {
        %dma_wait3A_1315 = arith.constant 5 : i32
        %dma_wait3A_1316 = arith.constant 5 : i32
        %dma_wait3A_1317 = arith.constant 0 : i32
        %dma_wait3A_1318 = arith.constant 0 : i32
        %dma_wait3A_1319 = tpu.memref_slice %arg6[%dma_wait3A_1315, %dma_wait3A_1317, %dma_wait3A_1318] : memref<10x128x64xf32, #tpu.memory_space<vmem>> -> memref<1x128x64xf32, #tpu.memory_space<vmem>>
        %dma_wait3A_1320 = tpu.memref_squeeze %dma_wait3A_1319 : memref<1x128x64xf32, #tpu.memory_space<vmem>> -> memref<128x64xf32, #tpu.memory_space<vmem>>
        %dma_wait3A_1321 = arith.constant 0 : i32
        %dma_wait3A_1322 = arith.constant 0 : i32
        %dma_wait3A_1323 = tpu.memref_slice %arg4[%dma_wait3A_1321, %dma_wait3A_1322] : memref<204800x128xf32, #tpu.memory_space<hbm>> -> memref<128x64xf32, #tpu.memory_space<hbm>>
        %dma_wait3A_1324 = tpu.memref_slice %arg8[%dma_wait3A_1316] : memref<10x!tpu.dma_semaphore, #tpu.memory_space<semaphore_mem>> -> memref<1x!tpu.dma_semaphore, #tpu.memory_space<semaphore_mem>>
        %dma_wait3A_1325 = tpu.memref_squeeze %dma_wait3A_1324 : memref<1x!tpu.dma_semaphore, #tpu.memory_space<semaphore_mem>> -> memref<!tpu.dma_semaphore, #tpu.memory_space<semaphore_mem>>
        %dma_wait3A_1326 = arith.constant 0 : i32
        %dma_wait3A_1327 = arith.constant 0 : i32
        %dma_wait3A_1328 = tpu.memref_slice %arg4[%dma_wait3A_1326, %dma_wait3A_1327] : memref<204800x128xf32, #tpu.memory_space<hbm>> -> memref<128x64xf32, #tpu.memory_space<hbm>>
        %dma_wait3A_1329 = arith.constant 0 : i32
        %dma_wait3A_1330 = arith.constant 0 : i32
        %dma_wait3A_1331 = tpu.memref_slice %arg6[%dma_wait3A_1315, %dma_wait3A_1329, %dma_wait3A_1330] : memref<10x128x64xf32, #tpu.memory_space<vmem>> -> memref<1x128x64xf32, #tpu.memory_space<vmem>>
        %dma_wait3A_1332 = tpu.memref_squeeze %dma_wait3A_1331 : memref<1x128x64xf32, #tpu.memory_space<vmem>> -> memref<128x64xf32, #tpu.memory_space<vmem>>
        tpu.wait_dma2 semaphore(%dma_wait3A_1325 : memref<!tpu.dma_semaphore, #tpu.memory_space<semaphore_mem>>) src(%dma_wait3A_1332 : memref<128x64xf32, #tpu.memory_space<vmem>>) dst(%dma_wait3A_1328 : memref<128x64xf32, #tpu.memory_space<hbm>>)
      } else {
      }
      %add3A_344 = arith.constant 5 : i32
      %add3A_345 = arith.addi %add3A_259, %add3A_344 : i32
      %mul3A_346 = arith.constant 128 : i32
      %mul3A_347 = arith.muli %add3A_345, %mul3A_346 : i32
      %dma_start3A_348 = arith.constant 5 : i32
      %dma_start3A_349 = arith.constant 5 : i32
      %dma_start3A_350 = arith.constant 0 : i32
      %dma_start3A_351 = arith.constant 0 : i32
      %dma_start3A_352 = tpu.memref_slice %arg6[%dma_start3A_348, %dma_start3A_350, %dma_start3A_351] : memref<10x128x64xf32, #tpu.memory_space<vmem>> -> memref<1x128x64xf32, #tpu.memory_space<vmem>>
      %dma_start3A_353 = tpu.memref_squeeze %dma_start3A_352 : memref<1x128x64xf32, #tpu.memory_space<vmem>> -> memref<128x64xf32, #tpu.memory_space<vmem>>
      %dma_start3A_354 = tpu.memref_slice %arg5[%mul3A_347] : memref<6400xi32, #tpu.memory_space<vmem>> -> memref<128xi32, #tpu.memory_space<vmem>>
      %dma_start3A_355 = arith.constant 0 : i32
      %dma_start3A_356 = arith.constant 0 : i32
      %dma_start3A_357 = tpu.memref_slice %arg3[%dma_start3A_355, %dma_start3A_356] : memref<100000x64xf32, #tpu.memory_space<hbm>> -> memref<100000x64xf32, #tpu.memory_space<hbm>>
      %dma_start3A_358 = tpu.memref_slice %arg7[%dma_start3A_349] : memref<10x!tpu.dma_semaphore, #tpu.memory_space<semaphore_mem>> -> memref<1x!tpu.dma_semaphore, #tpu.memory_space<semaphore_mem>>
      %dma_start3A_359 = tpu.memref_squeeze %dma_start3A_358 : memref<1x!tpu.dma_semaphore, #tpu.memory_space<semaphore_mem>> -> memref<!tpu.dma_semaphore, #tpu.memory_space<semaphore_mem>>
      tpu.enqueue_indirect_dma source(%dma_start3A_357 : memref<100000x64xf32, #tpu.memory_space<hbm>>) target(%dma_start3A_353 : memref<128x64xf32, #tpu.memory_space<vmem>>) offsets(%dma_start3A_354 : memref<128xi32, #tpu.memory_space<vmem>>) semaphore(%dma_start3A_359 : memref<!tpu.dma_semaphore, #tpu.memory_space<semaphore_mem>>)
      %mul3A_360 = arith.constant 10 : i32
      %mul3A_361 = arith.muli %scan3A_254, %mul3A_360 : i32
      %add3A_362 = arith.constant 1 : i32
      %add3A_363 = arith.addi %mul3A_361, %add3A_362 : i32
      %dma_wait3A_364 = arith.constant 1 : i32
      %dma_wait3A_365 = arith.constant 1 : i32
      %dma_wait3A_366 = arith.constant 0 : i32
      %dma_wait3A_367 = arith.constant 0 : i32
      %dma_wait3A_368 = tpu.memref_slice %arg6[%dma_wait3A_364, %dma_wait3A_366, %dma_wait3A_367] : memref<10x128x64xf32, #tpu.memory_space<vmem>> -> memref<1x128x64xf32, #tpu.memory_space<vmem>>
      %dma_wait3A_369 = tpu.memref_squeeze %dma_wait3A_368 : memref<1x128x64xf32, #tpu.memory_space<vmem>> -> memref<128x64xf32, #tpu.memory_space<vmem>>
      %dma_wait3A_370 = arith.constant 0 : i32
      %dma_wait3A_371 = tpu.memref_slice %arg5[%dma_wait3A_370] : memref<6400xi32, #tpu.memory_space<vmem>> -> memref<128xi32, #tpu.memory_space<vmem>>
      %dma_wait3A_372 = arith.constant 0 : i32
      %dma_wait3A_373 = arith.constant 0 : i32
      %dma_wait3A_374 = tpu.memref_slice %arg3[%dma_wait3A_372, %dma_wait3A_373] : memref<100000x64xf32, #tpu.memory_space<hbm>> -> memref<100000x64xf32, #tpu.memory_space<hbm>>
      %dma_wait3A_375 = tpu.memref_slice %arg7[%dma_wait3A_365] : memref<10x!tpu.dma_semaphore, #tpu.memory_space<semaphore_mem>> -> memref<1x!tpu.dma_semaphore, #tpu.memory_space<semaphore_mem>>
      %dma_wait3A_376 = tpu.memref_squeeze %dma_wait3A_375 : memref<1x!tpu.dma_semaphore, #tpu.memory_space<semaphore_mem>> -> memref<!tpu.dma_semaphore, #tpu.memory_space<semaphore_mem>>
      tpu.wait_indirect_dma semaphore(%dma_wait3A_376 : memref<!tpu.dma_semaphore, #tpu.memory_space<semaphore_mem>>) src(%dma_wait3A_374 : memref<100000x64xf32, #tpu.memory_space<hbm>>) dst(%dma_wait3A_369 : memref<128x64xf32, #tpu.memory_space<vmem>>)
      %add3A_377 = arith.addi %mul3A_2, %add3A_363 : i32
      %jit3A_378 = arith.constant 64 : i32
      %div3A_379 = arith.divsi %add3A_377, %jit3A_378 : i32
      %sign3A_380 = arith.constant 0 : i32
      %sign3A_381 = arith.cmpi sgt, %add3A_377, %sign3A_380 : i32
      %sign3A_382 = arith.extui %sign3A_381 : i1 to i32
      %sign3A_383 = arith.constant 0 : i32
      %sign3A_384 = arith.cmpi slt, %add3A_377, %sign3A_383 : i32
      %sign3A_385 = arith.extui %sign3A_384 : i1 to i32
      %sign3A_386 = arith.subi %sign3A_382, %sign3A_385 : i32
      %sign3A_387 = arith.constant 0 : i32
      %sign3A_388 = arith.cmpi sgt, %jit3A_378, %sign3A_387 : i32
      %sign3A_389 = arith.extui %sign3A_388 : i1 to i32
      %sign3A_390 = arith.constant 0 : i32
      %sign3A_391 = arith.cmpi slt, %jit3A_378, %sign3A_390 : i32
      %sign3A_392 = arith.extui %sign3A_391 : i1 to i32
      %sign3A_393 = arith.subi %sign3A_389, %sign3A_392 : i32
      %ne3A_394 = arith.cmpi ne, %sign3A_386, %sign3A_393 : i32
      %rem3A_395 = arith.remsi %add3A_377, %jit3A_378 : i32
      %ne3A_396 = arith.constant 0 : i32
      %ne3A_397 = arith.cmpi ne, %rem3A_395, %ne3A_396 : i32
      %and3A_398 = arith.andi %ne3A_394, %ne3A_397 : i1
      %sub3A_399 = arith.constant 1 : i32
      %sub3A_400 = arith.subi %div3A_379, %sub3A_399 : i32
      %select_n3A_401 = arith.select %and3A_398, %sub3A_400, %div3A_379 : i32
      %rem3A_402 = arith.constant 64 : i32
      %rem3A_403 = arith.remsi %add3A_377, %rem3A_402 : i32
      %jit3A_404 = arith.constant 8 : i32
      %div3A_405 = arith.divsi %rem3A_403, %jit3A_404 : i32
      %sign3A_406 = arith.constant 0 : i32
      %sign3A_407 = arith.cmpi sgt, %rem3A_403, %sign3A_406 : i32
      %sign3A_408 = arith.extui %sign3A_407 : i1 to i32
      %sign3A_409 = arith.constant 0 : i32
      %sign3A_410 = arith.cmpi slt, %rem3A_403, %sign3A_409 : i32
      %sign3A_411 = arith.extui %sign3A_410 : i1 to i32
      %sign3A_412 = arith.subi %sign3A_408, %sign3A_411 : i32
      %sign3A_413 = arith.constant 0 : i32
      %sign3A_414 = arith.cmpi sgt, %jit3A_404, %sign3A_413 : i32
      %sign3A_415 = arith.extui %sign3A_414 : i1 to i32
      %sign3A_416 = arith.constant 0 : i32
      %sign3A_417 = arith.cmpi slt, %jit3A_404, %sign3A_416 : i32
      %sign3A_418 = arith.extui %sign3A_417 : i1 to i32
      %sign3A_419 = arith.subi %sign3A_415, %sign3A_418 : i32
      %ne3A_420 = arith.cmpi ne, %sign3A_412, %sign3A_419 : i32
      %rem3A_421 = arith.remsi %rem3A_403, %jit3A_404 : i32
      %ne3A_422 = arith.constant 0 : i32
      %ne3A_423 = arith.cmpi ne, %rem3A_421, %ne3A_422 : i32
      %and3A_424 = arith.andi %ne3A_420, %ne3A_423 : i1
      %sub3A_425 = arith.constant 1 : i32
      %sub3A_426 = arith.subi %div3A_405, %sub3A_425 : i32
      %select_n3A_427 = arith.select %and3A_424, %sub3A_426, %div3A_405 : i32
      %rem3A_428 = arith.constant 8 : i32
      %rem3A_429 = arith.remsi %add3A_377, %rem3A_428 : i32
      %mul3A_430 = arith.constant 8192 : i32
      %mul3A_431 = arith.muli %select_n3A_401, %mul3A_430 : i32
      %mul3A_432 = arith.constant 1024 : i32
      %mul3A_433 = arith.muli %rem3A_429, %mul3A_432 : i32
      %add3A_434 = arith.addi %mul3A_431, %mul3A_433 : i32
      %mul3A_435 = arith.constant 128 : i32
      %mul3A_436 = arith.muli %select_n3A_427, %mul3A_435 : i32
      %add3A_437 = arith.addi %add3A_434, %mul3A_436 : i32
      %dma_start3A_438 = arith.constant 1 : i32
      %dma_start3A_439 = arith.constant 1 : i32
      %dma_start3A_440 = arith.constant 0 : i32
      %dma_start3A_441 = arith.constant 0 : i32
      %dma_start3A_442 = tpu.memref_slice %arg6[%dma_start3A_438, %dma_start3A_440, %dma_start3A_441] : memref<10x128x64xf32, #tpu.memory_space<vmem>> -> memref<1x128x64xf32, #tpu.memory_space<vmem>>
      %dma_start3A_443 = tpu.memref_squeeze %dma_start3A_442 : memref<1x128x64xf32, #tpu.memory_space<vmem>> -> memref<128x64xf32, #tpu.memory_space<vmem>>
      %dma_start3A_444 = arith.constant 0 : i32
      %dma_start3A_445 = tpu.memref_slice %arg4[%add3A_437, %dma_start3A_444] : memref<204800x128xf32, #tpu.memory_space<hbm>> -> memref<128x64xf32, #tpu.memory_space<hbm>>
      %dma_start3A_446 = tpu.memref_slice %arg8[%dma_start3A_439] : memref<10x!tpu.dma_semaphore, #tpu.memory_space<semaphore_mem>> -> memref<1x!tpu.dma_semaphore, #tpu.memory_space<semaphore_mem>>
      %dma_start3A_447 = tpu.memref_squeeze %dma_start3A_446 : memref<1x!tpu.dma_semaphore, #tpu.memory_space<semaphore_mem>> -> memref<!tpu.dma_semaphore, #tpu.memory_space<semaphore_mem>>
      %dma_start3A_448 = arith.constant 0 : i32
      %dma_start3A_449 = tpu.memref_slice %arg4[%add3A_437, %dma_start3A_448] : memref<204800x128xf32, #tpu.memory_space<hbm>> -> memref<128x64xf32, #tpu.memory_space<hbm>>
      %dma_start3A_450 = arith.constant 0 : i32
      %dma_start3A_451 = arith.constant 0 : i32
      %dma_start3A_452 = tpu.memref_slice %arg6[%dma_start3A_438, %dma_start3A_450, %dma_start3A_451] : memref<10x128x64xf32, #tpu.memory_space<vmem>> -> memref<1x128x64xf32, #tpu.memory_space<vmem>>
      %dma_start3A_453 = tpu.memref_squeeze %dma_start3A_452 : memref<1x128x64xf32, #tpu.memory_space<vmem>> -> memref<128x64xf32, #tpu.memory_space<vmem>>
      tpu.enqueue_dma source(%dma_start3A_453 : memref<128x64xf32, #tpu.memory_space<vmem>>) target(%dma_start3A_449 : memref<128x64xf32, #tpu.memory_space<hbm>>) target_semaphore(%dma_start3A_447 : memref<!tpu.dma_semaphore, #tpu.memory_space<semaphore_mem>>)
      %gt3A_454 = arith.constant 0 : i32
      %gt3A_455 = arith.cmpi sgt, %scan3A_254, %gt3A_454 : i32
      %convert_element_type3A_456 = arith.extui %gt3A_455 : i1 to i32
      %cond3A_457 = arith.constant 0 : i32
      %cond3A_458 = arith.cmpi ne, %convert_element_type3A_456, %cond3A_457 : i32
      scf.if %cond3A_458 {
        %dma_wait3A_1315 = arith.constant 6 : i32
        %dma_wait3A_1316 = arith.constant 6 : i32
        %dma_wait3A_1317 = arith.constant 0 : i32
        %dma_wait3A_1318 = arith.constant 0 : i32
        %dma_wait3A_1319 = tpu.memref_slice %arg6[%dma_wait3A_1315, %dma_wait3A_1317, %dma_wait3A_1318] : memref<10x128x64xf32, #tpu.memory_space<vmem>> -> memref<1x128x64xf32, #tpu.memory_space<vmem>>
        %dma_wait3A_1320 = tpu.memref_squeeze %dma_wait3A_1319 : memref<1x128x64xf32, #tpu.memory_space<vmem>> -> memref<128x64xf32, #tpu.memory_space<vmem>>
        %dma_wait3A_1321 = arith.constant 0 : i32
        %dma_wait3A_1322 = arith.constant 0 : i32
        %dma_wait3A_1323 = tpu.memref_slice %arg4[%dma_wait3A_1321, %dma_wait3A_1322] : memref<204800x128xf32, #tpu.memory_space<hbm>> -> memref<128x64xf32, #tpu.memory_space<hbm>>
        %dma_wait3A_1324 = tpu.memref_slice %arg8[%dma_wait3A_1316] : memref<10x!tpu.dma_semaphore, #tpu.memory_space<semaphore_mem>> -> memref<1x!tpu.dma_semaphore, #tpu.memory_space<semaphore_mem>>
        %dma_wait3A_1325 = tpu.memref_squeeze %dma_wait3A_1324 : memref<1x!tpu.dma_semaphore, #tpu.memory_space<semaphore_mem>> -> memref<!tpu.dma_semaphore, #tpu.memory_space<semaphore_mem>>
        %dma_wait3A_1326 = arith.constant 0 : i32
        %dma_wait3A_1327 = arith.constant 0 : i32
        %dma_wait3A_1328 = tpu.memref_slice %arg4[%dma_wait3A_1326, %dma_wait3A_1327] : memref<204800x128xf32, #tpu.memory_space<hbm>> -> memref<128x64xf32, #tpu.memory_space<hbm>>
        %dma_wait3A_1329 = arith.constant 0 : i32
        %dma_wait3A_1330 = arith.constant 0 : i32
        %dma_wait3A_1331 = tpu.memref_slice %arg6[%dma_wait3A_1315, %dma_wait3A_1329, %dma_wait3A_1330] : memref<10x128x64xf32, #tpu.memory_space<vmem>> -> memref<1x128x64xf32, #tpu.memory_space<vmem>>
        %dma_wait3A_1332 = tpu.memref_squeeze %dma_wait3A_1331 : memref<1x128x64xf32, #tpu.memory_space<vmem>> -> memref<128x64xf32, #tpu.memory_space<vmem>>
        tpu.wait_dma2 semaphore(%dma_wait3A_1325 : memref<!tpu.dma_semaphore, #tpu.memory_space<semaphore_mem>>) src(%dma_wait3A_1332 : memref<128x64xf32, #tpu.memory_space<vmem>>) dst(%dma_wait3A_1328 : memref<128x64xf32, #tpu.memory_space<hbm>>)
      } else {
      }
      %add3A_459 = arith.constant 5 : i32
      %add3A_460 = arith.addi %add3A_363, %add3A_459 : i32
      %mul3A_461 = arith.constant 128 : i32
      %mul3A_462 = arith.muli %add3A_460, %mul3A_461 : i32
      %dma_start3A_463 = arith.constant 6 : i32
      %dma_start3A_464 = arith.constant 6 : i32
      %dma_start3A_465 = arith.constant 0 : i32
      %dma_start3A_466 = arith.constant 0 : i32
      %dma_start3A_467 = tpu.memref_slice %arg6[%dma_start3A_463, %dma_start3A_465, %dma_start3A_466] : memref<10x128x64xf32, #tpu.memory_space<vmem>> -> memref<1x128x64xf32, #tpu.memory_space<vmem>>
      %dma_start3A_468 = tpu.memref_squeeze %dma_start3A_467 : memref<1x128x64xf32, #tpu.memory_space<vmem>> -> memref<128x64xf32, #tpu.memory_space<vmem>>
      %dma_start3A_469 = tpu.memref_slice %arg5[%mul3A_462] : memref<6400xi32, #tpu.memory_space<vmem>> -> memref<128xi32, #tpu.memory_space<vmem>>
      %dma_start3A_470 = arith.constant 0 : i32
      %dma_start3A_471 = arith.constant 0 : i32
      %dma_start3A_472 = tpu.memref_slice %arg3[%dma_start3A_470, %dma_start3A_471] : memref<100000x64xf32, #tpu.memory_space<hbm>> -> memref<100000x64xf32, #tpu.memory_space<hbm>>
      %dma_start3A_473 = tpu.memref_slice %arg7[%dma_start3A_464] : memref<10x!tpu.dma_semaphore, #tpu.memory_space<semaphore_mem>> -> memref<1x!tpu.dma_semaphore, #tpu.memory_space<semaphore_mem>>
      %dma_start3A_474 = tpu.memref_squeeze %dma_start3A_473 : memref<1x!tpu.dma_semaphore, #tpu.memory_space<semaphore_mem>> -> memref<!tpu.dma_semaphore, #tpu.memory_space<semaphore_mem>>
      tpu.enqueue_indirect_dma source(%dma_start3A_472 : memref<100000x64xf32, #tpu.memory_space<hbm>>) target(%dma_start3A_468 : memref<128x64xf32, #tpu.memory_space<vmem>>) offsets(%dma_start3A_469 : memref<128xi32, #tpu.memory_space<vmem>>) semaphore(%dma_start3A_474 : memref<!tpu.dma_semaphore, #tpu.memory_space<semaphore_mem>>)
      %mul3A_475 = arith.constant 10 : i32
      %mul3A_476 = arith.muli %scan3A_254, %mul3A_475 : i32
      %add3A_477 = arith.constant 2 : i32
      %add3A_478 = arith.addi %mul3A_476, %add3A_477 : i32
      %dma_wait3A_479 = arith.constant 2 : i32
      %dma_wait3A_480 = arith.constant 2 : i32
      %dma_wait3A_481 = arith.constant 0 : i32
      %dma_wait3A_482 = arith.constant 0 : i32
      %dma_wait3A_483 = tpu.memref_slice %arg6[%dma_wait3A_479, %dma_wait3A_481, %dma_wait3A_482] : memref<10x128x64xf32, #tpu.memory_space<vmem>> -> memref<1x128x64xf32, #tpu.memory_space<vmem>>
      %dma_wait3A_484 = tpu.memref_squeeze %dma_wait3A_483 : memref<1x128x64xf32, #tpu.memory_space<vmem>> -> memref<128x64xf32, #tpu.memory_space<vmem>>
      %dma_wait3A_485 = arith.constant 0 : i32
      %dma_wait3A_486 = tpu.memref_slice %arg5[%dma_wait3A_485] : memref<6400xi32, #tpu.memory_space<vmem>> -> memref<128xi32, #tpu.memory_space<vmem>>
      %dma_wait3A_487 = arith.constant 0 : i32
      %dma_wait3A_488 = arith.constant 0 : i32
      %dma_wait3A_489 = tpu.memref_slice %arg3[%dma_wait3A_487, %dma_wait3A_488] : memref<100000x64xf32, #tpu.memory_space<hbm>> -> memref<100000x64xf32, #tpu.memory_space<hbm>>
      %dma_wait3A_490 = tpu.memref_slice %arg7[%dma_wait3A_480] : memref<10x!tpu.dma_semaphore, #tpu.memory_space<semaphore_mem>> -> memref<1x!tpu.dma_semaphore, #tpu.memory_space<semaphore_mem>>
      %dma_wait3A_491 = tpu.memref_squeeze %dma_wait3A_490 : memref<1x!tpu.dma_semaphore, #tpu.memory_space<semaphore_mem>> -> memref<!tpu.dma_semaphore, #tpu.memory_space<semaphore_mem>>
      tpu.wait_indirect_dma semaphore(%dma_wait3A_491 : memref<!tpu.dma_semaphore, #tpu.memory_space<semaphore_mem>>) src(%dma_wait3A_489 : memref<100000x64xf32, #tpu.memory_space<hbm>>) dst(%dma_wait3A_484 : memref<128x64xf32, #tpu.memory_space<vmem>>)
      %add3A_492 = arith.addi %mul3A_2, %add3A_478 : i32
      %jit3A_493 = arith.constant 64 : i32
      %div3A_494 = arith.divsi %add3A_492, %jit3A_493 : i32
      %sign3A_495 = arith.constant 0 : i32
      %sign3A_496 = arith.cmpi sgt, %add3A_492, %sign3A_495 : i32
      %sign3A_497 = arith.extui %sign3A_496 : i1 to i32
      %sign3A_498 = arith.constant 0 : i32
      %sign3A_499 = arith.cmpi slt, %add3A_492, %sign3A_498 : i32
      %sign3A_500 = arith.extui %sign3A_499 : i1 to i32
      %sign3A_501 = arith.subi %sign3A_497, %sign3A_500 : i32
      %sign3A_502 = arith.constant 0 : i32
      %sign3A_503 = arith.cmpi sgt, %jit3A_493, %sign3A_502 : i32
      %sign3A_504 = arith.extui %sign3A_503 : i1 to i32
      %sign3A_505 = arith.constant 0 : i32
      %sign3A_506 = arith.cmpi slt, %jit3A_493, %sign3A_505 : i32
      %sign3A_507 = arith.extui %sign3A_506 : i1 to i32
      %sign3A_508 = arith.subi %sign3A_504, %sign3A_507 : i32
      %ne3A_509 = arith.cmpi ne, %sign3A_501, %sign3A_508 : i32
      %rem3A_510 = arith.remsi %add3A_492, %jit3A_493 : i32
      %ne3A_511 = arith.constant 0 : i32
      %ne3A_512 = arith.cmpi ne, %rem3A_510, %ne3A_511 : i32
      %and3A_513 = arith.andi %ne3A_509, %ne3A_512 : i1
      %sub3A_514 = arith.constant 1 : i32
      %sub3A_515 = arith.subi %div3A_494, %sub3A_514 : i32
      %select_n3A_516 = arith.select %and3A_513, %sub3A_515, %div3A_494 : i32
      %rem3A_517 = arith.constant 64 : i32
      %rem3A_518 = arith.remsi %add3A_492, %rem3A_517 : i32
      %jit3A_519 = arith.constant 8 : i32
      %div3A_520 = arith.divsi %rem3A_518, %jit3A_519 : i32
      %sign3A_521 = arith.constant 0 : i32
      %sign3A_522 = arith.cmpi sgt, %rem3A_518, %sign3A_521 : i32
      %sign3A_523 = arith.extui %sign3A_522 : i1 to i32
      %sign3A_524 = arith.constant 0 : i32
      %sign3A_525 = arith.cmpi slt, %rem3A_518, %sign3A_524 : i32
      %sign3A_526 = arith.extui %sign3A_525 : i1 to i32
      %sign3A_527 = arith.subi %sign3A_523, %sign3A_526 : i32
      %sign3A_528 = arith.constant 0 : i32
      %sign3A_529 = arith.cmpi sgt, %jit3A_519, %sign3A_528 : i32
      %sign3A_530 = arith.extui %sign3A_529 : i1 to i32
      %sign3A_531 = arith.constant 0 : i32
      %sign3A_532 = arith.cmpi slt, %jit3A_519, %sign3A_531 : i32
      %sign3A_533 = arith.extui %sign3A_532 : i1 to i32
      %sign3A_534 = arith.subi %sign3A_530, %sign3A_533 : i32
      %ne3A_535 = arith.cmpi ne, %sign3A_527, %sign3A_534 : i32
      %rem3A_536 = arith.remsi %rem3A_518, %jit3A_519 : i32
      %ne3A_537 = arith.constant 0 : i32
      %ne3A_538 = arith.cmpi ne, %rem3A_536, %ne3A_537 : i32
      %and3A_539 = arith.andi %ne3A_535, %ne3A_538 : i1
      %sub3A_540 = arith.constant 1 : i32
      %sub3A_541 = arith.subi %div3A_520, %sub3A_540 : i32
      %select_n3A_542 = arith.select %and3A_539, %sub3A_541, %div3A_520 : i32
      %rem3A_543 = arith.constant 8 : i32
      %rem3A_544 = arith.remsi %add3A_492, %rem3A_543 : i32
      %mul3A_545 = arith.constant 8192 : i32
      %mul3A_546 = arith.muli %select_n3A_516, %mul3A_545 : i32
      %mul3A_547 = arith.constant 1024 : i32
      %mul3A_548 = arith.muli %rem3A_544, %mul3A_547 : i32
      %add3A_549 = arith.addi %mul3A_546, %mul3A_548 : i32
      %mul3A_550 = arith.constant 128 : i32
      %mul3A_551 = arith.muli %select_n3A_542, %mul3A_550 : i32
      %add3A_552 = arith.addi %add3A_549, %mul3A_551 : i32
      %dma_start3A_553 = arith.constant 2 : i32
      %dma_start3A_554 = arith.constant 2 : i32
      %dma_start3A_555 = arith.constant 0 : i32
      %dma_start3A_556 = arith.constant 0 : i32
      %dma_start3A_557 = tpu.memref_slice %arg6[%dma_start3A_553, %dma_start3A_555, %dma_start3A_556] : memref<10x128x64xf32, #tpu.memory_space<vmem>> -> memref<1x128x64xf32, #tpu.memory_space<vmem>>
      %dma_start3A_558 = tpu.memref_squeeze %dma_start3A_557 : memref<1x128x64xf32, #tpu.memory_space<vmem>> -> memref<128x64xf32, #tpu.memory_space<vmem>>
      %dma_start3A_559 = arith.constant 0 : i32
      %dma_start3A_560 = tpu.memref_slice %arg4[%add3A_552, %dma_start3A_559] : memref<204800x128xf32, #tpu.memory_space<hbm>> -> memref<128x64xf32, #tpu.memory_space<hbm>>
      %dma_start3A_561 = tpu.memref_slice %arg8[%dma_start3A_554] : memref<10x!tpu.dma_semaphore, #tpu.memory_space<semaphore_mem>> -> memref<1x!tpu.dma_semaphore, #tpu.memory_space<semaphore_mem>>
      %dma_start3A_562 = tpu.memref_squeeze %dma_start3A_561 : memref<1x!tpu.dma_semaphore, #tpu.memory_space<semaphore_mem>> -> memref<!tpu.dma_semaphore, #tpu.memory_space<semaphore_mem>>
      %dma_start3A_563 = arith.constant 0 : i32
      %dma_start3A_564 = tpu.memref_slice %arg4[%add3A_552, %dma_start3A_563] : memref<204800x128xf32, #tpu.memory_space<hbm>> -> memref<128x64xf32, #tpu.memory_space<hbm>>
      %dma_start3A_565 = arith.constant 0 : i32
      %dma_start3A_566 = arith.constant 0 : i32
      %dma_start3A_567 = tpu.memref_slice %arg6[%dma_start3A_553, %dma_start3A_565, %dma_start3A_566] : memref<10x128x64xf32, #tpu.memory_space<vmem>> -> memref<1x128x64xf32, #tpu.memory_space<vmem>>
      %dma_start3A_568 = tpu.memref_squeeze %dma_start3A_567 : memref<1x128x64xf32, #tpu.memory_space<vmem>> -> memref<128x64xf32, #tpu.memory_space<vmem>>
      tpu.enqueue_dma source(%dma_start3A_568 : memref<128x64xf32, #tpu.memory_space<vmem>>) target(%dma_start3A_564 : memref<128x64xf32, #tpu.memory_space<hbm>>) target_semaphore(%dma_start3A_562 : memref<!tpu.dma_semaphore, #tpu.memory_space<semaphore_mem>>)
      %gt3A_569 = arith.constant 0 : i32
      %gt3A_570 = arith.cmpi sgt, %scan3A_254, %gt3A_569 : i32
      %convert_element_type3A_571 = arith.extui %gt3A_570 : i1 to i32
      %cond3A_572 = arith.constant 0 : i32
      %cond3A_573 = arith.cmpi ne, %convert_element_type3A_571, %cond3A_572 : i32
      scf.if %cond3A_573 {
        %dma_wait3A_1315 = arith.constant 7 : i32
        %dma_wait3A_1316 = arith.constant 7 : i32
        %dma_wait3A_1317 = arith.constant 0 : i32
        %dma_wait3A_1318 = arith.constant 0 : i32
        %dma_wait3A_1319 = tpu.memref_slice %arg6[%dma_wait3A_1315, %dma_wait3A_1317, %dma_wait3A_1318] : memref<10x128x64xf32, #tpu.memory_space<vmem>> -> memref<1x128x64xf32, #tpu.memory_space<vmem>>
        %dma_wait3A_1320 = tpu.memref_squeeze %dma_wait3A_1319 : memref<1x128x64xf32, #tpu.memory_space<vmem>> -> memref<128x64xf32, #tpu.memory_space<vmem>>
        %dma_wait3A_1321 = arith.constant 0 : i32
        %dma_wait3A_1322 = arith.constant 0 : i32
        %dma_wait3A_1323 = tpu.memref_slice %arg4[%dma_wait3A_1321, %dma_wait3A_1322] : memref<204800x128xf32, #tpu.memory_space<hbm>> -> memref<128x64xf32, #tpu.memory_space<hbm>>
        %dma_wait3A_1324 = tpu.memref_slice %arg8[%dma_wait3A_1316] : memref<10x!tpu.dma_semaphore, #tpu.memory_space<semaphore_mem>> -> memref<1x!tpu.dma_semaphore, #tpu.memory_space<semaphore_mem>>
        %dma_wait3A_1325 = tpu.memref_squeeze %dma_wait3A_1324 : memref<1x!tpu.dma_semaphore, #tpu.memory_space<semaphore_mem>> -> memref<!tpu.dma_semaphore, #tpu.memory_space<semaphore_mem>>
        %dma_wait3A_1326 = arith.constant 0 : i32
        %dma_wait3A_1327 = arith.constant 0 : i32
        %dma_wait3A_1328 = tpu.memref_slice %arg4[%dma_wait3A_1326, %dma_wait3A_1327] : memref<204800x128xf32, #tpu.memory_space<hbm>> -> memref<128x64xf32, #tpu.memory_space<hbm>>
        %dma_wait3A_1329 = arith.constant 0 : i32
        %dma_wait3A_1330 = arith.constant 0 : i32
        %dma_wait3A_1331 = tpu.memref_slice %arg6[%dma_wait3A_1315, %dma_wait3A_1329, %dma_wait3A_1330] : memref<10x128x64xf32, #tpu.memory_space<vmem>> -> memref<1x128x64xf32, #tpu.memory_space<vmem>>
        %dma_wait3A_1332 = tpu.memref_squeeze %dma_wait3A_1331 : memref<1x128x64xf32, #tpu.memory_space<vmem>> -> memref<128x64xf32, #tpu.memory_space<vmem>>
        tpu.wait_dma2 semaphore(%dma_wait3A_1325 : memref<!tpu.dma_semaphore, #tpu.memory_space<semaphore_mem>>) src(%dma_wait3A_1332 : memref<128x64xf32, #tpu.memory_space<vmem>>) dst(%dma_wait3A_1328 : memref<128x64xf32, #tpu.memory_space<hbm>>)
      } else {
      }
      %add3A_574 = arith.constant 5 : i32
      %add3A_575 = arith.addi %add3A_478, %add3A_574 : i32
      %mul3A_576 = arith.constant 128 : i32
      %mul3A_577 = arith.muli %add3A_575, %mul3A_576 : i32
      %dma_start3A_578 = arith.constant 7 : i32
      %dma_start3A_579 = arith.constant 7 : i32
      %dma_start3A_580 = arith.constant 0 : i32
      %dma_start3A_581 = arith.constant 0 : i32
      %dma_start3A_582 = tpu.memref_slice %arg6[%dma_start3A_578, %dma_start3A_580, %dma_start3A_581] : memref<10x128x64xf32, #tpu.memory_space<vmem>> -> memref<1x128x64xf32, #tpu.memory_space<vmem>>
      %dma_start3A_583 = tpu.memref_squeeze %dma_start3A_582 : memref<1x128x64xf32, #tpu.memory_space<vmem>> -> memref<128x64xf32, #tpu.memory_space<vmem>>
      %dma_start3A_584 = tpu.memref_slice %arg5[%mul3A_577] : memref<6400xi32, #tpu.memory_space<vmem>> -> memref<128xi32, #tpu.memory_space<vmem>>
      %dma_start3A_585 = arith.constant 0 : i32
      %dma_start3A_586 = arith.constant 0 : i32
      %dma_start3A_587 = tpu.memref_slice %arg3[%dma_start3A_585, %dma_start3A_586] : memref<100000x64xf32, #tpu.memory_space<hbm>> -> memref<100000x64xf32, #tpu.memory_space<hbm>>
      %dma_start3A_588 = tpu.memref_slice %arg7[%dma_start3A_579] : memref<10x!tpu.dma_semaphore, #tpu.memory_space<semaphore_mem>> -> memref<1x!tpu.dma_semaphore, #tpu.memory_space<semaphore_mem>>
      %dma_start3A_589 = tpu.memref_squeeze %dma_start3A_588 : memref<1x!tpu.dma_semaphore, #tpu.memory_space<semaphore_mem>> -> memref<!tpu.dma_semaphore, #tpu.memory_space<semaphore_mem>>
      tpu.enqueue_indirect_dma source(%dma_start3A_587 : memref<100000x64xf32, #tpu.memory_space<hbm>>) target(%dma_start3A_583 : memref<128x64xf32, #tpu.memory_space<vmem>>) offsets(%dma_start3A_584 : memref<128xi32, #tpu.memory_space<vmem>>) semaphore(%dma_start3A_589 : memref<!tpu.dma_semaphore, #tpu.memory_space<semaphore_mem>>)
      %mul3A_590 = arith.constant 10 : i32
      %mul3A_591 = arith.muli %scan3A_254, %mul3A_590 : i32
      %add3A_592 = arith.constant 3 : i32
      %add3A_593 = arith.addi %mul3A_591, %add3A_592 : i32
      %dma_wait3A_594 = arith.constant 3 : i32
      %dma_wait3A_595 = arith.constant 3 : i32
      %dma_wait3A_596 = arith.constant 0 : i32
      %dma_wait3A_597 = arith.constant 0 : i32
      %dma_wait3A_598 = tpu.memref_slice %arg6[%dma_wait3A_594, %dma_wait3A_596, %dma_wait3A_597] : memref<10x128x64xf32, #tpu.memory_space<vmem>> -> memref<1x128x64xf32, #tpu.memory_space<vmem>>
      %dma_wait3A_599 = tpu.memref_squeeze %dma_wait3A_598 : memref<1x128x64xf32, #tpu.memory_space<vmem>> -> memref<128x64xf32, #tpu.memory_space<vmem>>
      %dma_wait3A_600 = arith.constant 0 : i32
      %dma_wait3A_601 = tpu.memref_slice %arg5[%dma_wait3A_600] : memref<6400xi32, #tpu.memory_space<vmem>> -> memref<128xi32, #tpu.memory_space<vmem>>
      %dma_wait3A_602 = arith.constant 0 : i32
      %dma_wait3A_603 = arith.constant 0 : i32
      %dma_wait3A_604 = tpu.memref_slice %arg3[%dma_wait3A_602, %dma_wait3A_603] : memref<100000x64xf32, #tpu.memory_space<hbm>> -> memref<100000x64xf32, #tpu.memory_space<hbm>>
      %dma_wait3A_605 = tpu.memref_slice %arg7[%dma_wait3A_595] : memref<10x!tpu.dma_semaphore, #tpu.memory_space<semaphore_mem>> -> memref<1x!tpu.dma_semaphore, #tpu.memory_space<semaphore_mem>>
      %dma_wait3A_606 = tpu.memref_squeeze %dma_wait3A_605 : memref<1x!tpu.dma_semaphore, #tpu.memory_space<semaphore_mem>> -> memref<!tpu.dma_semaphore, #tpu.memory_space<semaphore_mem>>
      tpu.wait_indirect_dma semaphore(%dma_wait3A_606 : memref<!tpu.dma_semaphore, #tpu.memory_space<semaphore_mem>>) src(%dma_wait3A_604 : memref<100000x64xf32, #tpu.memory_space<hbm>>) dst(%dma_wait3A_599 : memref<128x64xf32, #tpu.memory_space<vmem>>)
      %add3A_607 = arith.addi %mul3A_2, %add3A_593 : i32
      %jit3A_608 = arith.constant 64 : i32
      %div3A_609 = arith.divsi %add3A_607, %jit3A_608 : i32
      %sign3A_610 = arith.constant 0 : i32
      %sign3A_611 = arith.cmpi sgt, %add3A_607, %sign3A_610 : i32
      %sign3A_612 = arith.extui %sign3A_611 : i1 to i32
      %sign3A_613 = arith.constant 0 : i32
      %sign3A_614 = arith.cmpi slt, %add3A_607, %sign3A_613 : i32
      %sign3A_615 = arith.extui %sign3A_614 : i1 to i32
      %sign3A_616 = arith.subi %sign3A_612, %sign3A_615 : i32
      %sign3A_617 = arith.constant 0 : i32
      %sign3A_618 = arith.cmpi sgt, %jit3A_608, %sign3A_617 : i32
      %sign3A_619 = arith.extui %sign3A_618 : i1 to i32
      %sign3A_620 = arith.constant 0 : i32
      %sign3A_621 = arith.cmpi slt, %jit3A_608, %sign3A_620 : i32
      %sign3A_622 = arith.extui %sign3A_621 : i1 to i32
      %sign3A_623 = arith.subi %sign3A_619, %sign3A_622 : i32
      %ne3A_624 = arith.cmpi ne, %sign3A_616, %sign3A_623 : i32
      %rem3A_625 = arith.remsi %add3A_607, %jit3A_608 : i32
      %ne3A_626 = arith.constant 0 : i32
      %ne3A_627 = arith.cmpi ne, %rem3A_625, %ne3A_626 : i32
      %and3A_628 = arith.andi %ne3A_624, %ne3A_627 : i1
      %sub3A_629 = arith.constant 1 : i32
      %sub3A_630 = arith.subi %div3A_609, %sub3A_629 : i32
      %select_n3A_631 = arith.select %and3A_628, %sub3A_630, %div3A_609 : i32
      %rem3A_632 = arith.constant 64 : i32
      %rem3A_633 = arith.remsi %add3A_607, %rem3A_632 : i32
      %jit3A_634 = arith.constant 8 : i32
      %div3A_635 = arith.divsi %rem3A_633, %jit3A_634 : i32
      %sign3A_636 = arith.constant 0 : i32
      %sign3A_637 = arith.cmpi sgt, %rem3A_633, %sign3A_636 : i32
      %sign3A_638 = arith.extui %sign3A_637 : i1 to i32
      %sign3A_639 = arith.constant 0 : i32
      %sign3A_640 = arith.cmpi slt, %rem3A_633, %sign3A_639 : i32
      %sign3A_641 = arith.extui %sign3A_640 : i1 to i32
      %sign3A_642 = arith.subi %sign3A_638, %sign3A_641 : i32
      %sign3A_643 = arith.constant 0 : i32
      %sign3A_644 = arith.cmpi sgt, %jit3A_634, %sign3A_643 : i32
      %sign3A_645 = arith.extui %sign3A_644 : i1 to i32
      %sign3A_646 = arith.constant 0 : i32
      %sign3A_647 = arith.cmpi slt, %jit3A_634, %sign3A_646 : i32
      %sign3A_648 = arith.extui %sign3A_647 : i1 to i32
      %sign3A_649 = arith.subi %sign3A_645, %sign3A_648 : i32
      %ne3A_650 = arith.cmpi ne, %sign3A_642, %sign3A_649 : i32
      %rem3A_651 = arith.remsi %rem3A_633, %jit3A_634 : i32
      %ne3A_652 = arith.constant 0 : i32
      %ne3A_653 = arith.cmpi ne, %rem3A_651, %ne3A_652 : i32
      %and3A_654 = arith.andi %ne3A_650, %ne3A_653 : i1
      %sub3A_655 = arith.constant 1 : i32
      %sub3A_656 = arith.subi %div3A_635, %sub3A_655 : i32
      %select_n3A_657 = arith.select %and3A_654, %sub3A_656, %div3A_635 : i32
      %rem3A_658 = arith.constant 8 : i32
      %rem3A_659 = arith.remsi %add3A_607, %rem3A_658 : i32
      %mul3A_660 = arith.constant 8192 : i32
      %mul3A_661 = arith.muli %select_n3A_631, %mul3A_660 : i32
      %mul3A_662 = arith.constant 1024 : i32
      %mul3A_663 = arith.muli %rem3A_659, %mul3A_662 : i32
      %add3A_664 = arith.addi %mul3A_661, %mul3A_663 : i32
      %mul3A_665 = arith.constant 128 : i32
      %mul3A_666 = arith.muli %select_n3A_657, %mul3A_665 : i32
      %add3A_667 = arith.addi %add3A_664, %mul3A_666 : i32
      %dma_start3A_668 = arith.constant 3 : i32
      %dma_start3A_669 = arith.constant 3 : i32
      %dma_start3A_670 = arith.constant 0 : i32
      %dma_start3A_671 = arith.constant 0 : i32
      %dma_start3A_672 = tpu.memref_slice %arg6[%dma_start3A_668, %dma_start3A_670, %dma_start3A_671] : memref<10x128x64xf32, #tpu.memory_space<vmem>> -> memref<1x128x64xf32, #tpu.memory_space<vmem>>
      %dma_start3A_673 = tpu.memref_squeeze %dma_start3A_672 : memref<1x128x64xf32, #tpu.memory_space<vmem>> -> memref<128x64xf32, #tpu.memory_space<vmem>>
      %dma_start3A_674 = arith.constant 0 : i32
      %dma_start3A_675 = tpu.memref_slice %arg4[%add3A_667, %dma_start3A_674] : memref<204800x128xf32, #tpu.memory_space<hbm>> -> memref<128x64xf32, #tpu.memory_space<hbm>>
      %dma_start3A_676 = tpu.memref_slice %arg8[%dma_start3A_669] : memref<10x!tpu.dma_semaphore, #tpu.memory_space<semaphore_mem>> -> memref<1x!tpu.dma_semaphore, #tpu.memory_space<semaphore_mem>>
      %dma_start3A_677 = tpu.memref_squeeze %dma_start3A_676 : memref<1x!tpu.dma_semaphore, #tpu.memory_space<semaphore_mem>> -> memref<!tpu.dma_semaphore, #tpu.memory_space<semaphore_mem>>
      %dma_start3A_678 = arith.constant 0 : i32
      %dma_start3A_679 = tpu.memref_slice %arg4[%add3A_667, %dma_start3A_678] : memref<204800x128xf32, #tpu.memory_space<hbm>> -> memref<128x64xf32, #tpu.memory_space<hbm>>
      %dma_start3A_680 = arith.constant 0 : i32
      %dma_start3A_681 = arith.constant 0 : i32
      %dma_start3A_682 = tpu.memref_slice %arg6[%dma_start3A_668, %dma_start3A_680, %dma_start3A_681] : memref<10x128x64xf32, #tpu.memory_space<vmem>> -> memref<1x128x64xf32, #tpu.memory_space<vmem>>
      %dma_start3A_683 = tpu.memref_squeeze %dma_start3A_682 : memref<1x128x64xf32, #tpu.memory_space<vmem>> -> memref<128x64xf32, #tpu.memory_space<vmem>>
      tpu.enqueue_dma source(%dma_start3A_683 : memref<128x64xf32, #tpu.memory_space<vmem>>) target(%dma_start3A_679 : memref<128x64xf32, #tpu.memory_space<hbm>>) target_semaphore(%dma_start3A_677 : memref<!tpu.dma_semaphore, #tpu.memory_space<semaphore_mem>>)
      %gt3A_684 = arith.constant 0 : i32
      %gt3A_685 = arith.cmpi sgt, %scan3A_254, %gt3A_684 : i32
      %convert_element_type3A_686 = arith.extui %gt3A_685 : i1 to i32
      %cond3A_687 = arith.constant 0 : i32
      %cond3A_688 = arith.cmpi ne, %convert_element_type3A_686, %cond3A_687 : i32
      scf.if %cond3A_688 {
        %dma_wait3A_1315 = arith.constant 8 : i32
        %dma_wait3A_1316 = arith.constant 8 : i32
        %dma_wait3A_1317 = arith.constant 0 : i32
        %dma_wait3A_1318 = arith.constant 0 : i32
        %dma_wait3A_1319 = tpu.memref_slice %arg6[%dma_wait3A_1315, %dma_wait3A_1317, %dma_wait3A_1318] : memref<10x128x64xf32, #tpu.memory_space<vmem>> -> memref<1x128x64xf32, #tpu.memory_space<vmem>>
        %dma_wait3A_1320 = tpu.memref_squeeze %dma_wait3A_1319 : memref<1x128x64xf32, #tpu.memory_space<vmem>> -> memref<128x64xf32, #tpu.memory_space<vmem>>
        %dma_wait3A_1321 = arith.constant 0 : i32
        %dma_wait3A_1322 = arith.constant 0 : i32
        %dma_wait3A_1323 = tpu.memref_slice %arg4[%dma_wait3A_1321, %dma_wait3A_1322] : memref<204800x128xf32, #tpu.memory_space<hbm>> -> memref<128x64xf32, #tpu.memory_space<hbm>>
        %dma_wait3A_1324 = tpu.memref_slice %arg8[%dma_wait3A_1316] : memref<10x!tpu.dma_semaphore, #tpu.memory_space<semaphore_mem>> -> memref<1x!tpu.dma_semaphore, #tpu.memory_space<semaphore_mem>>
        %dma_wait3A_1325 = tpu.memref_squeeze %dma_wait3A_1324 : memref<1x!tpu.dma_semaphore, #tpu.memory_space<semaphore_mem>> -> memref<!tpu.dma_semaphore, #tpu.memory_space<semaphore_mem>>
        %dma_wait3A_1326 = arith.constant 0 : i32
        %dma_wait3A_1327 = arith.constant 0 : i32
        %dma_wait3A_1328 = tpu.memref_slice %arg4[%dma_wait3A_1326, %dma_wait3A_1327] : memref<204800x128xf32, #tpu.memory_space<hbm>> -> memref<128x64xf32, #tpu.memory_space<hbm>>
        %dma_wait3A_1329 = arith.constant 0 : i32
        %dma_wait3A_1330 = arith.constant 0 : i32
        %dma_wait3A_1331 = tpu.memref_slice %arg6[%dma_wait3A_1315, %dma_wait3A_1329, %dma_wait3A_1330] : memref<10x128x64xf32, #tpu.memory_space<vmem>> -> memref<1x128x64xf32, #tpu.memory_space<vmem>>
        %dma_wait3A_1332 = tpu.memref_squeeze %dma_wait3A_1331 : memref<1x128x64xf32, #tpu.memory_space<vmem>> -> memref<128x64xf32, #tpu.memory_space<vmem>>
        tpu.wait_dma2 semaphore(%dma_wait3A_1325 : memref<!tpu.dma_semaphore, #tpu.memory_space<semaphore_mem>>) src(%dma_wait3A_1332 : memref<128x64xf32, #tpu.memory_space<vmem>>) dst(%dma_wait3A_1328 : memref<128x64xf32, #tpu.memory_space<hbm>>)
      } else {
      }
      %add3A_689 = arith.constant 5 : i32
      %add3A_690 = arith.addi %add3A_593, %add3A_689 : i32
      %mul3A_691 = arith.constant 128 : i32
      %mul3A_692 = arith.muli %add3A_690, %mul3A_691 : i32
      %dma_start3A_693 = arith.constant 8 : i32
      %dma_start3A_694 = arith.constant 8 : i32
      %dma_start3A_695 = arith.constant 0 : i32
      %dma_start3A_696 = arith.constant 0 : i32
      %dma_start3A_697 = tpu.memref_slice %arg6[%dma_start3A_693, %dma_start3A_695, %dma_start3A_696] : memref<10x128x64xf32, #tpu.memory_space<vmem>> -> memref<1x128x64xf32, #tpu.memory_space<vmem>>
      %dma_start3A_698 = tpu.memref_squeeze %dma_start3A_697 : memref<1x128x64xf32, #tpu.memory_space<vmem>> -> memref<128x64xf32, #tpu.memory_space<vmem>>
      %dma_start3A_699 = tpu.memref_slice %arg5[%mul3A_692] : memref<6400xi32, #tpu.memory_space<vmem>> -> memref<128xi32, #tpu.memory_space<vmem>>
      %dma_start3A_700 = arith.constant 0 : i32
      %dma_start3A_701 = arith.constant 0 : i32
      %dma_start3A_702 = tpu.memref_slice %arg3[%dma_start3A_700, %dma_start3A_701] : memref<100000x64xf32, #tpu.memory_space<hbm>> -> memref<100000x64xf32, #tpu.memory_space<hbm>>
      %dma_start3A_703 = tpu.memref_slice %arg7[%dma_start3A_694] : memref<10x!tpu.dma_semaphore, #tpu.memory_space<semaphore_mem>> -> memref<1x!tpu.dma_semaphore, #tpu.memory_space<semaphore_mem>>
      %dma_start3A_704 = tpu.memref_squeeze %dma_start3A_703 : memref<1x!tpu.dma_semaphore, #tpu.memory_space<semaphore_mem>> -> memref<!tpu.dma_semaphore, #tpu.memory_space<semaphore_mem>>
      tpu.enqueue_indirect_dma source(%dma_start3A_702 : memref<100000x64xf32, #tpu.memory_space<hbm>>) target(%dma_start3A_698 : memref<128x64xf32, #tpu.memory_space<vmem>>) offsets(%dma_start3A_699 : memref<128xi32, #tpu.memory_space<vmem>>) semaphore(%dma_start3A_704 : memref<!tpu.dma_semaphore, #tpu.memory_space<semaphore_mem>>)
      %mul3A_705 = arith.constant 10 : i32
      %mul3A_706 = arith.muli %scan3A_254, %mul3A_705 : i32
      %add3A_707 = arith.constant 4 : i32
      %add3A_708 = arith.addi %mul3A_706, %add3A_707 : i32
      %dma_wait3A_709 = arith.constant 4 : i32
      %dma_wait3A_710 = arith.constant 4 : i32
      %dma_wait3A_711 = arith.constant 0 : i32
      %dma_wait3A_712 = arith.constant 0 : i32
      %dma_wait3A_713 = tpu.memref_slice %arg6[%dma_wait3A_709, %dma_wait3A_711, %dma_wait3A_712] : memref<10x128x64xf32, #tpu.memory_space<vmem>> -> memref<1x128x64xf32, #tpu.memory_space<vmem>>
      %dma_wait3A_714 = tpu.memref_squeeze %dma_wait3A_713 : memref<1x128x64xf32, #tpu.memory_space<vmem>> -> memref<128x64xf32, #tpu.memory_space<vmem>>
      %dma_wait3A_715 = arith.constant 0 : i32
      %dma_wait3A_716 = tpu.memref_slice %arg5[%dma_wait3A_715] : memref<6400xi32, #tpu.memory_space<vmem>> -> memref<128xi32, #tpu.memory_space<vmem>>
      %dma_wait3A_717 = arith.constant 0 : i32
      %dma_wait3A_718 = arith.constant 0 : i32
      %dma_wait3A_719 = tpu.memref_slice %arg3[%dma_wait3A_717, %dma_wait3A_718] : memref<100000x64xf32, #tpu.memory_space<hbm>> -> memref<100000x64xf32, #tpu.memory_space<hbm>>
      %dma_wait3A_720 = tpu.memref_slice %arg7[%dma_wait3A_710] : memref<10x!tpu.dma_semaphore, #tpu.memory_space<semaphore_mem>> -> memref<1x!tpu.dma_semaphore, #tpu.memory_space<semaphore_mem>>
      %dma_wait3A_721 = tpu.memref_squeeze %dma_wait3A_720 : memref<1x!tpu.dma_semaphore, #tpu.memory_space<semaphore_mem>> -> memref<!tpu.dma_semaphore, #tpu.memory_space<semaphore_mem>>
      tpu.wait_indirect_dma semaphore(%dma_wait3A_721 : memref<!tpu.dma_semaphore, #tpu.memory_space<semaphore_mem>>) src(%dma_wait3A_719 : memref<100000x64xf32, #tpu.memory_space<hbm>>) dst(%dma_wait3A_714 : memref<128x64xf32, #tpu.memory_space<vmem>>)
      %add3A_722 = arith.addi %mul3A_2, %add3A_708 : i32
      %jit3A_723 = arith.constant 64 : i32
      %div3A_724 = arith.divsi %add3A_722, %jit3A_723 : i32
      %sign3A_725 = arith.constant 0 : i32
      %sign3A_726 = arith.cmpi sgt, %add3A_722, %sign3A_725 : i32
      %sign3A_727 = arith.extui %sign3A_726 : i1 to i32
      %sign3A_728 = arith.constant 0 : i32
      %sign3A_729 = arith.cmpi slt, %add3A_722, %sign3A_728 : i32
      %sign3A_730 = arith.extui %sign3A_729 : i1 to i32
      %sign3A_731 = arith.subi %sign3A_727, %sign3A_730 : i32
      %sign3A_732 = arith.constant 0 : i32
      %sign3A_733 = arith.cmpi sgt, %jit3A_723, %sign3A_732 : i32
      %sign3A_734 = arith.extui %sign3A_733 : i1 to i32
      %sign3A_735 = arith.constant 0 : i32
      %sign3A_736 = arith.cmpi slt, %jit3A_723, %sign3A_735 : i32
      %sign3A_737 = arith.extui %sign3A_736 : i1 to i32
      %sign3A_738 = arith.subi %sign3A_734, %sign3A_737 : i32
      %ne3A_739 = arith.cmpi ne, %sign3A_731, %sign3A_738 : i32
      %rem3A_740 = arith.remsi %add3A_722, %jit3A_723 : i32
      %ne3A_741 = arith.constant 0 : i32
      %ne3A_742 = arith.cmpi ne, %rem3A_740, %ne3A_741 : i32
      %and3A_743 = arith.andi %ne3A_739, %ne3A_742 : i1
      %sub3A_744 = arith.constant 1 : i32
      %sub3A_745 = arith.subi %div3A_724, %sub3A_744 : i32
      %select_n3A_746 = arith.select %and3A_743, %sub3A_745, %div3A_724 : i32
      %rem3A_747 = arith.constant 64 : i32
      %rem3A_748 = arith.remsi %add3A_722, %rem3A_747 : i32
      %jit3A_749 = arith.constant 8 : i32
      %div3A_750 = arith.divsi %rem3A_748, %jit3A_749 : i32
      %sign3A_751 = arith.constant 0 : i32
      %sign3A_752 = arith.cmpi sgt, %rem3A_748, %sign3A_751 : i32
      %sign3A_753 = arith.extui %sign3A_752 : i1 to i32
      %sign3A_754 = arith.constant 0 : i32
      %sign3A_755 = arith.cmpi slt, %rem3A_748, %sign3A_754 : i32
      %sign3A_756 = arith.extui %sign3A_755 : i1 to i32
      %sign3A_757 = arith.subi %sign3A_753, %sign3A_756 : i32
      %sign3A_758 = arith.constant 0 : i32
      %sign3A_759 = arith.cmpi sgt, %jit3A_749, %sign3A_758 : i32
      %sign3A_760 = arith.extui %sign3A_759 : i1 to i32
      %sign3A_761 = arith.constant 0 : i32
      %sign3A_762 = arith.cmpi slt, %jit3A_749, %sign3A_761 : i32
      %sign3A_763 = arith.extui %sign3A_762 : i1 to i32
      %sign3A_764 = arith.subi %sign3A_760, %sign3A_763 : i32
      %ne3A_765 = arith.cmpi ne, %sign3A_757, %sign3A_764 : i32
      %rem3A_766 = arith.remsi %rem3A_748, %jit3A_749 : i32
      %ne3A_767 = arith.constant 0 : i32
      %ne3A_768 = arith.cmpi ne, %rem3A_766, %ne3A_767 : i32
      %and3A_769 = arith.andi %ne3A_765, %ne3A_768 : i1
      %sub3A_770 = arith.constant 1 : i32
      %sub3A_771 = arith.subi %div3A_750, %sub3A_770 : i32
      %select_n3A_772 = arith.select %and3A_769, %sub3A_771, %div3A_750 : i32
      %rem3A_773 = arith.constant 8 : i32
      %rem3A_774 = arith.remsi %add3A_722, %rem3A_773 : i32
      %mul3A_775 = arith.constant 8192 : i32
      %mul3A_776 = arith.muli %select_n3A_746, %mul3A_775 : i32
      %mul3A_777 = arith.constant 1024 : i32
      %mul3A_778 = arith.muli %rem3A_774, %mul3A_777 : i32
      %add3A_779 = arith.addi %mul3A_776, %mul3A_778 : i32
      %mul3A_780 = arith.constant 128 : i32
      %mul3A_781 = arith.muli %select_n3A_772, %mul3A_780 : i32
      %add3A_782 = arith.addi %add3A_779, %mul3A_781 : i32
      %dma_start3A_783 = arith.constant 4 : i32
      %dma_start3A_784 = arith.constant 4 : i32
      %dma_start3A_785 = arith.constant 0 : i32
      %dma_start3A_786 = arith.constant 0 : i32
      %dma_start3A_787 = tpu.memref_slice %arg6[%dma_start3A_783, %dma_start3A_785, %dma_start3A_786] : memref<10x128x64xf32, #tpu.memory_space<vmem>> -> memref<1x128x64xf32, #tpu.memory_space<vmem>>
      %dma_start3A_788 = tpu.memref_squeeze %dma_start3A_787 : memref<1x128x64xf32, #tpu.memory_space<vmem>> -> memref<128x64xf32, #tpu.memory_space<vmem>>
      %dma_start3A_789 = arith.constant 0 : i32
      %dma_start3A_790 = tpu.memref_slice %arg4[%add3A_782, %dma_start3A_789] : memref<204800x128xf32, #tpu.memory_space<hbm>> -> memref<128x64xf32, #tpu.memory_space<hbm>>
      %dma_start3A_791 = tpu.memref_slice %arg8[%dma_start3A_784] : memref<10x!tpu.dma_semaphore, #tpu.memory_space<semaphore_mem>> -> memref<1x!tpu.dma_semaphore, #tpu.memory_space<semaphore_mem>>
      %dma_start3A_792 = tpu.memref_squeeze %dma_start3A_791 : memref<1x!tpu.dma_semaphore, #tpu.memory_space<semaphore_mem>> -> memref<!tpu.dma_semaphore, #tpu.memory_space<semaphore_mem>>
      %dma_start3A_793 = arith.constant 0 : i32
      %dma_start3A_794 = tpu.memref_slice %arg4[%add3A_782, %dma_start3A_793] : memref<204800x128xf32, #tpu.memory_space<hbm>> -> memref<128x64xf32, #tpu.memory_space<hbm>>
      %dma_start3A_795 = arith.constant 0 : i32
      %dma_start3A_796 = arith.constant 0 : i32
      %dma_start3A_797 = tpu.memref_slice %arg6[%dma_start3A_783, %dma_start3A_795, %dma_start3A_796] : memref<10x128x64xf32, #tpu.memory_space<vmem>> -> memref<1x128x64xf32, #tpu.memory_space<vmem>>
      %dma_start3A_798 = tpu.memref_squeeze %dma_start3A_797 : memref<1x128x64xf32, #tpu.memory_space<vmem>> -> memref<128x64xf32, #tpu.memory_space<vmem>>
      tpu.enqueue_dma source(%dma_start3A_798 : memref<128x64xf32, #tpu.memory_space<vmem>>) target(%dma_start3A_794 : memref<128x64xf32, #tpu.memory_space<hbm>>) target_semaphore(%dma_start3A_792 : memref<!tpu.dma_semaphore, #tpu.memory_space<semaphore_mem>>)
      %gt3A_799 = arith.constant 0 : i32
      %gt3A_800 = arith.cmpi sgt, %scan3A_254, %gt3A_799 : i32
      %convert_element_type3A_801 = arith.extui %gt3A_800 : i1 to i32
      %cond3A_802 = arith.constant 0 : i32
      %cond3A_803 = arith.cmpi ne, %convert_element_type3A_801, %cond3A_802 : i32
      scf.if %cond3A_803 {
        %dma_wait3A_1315 = arith.constant 9 : i32
        %dma_wait3A_1316 = arith.constant 9 : i32
        %dma_wait3A_1317 = arith.constant 0 : i32
        %dma_wait3A_1318 = arith.constant 0 : i32
        %dma_wait3A_1319 = tpu.memref_slice %arg6[%dma_wait3A_1315, %dma_wait3A_1317, %dma_wait3A_1318] : memref<10x128x64xf32, #tpu.memory_space<vmem>> -> memref<1x128x64xf32, #tpu.memory_space<vmem>>
        %dma_wait3A_1320 = tpu.memref_squeeze %dma_wait3A_1319 : memref<1x128x64xf32, #tpu.memory_space<vmem>> -> memref<128x64xf32, #tpu.memory_space<vmem>>
        %dma_wait3A_1321 = arith.constant 0 : i32
        %dma_wait3A_1322 = arith.constant 0 : i32
        %dma_wait3A_1323 = tpu.memref_slice %arg4[%dma_wait3A_1321, %dma_wait3A_1322] : memref<204800x128xf32, #tpu.memory_space<hbm>> -> memref<128x64xf32, #tpu.memory_space<hbm>>
        %dma_wait3A_1324 = tpu.memref_slice %arg8[%dma_wait3A_1316] : memref<10x!tpu.dma_semaphore, #tpu.memory_space<semaphore_mem>> -> memref<1x!tpu.dma_semaphore, #tpu.memory_space<semaphore_mem>>
        %dma_wait3A_1325 = tpu.memref_squeeze %dma_wait3A_1324 : memref<1x!tpu.dma_semaphore, #tpu.memory_space<semaphore_mem>> -> memref<!tpu.dma_semaphore, #tpu.memory_space<semaphore_mem>>
        %dma_wait3A_1326 = arith.constant 0 : i32
        %dma_wait3A_1327 = arith.constant 0 : i32
        %dma_wait3A_1328 = tpu.memref_slice %arg4[%dma_wait3A_1326, %dma_wait3A_1327] : memref<204800x128xf32, #tpu.memory_space<hbm>> -> memref<128x64xf32, #tpu.memory_space<hbm>>
        %dma_wait3A_1329 = arith.constant 0 : i32
        %dma_wait3A_1330 = arith.constant 0 : i32
        %dma_wait3A_1331 = tpu.memref_slice %arg6[%dma_wait3A_1315, %dma_wait3A_1329, %dma_wait3A_1330] : memref<10x128x64xf32, #tpu.memory_space<vmem>> -> memref<1x128x64xf32, #tpu.memory_space<vmem>>
        %dma_wait3A_1332 = tpu.memref_squeeze %dma_wait3A_1331 : memref<1x128x64xf32, #tpu.memory_space<vmem>> -> memref<128x64xf32, #tpu.memory_space<vmem>>
        tpu.wait_dma2 semaphore(%dma_wait3A_1325 : memref<!tpu.dma_semaphore, #tpu.memory_space<semaphore_mem>>) src(%dma_wait3A_1332 : memref<128x64xf32, #tpu.memory_space<vmem>>) dst(%dma_wait3A_1328 : memref<128x64xf32, #tpu.memory_space<hbm>>)
      } else {
      }
      %add3A_804 = arith.constant 5 : i32
      %add3A_805 = arith.addi %add3A_708, %add3A_804 : i32
      %mul3A_806 = arith.constant 128 : i32
      %mul3A_807 = arith.muli %add3A_805, %mul3A_806 : i32
      %dma_start3A_808 = arith.constant 9 : i32
      %dma_start3A_809 = arith.constant 9 : i32
      %dma_start3A_810 = arith.constant 0 : i32
      %dma_start3A_811 = arith.constant 0 : i32
      %dma_start3A_812 = tpu.memref_slice %arg6[%dma_start3A_808, %dma_start3A_810, %dma_start3A_811] : memref<10x128x64xf32, #tpu.memory_space<vmem>> -> memref<1x128x64xf32, #tpu.memory_space<vmem>>
      %dma_start3A_813 = tpu.memref_squeeze %dma_start3A_812 : memref<1x128x64xf32, #tpu.memory_space<vmem>> -> memref<128x64xf32, #tpu.memory_space<vmem>>
      %dma_start3A_814 = tpu.memref_slice %arg5[%mul3A_807] : memref<6400xi32, #tpu.memory_space<vmem>> -> memref<128xi32, #tpu.memory_space<vmem>>
      %dma_start3A_815 = arith.constant 0 : i32
      %dma_start3A_816 = arith.constant 0 : i32
      %dma_start3A_817 = tpu.memref_slice %arg3[%dma_start3A_815, %dma_start3A_816] : memref<100000x64xf32, #tpu.memory_space<hbm>> -> memref<100000x64xf32, #tpu.memory_space<hbm>>
      %dma_start3A_818 = tpu.memref_slice %arg7[%dma_start3A_809] : memref<10x!tpu.dma_semaphore, #tpu.memory_space<semaphore_mem>> -> memref<1x!tpu.dma_semaphore, #tpu.memory_space<semaphore_mem>>
      %dma_start3A_819 = tpu.memref_squeeze %dma_start3A_818 : memref<1x!tpu.dma_semaphore, #tpu.memory_space<semaphore_mem>> -> memref<!tpu.dma_semaphore, #tpu.memory_space<semaphore_mem>>
      tpu.enqueue_indirect_dma source(%dma_start3A_817 : memref<100000x64xf32, #tpu.memory_space<hbm>>) target(%dma_start3A_813 : memref<128x64xf32, #tpu.memory_space<vmem>>) offsets(%dma_start3A_814 : memref<128xi32, #tpu.memory_space<vmem>>) semaphore(%dma_start3A_819 : memref<!tpu.dma_semaphore, #tpu.memory_space<semaphore_mem>>)
      %mul3A_820 = arith.constant 10 : i32
      %mul3A_821 = arith.muli %scan3A_254, %mul3A_820 : i32
      %add3A_822 = arith.constant 5 : i32
      %add3A_823 = arith.addi %mul3A_821, %add3A_822 : i32
      %dma_wait3A_824 = arith.constant 5 : i32
      %dma_wait3A_825 = arith.constant 5 : i32
      %dma_wait3A_826 = arith.constant 0 : i32
      %dma_wait3A_827 = arith.constant 0 : i32
      %dma_wait3A_828 = tpu.memref_slice %arg6[%dma_wait3A_824, %dma_wait3A_826, %dma_wait3A_827] : memref<10x128x64xf32, #tpu.memory_space<vmem>> -> memref<1x128x64xf32, #tpu.memory_space<vmem>>
      %dma_wait3A_829 = tpu.memref_squeeze %dma_wait3A_828 : memref<1x128x64xf32, #tpu.memory_space<vmem>> -> memref<128x64xf32, #tpu.memory_space<vmem>>
      %dma_wait3A_830 = arith.constant 0 : i32
      %dma_wait3A_831 = tpu.memref_slice %arg5[%dma_wait3A_830] : memref<6400xi32, #tpu.memory_space<vmem>> -> memref<128xi32, #tpu.memory_space<vmem>>
      %dma_wait3A_832 = arith.constant 0 : i32
      %dma_wait3A_833 = arith.constant 0 : i32
      %dma_wait3A_834 = tpu.memref_slice %arg3[%dma_wait3A_832, %dma_wait3A_833] : memref<100000x64xf32, #tpu.memory_space<hbm>> -> memref<100000x64xf32, #tpu.memory_space<hbm>>
      %dma_wait3A_835 = tpu.memref_slice %arg7[%dma_wait3A_825] : memref<10x!tpu.dma_semaphore, #tpu.memory_space<semaphore_mem>> -> memref<1x!tpu.dma_semaphore, #tpu.memory_space<semaphore_mem>>
      %dma_wait3A_836 = tpu.memref_squeeze %dma_wait3A_835 : memref<1x!tpu.dma_semaphore, #tpu.memory_space<semaphore_mem>> -> memref<!tpu.dma_semaphore, #tpu.memory_space<semaphore_mem>>
      tpu.wait_indirect_dma semaphore(%dma_wait3A_836 : memref<!tpu.dma_semaphore, #tpu.memory_space<semaphore_mem>>) src(%dma_wait3A_834 : memref<100000x64xf32, #tpu.memory_space<hbm>>) dst(%dma_wait3A_829 : memref<128x64xf32, #tpu.memory_space<vmem>>)
      %add3A_837 = arith.addi %mul3A_2, %add3A_823 : i32
      %jit3A_838 = arith.constant 64 : i32
      %div3A_839 = arith.divsi %add3A_837, %jit3A_838 : i32
      %sign3A_840 = arith.constant 0 : i32
      %sign3A_841 = arith.cmpi sgt, %add3A_837, %sign3A_840 : i32
      %sign3A_842 = arith.extui %sign3A_841 : i1 to i32
      %sign3A_843 = arith.constant 0 : i32
      %sign3A_844 = arith.cmpi slt, %add3A_837, %sign3A_843 : i32
      %sign3A_845 = arith.extui %sign3A_844 : i1 to i32
      %sign3A_846 = arith.subi %sign3A_842, %sign3A_845 : i32
      %sign3A_847 = arith.constant 0 : i32
      %sign3A_848 = arith.cmpi sgt, %jit3A_838, %sign3A_847 : i32
      %sign3A_849 = arith.extui %sign3A_848 : i1 to i32
      %sign3A_850 = arith.constant 0 : i32
      %sign3A_851 = arith.cmpi slt, %jit3A_838, %sign3A_850 : i32
      %sign3A_852 = arith.extui %sign3A_851 : i1 to i32
      %sign3A_853 = arith.subi %sign3A_849, %sign3A_852 : i32
      %ne3A_854 = arith.cmpi ne, %sign3A_846, %sign3A_853 : i32
      %rem3A_855 = arith.remsi %add3A_837, %jit3A_838 : i32
      %ne3A_856 = arith.constant 0 : i32
      %ne3A_857 = arith.cmpi ne, %rem3A_855, %ne3A_856 : i32
      %and3A_858 = arith.andi %ne3A_854, %ne3A_857 : i1
      %sub3A_859 = arith.constant 1 : i32
      %sub3A_860 = arith.subi %div3A_839, %sub3A_859 : i32
      %select_n3A_861 = arith.select %and3A_858, %sub3A_860, %div3A_839 : i32
      %rem3A_862 = arith.constant 64 : i32
      %rem3A_863 = arith.remsi %add3A_837, %rem3A_862 : i32
      %jit3A_864 = arith.constant 8 : i32
      %div3A_865 = arith.divsi %rem3A_863, %jit3A_864 : i32
      %sign3A_866 = arith.constant 0 : i32
      %sign3A_867 = arith.cmpi sgt, %rem3A_863, %sign3A_866 : i32
      %sign3A_868 = arith.extui %sign3A_867 : i1 to i32
      %sign3A_869 = arith.constant 0 : i32
      %sign3A_870 = arith.cmpi slt, %rem3A_863, %sign3A_869 : i32
      %sign3A_871 = arith.extui %sign3A_870 : i1 to i32
      %sign3A_872 = arith.subi %sign3A_868, %sign3A_871 : i32
      %sign3A_873 = arith.constant 0 : i32
      %sign3A_874 = arith.cmpi sgt, %jit3A_864, %sign3A_873 : i32
      %sign3A_875 = arith.extui %sign3A_874 : i1 to i32
      %sign3A_876 = arith.constant 0 : i32
      %sign3A_877 = arith.cmpi slt, %jit3A_864, %sign3A_876 : i32
      %sign3A_878 = arith.extui %sign3A_877 : i1 to i32
      %sign3A_879 = arith.subi %sign3A_875, %sign3A_878 : i32
      %ne3A_880 = arith.cmpi ne, %sign3A_872, %sign3A_879 : i32
      %rem3A_881 = arith.remsi %rem3A_863, %jit3A_864 : i32
      %ne3A_882 = arith.constant 0 : i32
      %ne3A_883 = arith.cmpi ne, %rem3A_881, %ne3A_882 : i32
      %and3A_884 = arith.andi %ne3A_880, %ne3A_883 : i1
      %sub3A_885 = arith.constant 1 : i32
      %sub3A_886 = arith.subi %div3A_865, %sub3A_885 : i32
      %select_n3A_887 = arith.select %and3A_884, %sub3A_886, %div3A_865 : i32
      %rem3A_888 = arith.constant 8 : i32
      %rem3A_889 = arith.remsi %add3A_837, %rem3A_888 : i32
      %mul3A_890 = arith.constant 8192 : i32
      %mul3A_891 = arith.muli %select_n3A_861, %mul3A_890 : i32
      %mul3A_892 = arith.constant 1024 : i32
      %mul3A_893 = arith.muli %rem3A_889, %mul3A_892 : i32
      %add3A_894 = arith.addi %mul3A_891, %mul3A_893 : i32
      %mul3A_895 = arith.constant 128 : i32
      %mul3A_896 = arith.muli %select_n3A_887, %mul3A_895 : i32
      %add3A_897 = arith.addi %add3A_894, %mul3A_896 : i32
      %dma_start3A_898 = arith.constant 5 : i32
      %dma_start3A_899 = arith.constant 5 : i32
      %dma_start3A_900 = arith.constant 0 : i32
      %dma_start3A_901 = arith.constant 0 : i32
      %dma_start3A_902 = tpu.memref_slice %arg6[%dma_start3A_898, %dma_start3A_900, %dma_start3A_901] : memref<10x128x64xf32, #tpu.memory_space<vmem>> -> memref<1x128x64xf32, #tpu.memory_space<vmem>>
      %dma_start3A_903 = tpu.memref_squeeze %dma_start3A_902 : memref<1x128x64xf32, #tpu.memory_space<vmem>> -> memref<128x64xf32, #tpu.memory_space<vmem>>
      %dma_start3A_904 = arith.constant 0 : i32
      %dma_start3A_905 = tpu.memref_slice %arg4[%add3A_897, %dma_start3A_904] : memref<204800x128xf32, #tpu.memory_space<hbm>> -> memref<128x64xf32, #tpu.memory_space<hbm>>
      %dma_start3A_906 = tpu.memref_slice %arg8[%dma_start3A_899] : memref<10x!tpu.dma_semaphore, #tpu.memory_space<semaphore_mem>> -> memref<1x!tpu.dma_semaphore, #tpu.memory_space<semaphore_mem>>
      %dma_start3A_907 = tpu.memref_squeeze %dma_start3A_906 : memref<1x!tpu.dma_semaphore, #tpu.memory_space<semaphore_mem>> -> memref<!tpu.dma_semaphore, #tpu.memory_space<semaphore_mem>>
      %dma_start3A_908 = arith.constant 0 : i32
      %dma_start3A_909 = tpu.memref_slice %arg4[%add3A_897, %dma_start3A_908] : memref<204800x128xf32, #tpu.memory_space<hbm>> -> memref<128x64xf32, #tpu.memory_space<hbm>>
      %dma_start3A_910 = arith.constant 0 : i32
      %dma_start3A_911 = arith.constant 0 : i32
      %dma_start3A_912 = tpu.memref_slice %arg6[%dma_start3A_898, %dma_start3A_910, %dma_start3A_911] : memref<10x128x64xf32, #tpu.memory_space<vmem>> -> memref<1x128x64xf32, #tpu.memory_space<vmem>>
      %dma_start3A_913 = tpu.memref_squeeze %dma_start3A_912 : memref<1x128x64xf32, #tpu.memory_space<vmem>> -> memref<128x64xf32, #tpu.memory_space<vmem>>
      tpu.enqueue_dma source(%dma_start3A_913 : memref<128x64xf32, #tpu.memory_space<vmem>>) target(%dma_start3A_909 : memref<128x64xf32, #tpu.memory_space<hbm>>) target_semaphore(%dma_start3A_907 : memref<!tpu.dma_semaphore, #tpu.memory_space<semaphore_mem>>)
      %lt3A = arith.constant 4 : i32
      %lt3A_914 = arith.cmpi slt, %scan3A_254, %lt3A : i32
      %convert_element_type3A_915 = arith.extui %lt3A_914 : i1 to i32
      %cond3A_916 = arith.constant 0 : i32
      %cond3A_917 = arith.cmpi ne, %convert_element_type3A_915, %cond3A_916 : i32
      scf.if %cond3A_917 {
        %dma_wait3A_1315 = arith.constant 0 : i32
        %dma_wait3A_1316 = arith.constant 0 : i32
        %dma_wait3A_1317 = arith.constant 0 : i32
        %dma_wait3A_1318 = arith.constant 0 : i32
        %dma_wait3A_1319 = tpu.memref_slice %arg6[%dma_wait3A_1315, %dma_wait3A_1317, %dma_wait3A_1318] : memref<10x128x64xf32, #tpu.memory_space<vmem>> -> memref<1x128x64xf32, #tpu.memory_space<vmem>>
        %dma_wait3A_1320 = tpu.memref_squeeze %dma_wait3A_1319 : memref<1x128x64xf32, #tpu.memory_space<vmem>> -> memref<128x64xf32, #tpu.memory_space<vmem>>
        %dma_wait3A_1321 = arith.constant 0 : i32
        %dma_wait3A_1322 = arith.constant 0 : i32
        %dma_wait3A_1323 = tpu.memref_slice %arg4[%dma_wait3A_1321, %dma_wait3A_1322] : memref<204800x128xf32, #tpu.memory_space<hbm>> -> memref<128x64xf32, #tpu.memory_space<hbm>>
        %dma_wait3A_1324 = tpu.memref_slice %arg8[%dma_wait3A_1316] : memref<10x!tpu.dma_semaphore, #tpu.memory_space<semaphore_mem>> -> memref<1x!tpu.dma_semaphore, #tpu.memory_space<semaphore_mem>>
        %dma_wait3A_1325 = tpu.memref_squeeze %dma_wait3A_1324 : memref<1x!tpu.dma_semaphore, #tpu.memory_space<semaphore_mem>> -> memref<!tpu.dma_semaphore, #tpu.memory_space<semaphore_mem>>
        %dma_wait3A_1326 = arith.constant 0 : i32
        %dma_wait3A_1327 = arith.constant 0 : i32
        %dma_wait3A_1328 = tpu.memref_slice %arg4[%dma_wait3A_1326, %dma_wait3A_1327] : memref<204800x128xf32, #tpu.memory_space<hbm>> -> memref<128x64xf32, #tpu.memory_space<hbm>>
        %dma_wait3A_1329 = arith.constant 0 : i32
        %dma_wait3A_1330 = arith.constant 0 : i32
        %dma_wait3A_1331 = tpu.memref_slice %arg6[%dma_wait3A_1315, %dma_wait3A_1329, %dma_wait3A_1330] : memref<10x128x64xf32, #tpu.memory_space<vmem>> -> memref<1x128x64xf32, #tpu.memory_space<vmem>>
        %dma_wait3A_1332 = tpu.memref_squeeze %dma_wait3A_1331 : memref<1x128x64xf32, #tpu.memory_space<vmem>> -> memref<128x64xf32, #tpu.memory_space<vmem>>
        tpu.wait_dma2 semaphore(%dma_wait3A_1325 : memref<!tpu.dma_semaphore, #tpu.memory_space<semaphore_mem>>) src(%dma_wait3A_1332 : memref<128x64xf32, #tpu.memory_space<vmem>>) dst(%dma_wait3A_1328 : memref<128x64xf32, #tpu.memory_space<hbm>>)
        %add3A_1333 = arith.constant 5 : i32
        %add3A_1334 = arith.addi %add3A_823, %add3A_1333 : i32
        %mul3A_1335 = arith.constant 128 : i32
        %mul3A_1336 = arith.muli %add3A_1334, %mul3A_1335 : i32
        %dma_start3A_1337 = arith.constant 0 : i32
        %dma_start3A_1338 = arith.constant 0 : i32
        %dma_start3A_1339 = arith.constant 0 : i32
        %dma_start3A_1340 = arith.constant 0 : i32
        %dma_start3A_1341 = tpu.memref_slice %arg6[%dma_start3A_1337, %dma_start3A_1339, %dma_start3A_1340] : memref<10x128x64xf32, #tpu.memory_space<vmem>> -> memref<1x128x64xf32, #tpu.memory_space<vmem>>
        %dma_start3A_1342 = tpu.memref_squeeze %dma_start3A_1341 : memref<1x128x64xf32, #tpu.memory_space<vmem>> -> memref<128x64xf32, #tpu.memory_space<vmem>>
        %dma_start3A_1343 = tpu.memref_slice %arg5[%mul3A_1336] : memref<6400xi32, #tpu.memory_space<vmem>> -> memref<128xi32, #tpu.memory_space<vmem>>
        %dma_start3A_1344 = arith.constant 0 : i32
        %dma_start3A_1345 = arith.constant 0 : i32
        %dma_start3A_1346 = tpu.memref_slice %arg3[%dma_start3A_1344, %dma_start3A_1345] : memref<100000x64xf32, #tpu.memory_space<hbm>> -> memref<100000x64xf32, #tpu.memory_space<hbm>>
        %dma_start3A_1347 = tpu.memref_slice %arg7[%dma_start3A_1338] : memref<10x!tpu.dma_semaphore, #tpu.memory_space<semaphore_mem>> -> memref<1x!tpu.dma_semaphore, #tpu.memory_space<semaphore_mem>>
        %dma_start3A_1348 = tpu.memref_squeeze %dma_start3A_1347 : memref<1x!tpu.dma_semaphore, #tpu.memory_space<semaphore_mem>> -> memref<!tpu.dma_semaphore, #tpu.memory_space<semaphore_mem>>
        tpu.enqueue_indirect_dma source(%dma_start3A_1346 : memref<100000x64xf32, #tpu.memory_space<hbm>>) target(%dma_start3A_1342 : memref<128x64xf32, #tpu.memory_space<vmem>>) offsets(%dma_start3A_1343 : memref<128xi32, #tpu.memory_space<vmem>>) semaphore(%dma_start3A_1348 : memref<!tpu.dma_semaphore, #tpu.memory_space<semaphore_mem>>)
      } else {
      }
      %mul3A_918 = arith.constant 10 : i32
      %mul3A_919 = arith.muli %scan3A_254, %mul3A_918 : i32
      %add3A_920 = arith.constant 6 : i32
      %add3A_921 = arith.addi %mul3A_919, %add3A_920 : i32
      %dma_wait3A_922 = arith.constant 6 : i32
      %dma_wait3A_923 = arith.constant 6 : i32
      %dma_wait3A_924 = arith.constant 0 : i32
      %dma_wait3A_925 = arith.constant 0 : i32
      %dma_wait3A_926 = tpu.memref_slice %arg6[%dma_wait3A_922, %dma_wait3A_924, %dma_wait3A_925] : memref<10x128x64xf32, #tpu.memory_space<vmem>> -> memref<1x128x64xf32, #tpu.memory_space<vmem>>
      %dma_wait3A_927 = tpu.memref_squeeze %dma_wait3A_926 : memref<1x128x64xf32, #tpu.memory_space<vmem>> -> memref<128x64xf32, #tpu.memory_space<vmem>>
      %dma_wait3A_928 = arith.constant 0 : i32
      %dma_wait3A_929 = tpu.memref_slice %arg5[%dma_wait3A_928] : memref<6400xi32, #tpu.memory_space<vmem>> -> memref<128xi32, #tpu.memory_space<vmem>>
      %dma_wait3A_930 = arith.constant 0 : i32
      %dma_wait3A_931 = arith.constant 0 : i32
      %dma_wait3A_932 = tpu.memref_slice %arg3[%dma_wait3A_930, %dma_wait3A_931] : memref<100000x64xf32, #tpu.memory_space<hbm>> -> memref<100000x64xf32, #tpu.memory_space<hbm>>
      %dma_wait3A_933 = tpu.memref_slice %arg7[%dma_wait3A_923] : memref<10x!tpu.dma_semaphore, #tpu.memory_space<semaphore_mem>> -> memref<1x!tpu.dma_semaphore, #tpu.memory_space<semaphore_mem>>
      %dma_wait3A_934 = tpu.memref_squeeze %dma_wait3A_933 : memref<1x!tpu.dma_semaphore, #tpu.memory_space<semaphore_mem>> -> memref<!tpu.dma_semaphore, #tpu.memory_space<semaphore_mem>>
      tpu.wait_indirect_dma semaphore(%dma_wait3A_934 : memref<!tpu.dma_semaphore, #tpu.memory_space<semaphore_mem>>) src(%dma_wait3A_932 : memref<100000x64xf32, #tpu.memory_space<hbm>>) dst(%dma_wait3A_927 : memref<128x64xf32, #tpu.memory_space<vmem>>)
      %add3A_935 = arith.addi %mul3A_2, %add3A_921 : i32
      %jit3A_936 = arith.constant 64 : i32
      %div3A_937 = arith.divsi %add3A_935, %jit3A_936 : i32
      %sign3A_938 = arith.constant 0 : i32
      %sign3A_939 = arith.cmpi sgt, %add3A_935, %sign3A_938 : i32
      %sign3A_940 = arith.extui %sign3A_939 : i1 to i32
      %sign3A_941 = arith.constant 0 : i32
      %sign3A_942 = arith.cmpi slt, %add3A_935, %sign3A_941 : i32
      %sign3A_943 = arith.extui %sign3A_942 : i1 to i32
      %sign3A_944 = arith.subi %sign3A_940, %sign3A_943 : i32
      %sign3A_945 = arith.constant 0 : i32
      %sign3A_946 = arith.cmpi sgt, %jit3A_936, %sign3A_945 : i32
      %sign3A_947 = arith.extui %sign3A_946 : i1 to i32
      %sign3A_948 = arith.constant 0 : i32
      %sign3A_949 = arith.cmpi slt, %jit3A_936, %sign3A_948 : i32
      %sign3A_950 = arith.extui %sign3A_949 : i1 to i32
      %sign3A_951 = arith.subi %sign3A_947, %sign3A_950 : i32
      %ne3A_952 = arith.cmpi ne, %sign3A_944, %sign3A_951 : i32
      %rem3A_953 = arith.remsi %add3A_935, %jit3A_936 : i32
      %ne3A_954 = arith.constant 0 : i32
      %ne3A_955 = arith.cmpi ne, %rem3A_953, %ne3A_954 : i32
      %and3A_956 = arith.andi %ne3A_952, %ne3A_955 : i1
      %sub3A_957 = arith.constant 1 : i32
      %sub3A_958 = arith.subi %div3A_937, %sub3A_957 : i32
      %select_n3A_959 = arith.select %and3A_956, %sub3A_958, %div3A_937 : i32
      %rem3A_960 = arith.constant 64 : i32
      %rem3A_961 = arith.remsi %add3A_935, %rem3A_960 : i32
      %jit3A_962 = arith.constant 8 : i32
      %div3A_963 = arith.divsi %rem3A_961, %jit3A_962 : i32
      %sign3A_964 = arith.constant 0 : i32
      %sign3A_965 = arith.cmpi sgt, %rem3A_961, %sign3A_964 : i32
      %sign3A_966 = arith.extui %sign3A_965 : i1 to i32
      %sign3A_967 = arith.constant 0 : i32
      %sign3A_968 = arith.cmpi slt, %rem3A_961, %sign3A_967 : i32
      %sign3A_969 = arith.extui %sign3A_968 : i1 to i32
      %sign3A_970 = arith.subi %sign3A_966, %sign3A_969 : i32
      %sign3A_971 = arith.constant 0 : i32
      %sign3A_972 = arith.cmpi sgt, %jit3A_962, %sign3A_971 : i32
      %sign3A_973 = arith.extui %sign3A_972 : i1 to i32
      %sign3A_974 = arith.constant 0 : i32
      %sign3A_975 = arith.cmpi slt, %jit3A_962, %sign3A_974 : i32
      %sign3A_976 = arith.extui %sign3A_975 : i1 to i32
      %sign3A_977 = arith.subi %sign3A_973, %sign3A_976 : i32
      %ne3A_978 = arith.cmpi ne, %sign3A_970, %sign3A_977 : i32
      %rem3A_979 = arith.remsi %rem3A_961, %jit3A_962 : i32
      %ne3A_980 = arith.constant 0 : i32
      %ne3A_981 = arith.cmpi ne, %rem3A_979, %ne3A_980 : i32
      %and3A_982 = arith.andi %ne3A_978, %ne3A_981 : i1
      %sub3A_983 = arith.constant 1 : i32
      %sub3A_984 = arith.subi %div3A_963, %sub3A_983 : i32
      %select_n3A_985 = arith.select %and3A_982, %sub3A_984, %div3A_963 : i32
      %rem3A_986 = arith.constant 8 : i32
      %rem3A_987 = arith.remsi %add3A_935, %rem3A_986 : i32
      %mul3A_988 = arith.constant 8192 : i32
      %mul3A_989 = arith.muli %select_n3A_959, %mul3A_988 : i32
      %mul3A_990 = arith.constant 1024 : i32
      %mul3A_991 = arith.muli %rem3A_987, %mul3A_990 : i32
      %add3A_992 = arith.addi %mul3A_989, %mul3A_991 : i32
      %mul3A_993 = arith.constant 128 : i32
      %mul3A_994 = arith.muli %select_n3A_985, %mul3A_993 : i32
      %add3A_995 = arith.addi %add3A_992, %mul3A_994 : i32
      %dma_start3A_996 = arith.constant 6 : i32
      %dma_start3A_997 = arith.constant 6 : i32
      %dma_start3A_998 = arith.constant 0 : i32
      %dma_start3A_999 = arith.constant 0 : i32
      %dma_start3A_1000 = tpu.memref_slice %arg6[%dma_start3A_996, %dma_start3A_998, %dma_start3A_999] : memref<10x128x64xf32, #tpu.memory_space<vmem>> -> memref<1x128x64xf32, #tpu.memory_space<vmem>>
      %dma_start3A_1001 = tpu.memref_squeeze %dma_start3A_1000 : memref<1x128x64xf32, #tpu.memory_space<vmem>> -> memref<128x64xf32, #tpu.memory_space<vmem>>
      %dma_start3A_1002 = arith.constant 0 : i32
      %dma_start3A_1003 = tpu.memref_slice %arg4[%add3A_995, %dma_start3A_1002] : memref<204800x128xf32, #tpu.memory_space<hbm>> -> memref<128x64xf32, #tpu.memory_space<hbm>>
      %dma_start3A_1004 = tpu.memref_slice %arg8[%dma_start3A_997] : memref<10x!tpu.dma_semaphore, #tpu.memory_space<semaphore_mem>> -> memref<1x!tpu.dma_semaphore, #tpu.memory_space<semaphore_mem>>
      %dma_start3A_1005 = tpu.memref_squeeze %dma_start3A_1004 : memref<1x!tpu.dma_semaphore, #tpu.memory_space<semaphore_mem>> -> memref<!tpu.dma_semaphore, #tpu.memory_space<semaphore_mem>>
      %dma_start3A_1006 = arith.constant 0 : i32
      %dma_start3A_1007 = tpu.memref_slice %arg4[%add3A_995, %dma_start3A_1006] : memref<204800x128xf32, #tpu.memory_space<hbm>> -> memref<128x64xf32, #tpu.memory_space<hbm>>
      %dma_start3A_1008 = arith.constant 0 : i32
      %dma_start3A_1009 = arith.constant 0 : i32
      %dma_start3A_1010 = tpu.memref_slice %arg6[%dma_start3A_996, %dma_start3A_1008, %dma_start3A_1009] : memref<10x128x64xf32, #tpu.memory_space<vmem>> -> memref<1x128x64xf32, #tpu.memory_space<vmem>>
      %dma_start3A_1011 = tpu.memref_squeeze %dma_start3A_1010 : memref<1x128x64xf32, #tpu.memory_space<vmem>> -> memref<128x64xf32, #tpu.memory_space<vmem>>
      tpu.enqueue_dma source(%dma_start3A_1011 : memref<128x64xf32, #tpu.memory_space<vmem>>) target(%dma_start3A_1007 : memref<128x64xf32, #tpu.memory_space<hbm>>) target_semaphore(%dma_start3A_1005 : memref<!tpu.dma_semaphore, #tpu.memory_space<semaphore_mem>>)
      %lt3A_1012 = arith.constant 4 : i32
      %lt3A_1013 = arith.cmpi slt, %scan3A_254, %lt3A_1012 : i32
      %convert_element_type3A_1014 = arith.extui %lt3A_1013 : i1 to i32
      %cond3A_1015 = arith.constant 0 : i32
      %cond3A_1016 = arith.cmpi ne, %convert_element_type3A_1014, %cond3A_1015 : i32
      scf.if %cond3A_1016 {
        %dma_wait3A_1315 = arith.constant 1 : i32
        %dma_wait3A_1316 = arith.constant 1 : i32
        %dma_wait3A_1317 = arith.constant 0 : i32
        %dma_wait3A_1318 = arith.constant 0 : i32
        %dma_wait3A_1319 = tpu.memref_slice %arg6[%dma_wait3A_1315, %dma_wait3A_1317, %dma_wait3A_1318] : memref<10x128x64xf32, #tpu.memory_space<vmem>> -> memref<1x128x64xf32, #tpu.memory_space<vmem>>
        %dma_wait3A_1320 = tpu.memref_squeeze %dma_wait3A_1319 : memref<1x128x64xf32, #tpu.memory_space<vmem>> -> memref<128x64xf32, #tpu.memory_space<vmem>>
        %dma_wait3A_1321 = arith.constant 0 : i32
        %dma_wait3A_1322 = arith.constant 0 : i32
        %dma_wait3A_1323 = tpu.memref_slice %arg4[%dma_wait3A_1321, %dma_wait3A_1322] : memref<204800x128xf32, #tpu.memory_space<hbm>> -> memref<128x64xf32, #tpu.memory_space<hbm>>
        %dma_wait3A_1324 = tpu.memref_slice %arg8[%dma_wait3A_1316] : memref<10x!tpu.dma_semaphore, #tpu.memory_space<semaphore_mem>> -> memref<1x!tpu.dma_semaphore, #tpu.memory_space<semaphore_mem>>
        %dma_wait3A_1325 = tpu.memref_squeeze %dma_wait3A_1324 : memref<1x!tpu.dma_semaphore, #tpu.memory_space<semaphore_mem>> -> memref<!tpu.dma_semaphore, #tpu.memory_space<semaphore_mem>>
        %dma_wait3A_1326 = arith.constant 0 : i32
        %dma_wait3A_1327 = arith.constant 0 : i32
        %dma_wait3A_1328 = tpu.memref_slice %arg4[%dma_wait3A_1326, %dma_wait3A_1327] : memref<204800x128xf32, #tpu.memory_space<hbm>> -> memref<128x64xf32, #tpu.memory_space<hbm>>
        %dma_wait3A_1329 = arith.constant 0 : i32
        %dma_wait3A_1330 = arith.constant 0 : i32
        %dma_wait3A_1331 = tpu.memref_slice %arg6[%dma_wait3A_1315, %dma_wait3A_1329, %dma_wait3A_1330] : memref<10x128x64xf32, #tpu.memory_space<vmem>> -> memref<1x128x64xf32, #tpu.memory_space<vmem>>
        %dma_wait3A_1332 = tpu.memref_squeeze %dma_wait3A_1331 : memref<1x128x64xf32, #tpu.memory_space<vmem>> -> memref<128x64xf32, #tpu.memory_space<vmem>>
        tpu.wait_dma2 semaphore(%dma_wait3A_1325 : memref<!tpu.dma_semaphore, #tpu.memory_space<semaphore_mem>>) src(%dma_wait3A_1332 : memref<128x64xf32, #tpu.memory_space<vmem>>) dst(%dma_wait3A_1328 : memref<128x64xf32, #tpu.memory_space<hbm>>)
        %add3A_1333 = arith.constant 5 : i32
        %add3A_1334 = arith.addi %add3A_921, %add3A_1333 : i32
        %mul3A_1335 = arith.constant 128 : i32
        %mul3A_1336 = arith.muli %add3A_1334, %mul3A_1335 : i32
        %dma_start3A_1337 = arith.constant 1 : i32
        %dma_start3A_1338 = arith.constant 1 : i32
        %dma_start3A_1339 = arith.constant 0 : i32
        %dma_start3A_1340 = arith.constant 0 : i32
        %dma_start3A_1341 = tpu.memref_slice %arg6[%dma_start3A_1337, %dma_start3A_1339, %dma_start3A_1340] : memref<10x128x64xf32, #tpu.memory_space<vmem>> -> memref<1x128x64xf32, #tpu.memory_space<vmem>>
        %dma_start3A_1342 = tpu.memref_squeeze %dma_start3A_1341 : memref<1x128x64xf32, #tpu.memory_space<vmem>> -> memref<128x64xf32, #tpu.memory_space<vmem>>
        %dma_start3A_1343 = tpu.memref_slice %arg5[%mul3A_1336] : memref<6400xi32, #tpu.memory_space<vmem>> -> memref<128xi32, #tpu.memory_space<vmem>>
        %dma_start3A_1344 = arith.constant 0 : i32
        %dma_start3A_1345 = arith.constant 0 : i32
        %dma_start3A_1346 = tpu.memref_slice %arg3[%dma_start3A_1344, %dma_start3A_1345] : memref<100000x64xf32, #tpu.memory_space<hbm>> -> memref<100000x64xf32, #tpu.memory_space<hbm>>
        %dma_start3A_1347 = tpu.memref_slice %arg7[%dma_start3A_1338] : memref<10x!tpu.dma_semaphore, #tpu.memory_space<semaphore_mem>> -> memref<1x!tpu.dma_semaphore, #tpu.memory_space<semaphore_mem>>
        %dma_start3A_1348 = tpu.memref_squeeze %dma_start3A_1347 : memref<1x!tpu.dma_semaphore, #tpu.memory_space<semaphore_mem>> -> memref<!tpu.dma_semaphore, #tpu.memory_space<semaphore_mem>>
        tpu.enqueue_indirect_dma source(%dma_start3A_1346 : memref<100000x64xf32, #tpu.memory_space<hbm>>) target(%dma_start3A_1342 : memref<128x64xf32, #tpu.memory_space<vmem>>) offsets(%dma_start3A_1343 : memref<128xi32, #tpu.memory_space<vmem>>) semaphore(%dma_start3A_1348 : memref<!tpu.dma_semaphore, #tpu.memory_space<semaphore_mem>>)
      } else {
      }
      %mul3A_1017 = arith.constant 10 : i32
      %mul3A_1018 = arith.muli %scan3A_254, %mul3A_1017 : i32
      %add3A_1019 = arith.constant 7 : i32
      %add3A_1020 = arith.addi %mul3A_1018, %add3A_1019 : i32
      %dma_wait3A_1021 = arith.constant 7 : i32
      %dma_wait3A_1022 = arith.constant 7 : i32
      %dma_wait3A_1023 = arith.constant 0 : i32
      %dma_wait3A_1024 = arith.constant 0 : i32
      %dma_wait3A_1025 = tpu.memref_slice %arg6[%dma_wait3A_1021, %dma_wait3A_1023, %dma_wait3A_1024] : memref<10x128x64xf32, #tpu.memory_space<vmem>> -> memref<1x128x64xf32, #tpu.memory_space<vmem>>
      %dma_wait3A_1026 = tpu.memref_squeeze %dma_wait3A_1025 : memref<1x128x64xf32, #tpu.memory_space<vmem>> -> memref<128x64xf32, #tpu.memory_space<vmem>>
      %dma_wait3A_1027 = arith.constant 0 : i32
      %dma_wait3A_1028 = tpu.memref_slice %arg5[%dma_wait3A_1027] : memref<6400xi32, #tpu.memory_space<vmem>> -> memref<128xi32, #tpu.memory_space<vmem>>
      %dma_wait3A_1029 = arith.constant 0 : i32
      %dma_wait3A_1030 = arith.constant 0 : i32
      %dma_wait3A_1031 = tpu.memref_slice %arg3[%dma_wait3A_1029, %dma_wait3A_1030] : memref<100000x64xf32, #tpu.memory_space<hbm>> -> memref<100000x64xf32, #tpu.memory_space<hbm>>
      %dma_wait3A_1032 = tpu.memref_slice %arg7[%dma_wait3A_1022] : memref<10x!tpu.dma_semaphore, #tpu.memory_space<semaphore_mem>> -> memref<1x!tpu.dma_semaphore, #tpu.memory_space<semaphore_mem>>
      %dma_wait3A_1033 = tpu.memref_squeeze %dma_wait3A_1032 : memref<1x!tpu.dma_semaphore, #tpu.memory_space<semaphore_mem>> -> memref<!tpu.dma_semaphore, #tpu.memory_space<semaphore_mem>>
      tpu.wait_indirect_dma semaphore(%dma_wait3A_1033 : memref<!tpu.dma_semaphore, #tpu.memory_space<semaphore_mem>>) src(%dma_wait3A_1031 : memref<100000x64xf32, #tpu.memory_space<hbm>>) dst(%dma_wait3A_1026 : memref<128x64xf32, #tpu.memory_space<vmem>>)
      %add3A_1034 = arith.addi %mul3A_2, %add3A_1020 : i32
      %jit3A_1035 = arith.constant 64 : i32
      %div3A_1036 = arith.divsi %add3A_1034, %jit3A_1035 : i32
      %sign3A_1037 = arith.constant 0 : i32
      %sign3A_1038 = arith.cmpi sgt, %add3A_1034, %sign3A_1037 : i32
      %sign3A_1039 = arith.extui %sign3A_1038 : i1 to i32
      %sign3A_1040 = arith.constant 0 : i32
      %sign3A_1041 = arith.cmpi slt, %add3A_1034, %sign3A_1040 : i32
      %sign3A_1042 = arith.extui %sign3A_1041 : i1 to i32
      %sign3A_1043 = arith.subi %sign3A_1039, %sign3A_1042 : i32
      %sign3A_1044 = arith.constant 0 : i32
      %sign3A_1045 = arith.cmpi sgt, %jit3A_1035, %sign3A_1044 : i32
      %sign3A_1046 = arith.extui %sign3A_1045 : i1 to i32
      %sign3A_1047 = arith.constant 0 : i32
      %sign3A_1048 = arith.cmpi slt, %jit3A_1035, %sign3A_1047 : i32
      %sign3A_1049 = arith.extui %sign3A_1048 : i1 to i32
      %sign3A_1050 = arith.subi %sign3A_1046, %sign3A_1049 : i32
      %ne3A_1051 = arith.cmpi ne, %sign3A_1043, %sign3A_1050 : i32
      %rem3A_1052 = arith.remsi %add3A_1034, %jit3A_1035 : i32
      %ne3A_1053 = arith.constant 0 : i32
      %ne3A_1054 = arith.cmpi ne, %rem3A_1052, %ne3A_1053 : i32
      %and3A_1055 = arith.andi %ne3A_1051, %ne3A_1054 : i1
      %sub3A_1056 = arith.constant 1 : i32
      %sub3A_1057 = arith.subi %div3A_1036, %sub3A_1056 : i32
      %select_n3A_1058 = arith.select %and3A_1055, %sub3A_1057, %div3A_1036 : i32
      %rem3A_1059 = arith.constant 64 : i32
      %rem3A_1060 = arith.remsi %add3A_1034, %rem3A_1059 : i32
      %jit3A_1061 = arith.constant 8 : i32
      %div3A_1062 = arith.divsi %rem3A_1060, %jit3A_1061 : i32
      %sign3A_1063 = arith.constant 0 : i32
      %sign3A_1064 = arith.cmpi sgt, %rem3A_1060, %sign3A_1063 : i32
      %sign3A_1065 = arith.extui %sign3A_1064 : i1 to i32
      %sign3A_1066 = arith.constant 0 : i32
      %sign3A_1067 = arith.cmpi slt, %rem3A_1060, %sign3A_1066 : i32
      %sign3A_1068 = arith.extui %sign3A_1067 : i1 to i32
      %sign3A_1069 = arith.subi %sign3A_1065, %sign3A_1068 : i32
      %sign3A_1070 = arith.constant 0 : i32
      %sign3A_1071 = arith.cmpi sgt, %jit3A_1061, %sign3A_1070 : i32
      %sign3A_1072 = arith.extui %sign3A_1071 : i1 to i32
      %sign3A_1073 = arith.constant 0 : i32
      %sign3A_1074 = arith.cmpi slt, %jit3A_1061, %sign3A_1073 : i32
      %sign3A_1075 = arith.extui %sign3A_1074 : i1 to i32
      %sign3A_1076 = arith.subi %sign3A_1072, %sign3A_1075 : i32
      %ne3A_1077 = arith.cmpi ne, %sign3A_1069, %sign3A_1076 : i32
      %rem3A_1078 = arith.remsi %rem3A_1060, %jit3A_1061 : i32
      %ne3A_1079 = arith.constant 0 : i32
      %ne3A_1080 = arith.cmpi ne, %rem3A_1078, %ne3A_1079 : i32
      %and3A_1081 = arith.andi %ne3A_1077, %ne3A_1080 : i1
      %sub3A_1082 = arith.constant 1 : i32
      %sub3A_1083 = arith.subi %div3A_1062, %sub3A_1082 : i32
      %select_n3A_1084 = arith.select %and3A_1081, %sub3A_1083, %div3A_1062 : i32
      %rem3A_1085 = arith.constant 8 : i32
      %rem3A_1086 = arith.remsi %add3A_1034, %rem3A_1085 : i32
      %mul3A_1087 = arith.constant 8192 : i32
      %mul3A_1088 = arith.muli %select_n3A_1058, %mul3A_1087 : i32
      %mul3A_1089 = arith.constant 1024 : i32
      %mul3A_1090 = arith.muli %rem3A_1086, %mul3A_1089 : i32
      %add3A_1091 = arith.addi %mul3A_1088, %mul3A_1090 : i32
      %mul3A_1092 = arith.constant 128 : i32
      %mul3A_1093 = arith.muli %select_n3A_1084, %mul3A_1092 : i32
      %add3A_1094 = arith.addi %add3A_1091, %mul3A_1093 : i32
      %dma_start3A_1095 = arith.constant 7 : i32
      %dma_start3A_1096 = arith.constant 7 : i32
      %dma_start3A_1097 = arith.constant 0 : i32
      %dma_start3A_1098 = arith.constant 0 : i32
      %dma_start3A_1099 = tpu.memref_slice %arg6[%dma_start3A_1095, %dma_start3A_1097, %dma_start3A_1098] : memref<10x128x64xf32, #tpu.memory_space<vmem>> -> memref<1x128x64xf32, #tpu.memory_space<vmem>>
      %dma_start3A_1100 = tpu.memref_squeeze %dma_start3A_1099 : memref<1x128x64xf32, #tpu.memory_space<vmem>> -> memref<128x64xf32, #tpu.memory_space<vmem>>
      %dma_start3A_1101 = arith.constant 0 : i32
      %dma_start3A_1102 = tpu.memref_slice %arg4[%add3A_1094, %dma_start3A_1101] : memref<204800x128xf32, #tpu.memory_space<hbm>> -> memref<128x64xf32, #tpu.memory_space<hbm>>
      %dma_start3A_1103 = tpu.memref_slice %arg8[%dma_start3A_1096] : memref<10x!tpu.dma_semaphore, #tpu.memory_space<semaphore_mem>> -> memref<1x!tpu.dma_semaphore, #tpu.memory_space<semaphore_mem>>
      %dma_start3A_1104 = tpu.memref_squeeze %dma_start3A_1103 : memref<1x!tpu.dma_semaphore, #tpu.memory_space<semaphore_mem>> -> memref<!tpu.dma_semaphore, #tpu.memory_space<semaphore_mem>>
      %dma_start3A_1105 = arith.constant 0 : i32
      %dma_start3A_1106 = tpu.memref_slice %arg4[%add3A_1094, %dma_start3A_1105] : memref<204800x128xf32, #tpu.memory_space<hbm>> -> memref<128x64xf32, #tpu.memory_space<hbm>>
      %dma_start3A_1107 = arith.constant 0 : i32
      %dma_start3A_1108 = arith.constant 0 : i32
      %dma_start3A_1109 = tpu.memref_slice %arg6[%dma_start3A_1095, %dma_start3A_1107, %dma_start3A_1108] : memref<10x128x64xf32, #tpu.memory_space<vmem>> -> memref<1x128x64xf32, #tpu.memory_space<vmem>>
      %dma_start3A_1110 = tpu.memref_squeeze %dma_start3A_1109 : memref<1x128x64xf32, #tpu.memory_space<vmem>> -> memref<128x64xf32, #tpu.memory_space<vmem>>
      tpu.enqueue_dma source(%dma_start3A_1110 : memref<128x64xf32, #tpu.memory_space<vmem>>) target(%dma_start3A_1106 : memref<128x64xf32, #tpu.memory_space<hbm>>) target_semaphore(%dma_start3A_1104 : memref<!tpu.dma_semaphore, #tpu.memory_space<semaphore_mem>>)
      %lt3A_1111 = arith.constant 4 : i32
      %lt3A_1112 = arith.cmpi slt, %scan3A_254, %lt3A_1111 : i32
      %convert_element_type3A_1113 = arith.extui %lt3A_1112 : i1 to i32
      %cond3A_1114 = arith.constant 0 : i32
      %cond3A_1115 = arith.cmpi ne, %convert_element_type3A_1113, %cond3A_1114 : i32
      scf.if %cond3A_1115 {
        %dma_wait3A_1315 = arith.constant 2 : i32
        %dma_wait3A_1316 = arith.constant 2 : i32
        %dma_wait3A_1317 = arith.constant 0 : i32
        %dma_wait3A_1318 = arith.constant 0 : i32
        %dma_wait3A_1319 = tpu.memref_slice %arg6[%dma_wait3A_1315, %dma_wait3A_1317, %dma_wait3A_1318] : memref<10x128x64xf32, #tpu.memory_space<vmem>> -> memref<1x128x64xf32, #tpu.memory_space<vmem>>
        %dma_wait3A_1320 = tpu.memref_squeeze %dma_wait3A_1319 : memref<1x128x64xf32, #tpu.memory_space<vmem>> -> memref<128x64xf32, #tpu.memory_space<vmem>>
        %dma_wait3A_1321 = arith.constant 0 : i32
        %dma_wait3A_1322 = arith.constant 0 : i32
        %dma_wait3A_1323 = tpu.memref_slice %arg4[%dma_wait3A_1321, %dma_wait3A_1322] : memref<204800x128xf32, #tpu.memory_space<hbm>> -> memref<128x64xf32, #tpu.memory_space<hbm>>
        %dma_wait3A_1324 = tpu.memref_slice %arg8[%dma_wait3A_1316] : memref<10x!tpu.dma_semaphore, #tpu.memory_space<semaphore_mem>> -> memref<1x!tpu.dma_semaphore, #tpu.memory_space<semaphore_mem>>
        %dma_wait3A_1325 = tpu.memref_squeeze %dma_wait3A_1324 : memref<1x!tpu.dma_semaphore, #tpu.memory_space<semaphore_mem>> -> memref<!tpu.dma_semaphore, #tpu.memory_space<semaphore_mem>>
        %dma_wait3A_1326 = arith.constant 0 : i32
        %dma_wait3A_1327 = arith.constant 0 : i32
        %dma_wait3A_1328 = tpu.memref_slice %arg4[%dma_wait3A_1326, %dma_wait3A_1327] : memref<204800x128xf32, #tpu.memory_space<hbm>> -> memref<128x64xf32, #tpu.memory_space<hbm>>
        %dma_wait3A_1329 = arith.constant 0 : i32
        %dma_wait3A_1330 = arith.constant 0 : i32
        %dma_wait3A_1331 = tpu.memref_slice %arg6[%dma_wait3A_1315, %dma_wait3A_1329, %dma_wait3A_1330] : memref<10x128x64xf32, #tpu.memory_space<vmem>> -> memref<1x128x64xf32, #tpu.memory_space<vmem>>
        %dma_wait3A_1332 = tpu.memref_squeeze %dma_wait3A_1331 : memref<1x128x64xf32, #tpu.memory_space<vmem>> -> memref<128x64xf32, #tpu.memory_space<vmem>>
        tpu.wait_dma2 semaphore(%dma_wait3A_1325 : memref<!tpu.dma_semaphore, #tpu.memory_space<semaphore_mem>>) src(%dma_wait3A_1332 : memref<128x64xf32, #tpu.memory_space<vmem>>) dst(%dma_wait3A_1328 : memref<128x64xf32, #tpu.memory_space<hbm>>)
        %add3A_1333 = arith.constant 5 : i32
        %add3A_1334 = arith.addi %add3A_1020, %add3A_1333 : i32
        %mul3A_1335 = arith.constant 128 : i32
        %mul3A_1336 = arith.muli %add3A_1334, %mul3A_1335 : i32
        %dma_start3A_1337 = arith.constant 2 : i32
        %dma_start3A_1338 = arith.constant 2 : i32
        %dma_start3A_1339 = arith.constant 0 : i32
        %dma_start3A_1340 = arith.constant 0 : i32
        %dma_start3A_1341 = tpu.memref_slice %arg6[%dma_start3A_1337, %dma_start3A_1339, %dma_start3A_1340] : memref<10x128x64xf32, #tpu.memory_space<vmem>> -> memref<1x128x64xf32, #tpu.memory_space<vmem>>
        %dma_start3A_1342 = tpu.memref_squeeze %dma_start3A_1341 : memref<1x128x64xf32, #tpu.memory_space<vmem>> -> memref<128x64xf32, #tpu.memory_space<vmem>>
        %dma_start3A_1343 = tpu.memref_slice %arg5[%mul3A_1336] : memref<6400xi32, #tpu.memory_space<vmem>> -> memref<128xi32, #tpu.memory_space<vmem>>
        %dma_start3A_1344 = arith.constant 0 : i32
        %dma_start3A_1345 = arith.constant 0 : i32
        %dma_start3A_1346 = tpu.memref_slice %arg3[%dma_start3A_1344, %dma_start3A_1345] : memref<100000x64xf32, #tpu.memory_space<hbm>> -> memref<100000x64xf32, #tpu.memory_space<hbm>>
        %dma_start3A_1347 = tpu.memref_slice %arg7[%dma_start3A_1338] : memref<10x!tpu.dma_semaphore, #tpu.memory_space<semaphore_mem>> -> memref<1x!tpu.dma_semaphore, #tpu.memory_space<semaphore_mem>>
        %dma_start3A_1348 = tpu.memref_squeeze %dma_start3A_1347 : memref<1x!tpu.dma_semaphore, #tpu.memory_space<semaphore_mem>> -> memref<!tpu.dma_semaphore, #tpu.memory_space<semaphore_mem>>
        tpu.enqueue_indirect_dma source(%dma_start3A_1346 : memref<100000x64xf32, #tpu.memory_space<hbm>>) target(%dma_start3A_1342 : memref<128x64xf32, #tpu.memory_space<vmem>>) offsets(%dma_start3A_1343 : memref<128xi32, #tpu.memory_space<vmem>>) semaphore(%dma_start3A_1348 : memref<!tpu.dma_semaphore, #tpu.memory_space<semaphore_mem>>)
      } else {
      }
      %mul3A_1116 = arith.constant 10 : i32
      %mul3A_1117 = arith.muli %scan3A_254, %mul3A_1116 : i32
      %add3A_1118 = arith.constant 8 : i32
      %add3A_1119 = arith.addi %mul3A_1117, %add3A_1118 : i32
      %dma_wait3A_1120 = arith.constant 8 : i32
      %dma_wait3A_1121 = arith.constant 8 : i32
      %dma_wait3A_1122 = arith.constant 0 : i32
      %dma_wait3A_1123 = arith.constant 0 : i32
      %dma_wait3A_1124 = tpu.memref_slice %arg6[%dma_wait3A_1120, %dma_wait3A_1122, %dma_wait3A_1123] : memref<10x128x64xf32, #tpu.memory_space<vmem>> -> memref<1x128x64xf32, #tpu.memory_space<vmem>>
      %dma_wait3A_1125 = tpu.memref_squeeze %dma_wait3A_1124 : memref<1x128x64xf32, #tpu.memory_space<vmem>> -> memref<128x64xf32, #tpu.memory_space<vmem>>
      %dma_wait3A_1126 = arith.constant 0 : i32
      %dma_wait3A_1127 = tpu.memref_slice %arg5[%dma_wait3A_1126] : memref<6400xi32, #tpu.memory_space<vmem>> -> memref<128xi32, #tpu.memory_space<vmem>>
      %dma_wait3A_1128 = arith.constant 0 : i32
      %dma_wait3A_1129 = arith.constant 0 : i32
      %dma_wait3A_1130 = tpu.memref_slice %arg3[%dma_wait3A_1128, %dma_wait3A_1129] : memref<100000x64xf32, #tpu.memory_space<hbm>> -> memref<100000x64xf32, #tpu.memory_space<hbm>>
      %dma_wait3A_1131 = tpu.memref_slice %arg7[%dma_wait3A_1121] : memref<10x!tpu.dma_semaphore, #tpu.memory_space<semaphore_mem>> -> memref<1x!tpu.dma_semaphore, #tpu.memory_space<semaphore_mem>>
      %dma_wait3A_1132 = tpu.memref_squeeze %dma_wait3A_1131 : memref<1x!tpu.dma_semaphore, #tpu.memory_space<semaphore_mem>> -> memref<!tpu.dma_semaphore, #tpu.memory_space<semaphore_mem>>
      tpu.wait_indirect_dma semaphore(%dma_wait3A_1132 : memref<!tpu.dma_semaphore, #tpu.memory_space<semaphore_mem>>) src(%dma_wait3A_1130 : memref<100000x64xf32, #tpu.memory_space<hbm>>) dst(%dma_wait3A_1125 : memref<128x64xf32, #tpu.memory_space<vmem>>)
      %add3A_1133 = arith.addi %mul3A_2, %add3A_1119 : i32
      %jit3A_1134 = arith.constant 64 : i32
      %div3A_1135 = arith.divsi %add3A_1133, %jit3A_1134 : i32
      %sign3A_1136 = arith.constant 0 : i32
      %sign3A_1137 = arith.cmpi sgt, %add3A_1133, %sign3A_1136 : i32
      %sign3A_1138 = arith.extui %sign3A_1137 : i1 to i32
      %sign3A_1139 = arith.constant 0 : i32
      %sign3A_1140 = arith.cmpi slt, %add3A_1133, %sign3A_1139 : i32
      %sign3A_1141 = arith.extui %sign3A_1140 : i1 to i32
      %sign3A_1142 = arith.subi %sign3A_1138, %sign3A_1141 : i32
      %sign3A_1143 = arith.constant 0 : i32
      %sign3A_1144 = arith.cmpi sgt, %jit3A_1134, %sign3A_1143 : i32
      %sign3A_1145 = arith.extui %sign3A_1144 : i1 to i32
      %sign3A_1146 = arith.constant 0 : i32
      %sign3A_1147 = arith.cmpi slt, %jit3A_1134, %sign3A_1146 : i32
      %sign3A_1148 = arith.extui %sign3A_1147 : i1 to i32
      %sign3A_1149 = arith.subi %sign3A_1145, %sign3A_1148 : i32
      %ne3A_1150 = arith.cmpi ne, %sign3A_1142, %sign3A_1149 : i32
      %rem3A_1151 = arith.remsi %add3A_1133, %jit3A_1134 : i32
      %ne3A_1152 = arith.constant 0 : i32
      %ne3A_1153 = arith.cmpi ne, %rem3A_1151, %ne3A_1152 : i32
      %and3A_1154 = arith.andi %ne3A_1150, %ne3A_1153 : i1
      %sub3A_1155 = arith.constant 1 : i32
      %sub3A_1156 = arith.subi %div3A_1135, %sub3A_1155 : i32
      %select_n3A_1157 = arith.select %and3A_1154, %sub3A_1156, %div3A_1135 : i32
      %rem3A_1158 = arith.constant 64 : i32
      %rem3A_1159 = arith.remsi %add3A_1133, %rem3A_1158 : i32
      %jit3A_1160 = arith.constant 8 : i32
      %div3A_1161 = arith.divsi %rem3A_1159, %jit3A_1160 : i32
      %sign3A_1162 = arith.constant 0 : i32
      %sign3A_1163 = arith.cmpi sgt, %rem3A_1159, %sign3A_1162 : i32
      %sign3A_1164 = arith.extui %sign3A_1163 : i1 to i32
      %sign3A_1165 = arith.constant 0 : i32
      %sign3A_1166 = arith.cmpi slt, %rem3A_1159, %sign3A_1165 : i32
      %sign3A_1167 = arith.extui %sign3A_1166 : i1 to i32
      %sign3A_1168 = arith.subi %sign3A_1164, %sign3A_1167 : i32
      %sign3A_1169 = arith.constant 0 : i32
      %sign3A_1170 = arith.cmpi sgt, %jit3A_1160, %sign3A_1169 : i32
      %sign3A_1171 = arith.extui %sign3A_1170 : i1 to i32
      %sign3A_1172 = arith.constant 0 : i32
      %sign3A_1173 = arith.cmpi slt, %jit3A_1160, %sign3A_1172 : i32
      %sign3A_1174 = arith.extui %sign3A_1173 : i1 to i32
      %sign3A_1175 = arith.subi %sign3A_1171, %sign3A_1174 : i32
      %ne3A_1176 = arith.cmpi ne, %sign3A_1168, %sign3A_1175 : i32
      %rem3A_1177 = arith.remsi %rem3A_1159, %jit3A_1160 : i32
      %ne3A_1178 = arith.constant 0 : i32
      %ne3A_1179 = arith.cmpi ne, %rem3A_1177, %ne3A_1178 : i32
      %and3A_1180 = arith.andi %ne3A_1176, %ne3A_1179 : i1
      %sub3A_1181 = arith.constant 1 : i32
      %sub3A_1182 = arith.subi %div3A_1161, %sub3A_1181 : i32
      %select_n3A_1183 = arith.select %and3A_1180, %sub3A_1182, %div3A_1161 : i32
      %rem3A_1184 = arith.constant 8 : i32
      %rem3A_1185 = arith.remsi %add3A_1133, %rem3A_1184 : i32
      %mul3A_1186 = arith.constant 8192 : i32
      %mul3A_1187 = arith.muli %select_n3A_1157, %mul3A_1186 : i32
      %mul3A_1188 = arith.constant 1024 : i32
      %mul3A_1189 = arith.muli %rem3A_1185, %mul3A_1188 : i32
      %add3A_1190 = arith.addi %mul3A_1187, %mul3A_1189 : i32
      %mul3A_1191 = arith.constant 128 : i32
      %mul3A_1192 = arith.muli %select_n3A_1183, %mul3A_1191 : i32
      %add3A_1193 = arith.addi %add3A_1190, %mul3A_1192 : i32
      %dma_start3A_1194 = arith.constant 8 : i32
      %dma_start3A_1195 = arith.constant 8 : i32
      %dma_start3A_1196 = arith.constant 0 : i32
      %dma_start3A_1197 = arith.constant 0 : i32
      %dma_start3A_1198 = tpu.memref_slice %arg6[%dma_start3A_1194, %dma_start3A_1196, %dma_start3A_1197] : memref<10x128x64xf32, #tpu.memory_space<vmem>> -> memref<1x128x64xf32, #tpu.memory_space<vmem>>
      %dma_start3A_1199 = tpu.memref_squeeze %dma_start3A_1198 : memref<1x128x64xf32, #tpu.memory_space<vmem>> -> memref<128x64xf32, #tpu.memory_space<vmem>>
      %dma_start3A_1200 = arith.constant 0 : i32
      %dma_start3A_1201 = tpu.memref_slice %arg4[%add3A_1193, %dma_start3A_1200] : memref<204800x128xf32, #tpu.memory_space<hbm>> -> memref<128x64xf32, #tpu.memory_space<hbm>>
      %dma_start3A_1202 = tpu.memref_slice %arg8[%dma_start3A_1195] : memref<10x!tpu.dma_semaphore, #tpu.memory_space<semaphore_mem>> -> memref<1x!tpu.dma_semaphore, #tpu.memory_space<semaphore_mem>>
      %dma_start3A_1203 = tpu.memref_squeeze %dma_start3A_1202 : memref<1x!tpu.dma_semaphore, #tpu.memory_space<semaphore_mem>> -> memref<!tpu.dma_semaphore, #tpu.memory_space<semaphore_mem>>
      %dma_start3A_1204 = arith.constant 0 : i32
      %dma_start3A_1205 = tpu.memref_slice %arg4[%add3A_1193, %dma_start3A_1204] : memref<204800x128xf32, #tpu.memory_space<hbm>> -> memref<128x64xf32, #tpu.memory_space<hbm>>
      %dma_start3A_1206 = arith.constant 0 : i32
      %dma_start3A_1207 = arith.constant 0 : i32
      %dma_start3A_1208 = tpu.memref_slice %arg6[%dma_start3A_1194, %dma_start3A_1206, %dma_start3A_1207] : memref<10x128x64xf32, #tpu.memory_space<vmem>> -> memref<1x128x64xf32, #tpu.memory_space<vmem>>
      %dma_start3A_1209 = tpu.memref_squeeze %dma_start3A_1208 : memref<1x128x64xf32, #tpu.memory_space<vmem>> -> memref<128x64xf32, #tpu.memory_space<vmem>>
      tpu.enqueue_dma source(%dma_start3A_1209 : memref<128x64xf32, #tpu.memory_space<vmem>>) target(%dma_start3A_1205 : memref<128x64xf32, #tpu.memory_space<hbm>>) target_semaphore(%dma_start3A_1203 : memref<!tpu.dma_semaphore, #tpu.memory_space<semaphore_mem>>)
      %lt3A_1210 = arith.constant 4 : i32
      %lt3A_1211 = arith.cmpi slt, %scan3A_254, %lt3A_1210 : i32
      %convert_element_type3A_1212 = arith.extui %lt3A_1211 : i1 to i32
      %cond3A_1213 = arith.constant 0 : i32
      %cond3A_1214 = arith.cmpi ne, %convert_element_type3A_1212, %cond3A_1213 : i32
      scf.if %cond3A_1214 {
        %dma_wait3A_1315 = arith.constant 3 : i32
        %dma_wait3A_1316 = arith.constant 3 : i32
        %dma_wait3A_1317 = arith.constant 0 : i32
        %dma_wait3A_1318 = arith.constant 0 : i32
        %dma_wait3A_1319 = tpu.memref_slice %arg6[%dma_wait3A_1315, %dma_wait3A_1317, %dma_wait3A_1318] : memref<10x128x64xf32, #tpu.memory_space<vmem>> -> memref<1x128x64xf32, #tpu.memory_space<vmem>>
        %dma_wait3A_1320 = tpu.memref_squeeze %dma_wait3A_1319 : memref<1x128x64xf32, #tpu.memory_space<vmem>> -> memref<128x64xf32, #tpu.memory_space<vmem>>
        %dma_wait3A_1321 = arith.constant 0 : i32
        %dma_wait3A_1322 = arith.constant 0 : i32
        %dma_wait3A_1323 = tpu.memref_slice %arg4[%dma_wait3A_1321, %dma_wait3A_1322] : memref<204800x128xf32, #tpu.memory_space<hbm>> -> memref<128x64xf32, #tpu.memory_space<hbm>>
        %dma_wait3A_1324 = tpu.memref_slice %arg8[%dma_wait3A_1316] : memref<10x!tpu.dma_semaphore, #tpu.memory_space<semaphore_mem>> -> memref<1x!tpu.dma_semaphore, #tpu.memory_space<semaphore_mem>>
        %dma_wait3A_1325 = tpu.memref_squeeze %dma_wait3A_1324 : memref<1x!tpu.dma_semaphore, #tpu.memory_space<semaphore_mem>> -> memref<!tpu.dma_semaphore, #tpu.memory_space<semaphore_mem>>
        %dma_wait3A_1326 = arith.constant 0 : i32
        %dma_wait3A_1327 = arith.constant 0 : i32
        %dma_wait3A_1328 = tpu.memref_slice %arg4[%dma_wait3A_1326, %dma_wait3A_1327] : memref<204800x128xf32, #tpu.memory_space<hbm>> -> memref<128x64xf32, #tpu.memory_space<hbm>>
        %dma_wait3A_1329 = arith.constant 0 : i32
        %dma_wait3A_1330 = arith.constant 0 : i32
        %dma_wait3A_1331 = tpu.memref_slice %arg6[%dma_wait3A_1315, %dma_wait3A_1329, %dma_wait3A_1330] : memref<10x128x64xf32, #tpu.memory_space<vmem>> -> memref<1x128x64xf32, #tpu.memory_space<vmem>>
        %dma_wait3A_1332 = tpu.memref_squeeze %dma_wait3A_1331 : memref<1x128x64xf32, #tpu.memory_space<vmem>> -> memref<128x64xf32, #tpu.memory_space<vmem>>
        tpu.wait_dma2 semaphore(%dma_wait3A_1325 : memref<!tpu.dma_semaphore, #tpu.memory_space<semaphore_mem>>) src(%dma_wait3A_1332 : memref<128x64xf32, #tpu.memory_space<vmem>>) dst(%dma_wait3A_1328 : memref<128x64xf32, #tpu.memory_space<hbm>>)
        %add3A_1333 = arith.constant 5 : i32
        %add3A_1334 = arith.addi %add3A_1119, %add3A_1333 : i32
        %mul3A_1335 = arith.constant 128 : i32
        %mul3A_1336 = arith.muli %add3A_1334, %mul3A_1335 : i32
        %dma_start3A_1337 = arith.constant 3 : i32
        %dma_start3A_1338 = arith.constant 3 : i32
        %dma_start3A_1339 = arith.constant 0 : i32
        %dma_start3A_1340 = arith.constant 0 : i32
        %dma_start3A_1341 = tpu.memref_slice %arg6[%dma_start3A_1337, %dma_start3A_1339, %dma_start3A_1340] : memref<10x128x64xf32, #tpu.memory_space<vmem>> -> memref<1x128x64xf32, #tpu.memory_space<vmem>>
        %dma_start3A_1342 = tpu.memref_squeeze %dma_start3A_1341 : memref<1x128x64xf32, #tpu.memory_space<vmem>> -> memref<128x64xf32, #tpu.memory_space<vmem>>
        %dma_start3A_1343 = tpu.memref_slice %arg5[%mul3A_1336] : memref<6400xi32, #tpu.memory_space<vmem>> -> memref<128xi32, #tpu.memory_space<vmem>>
        %dma_start3A_1344 = arith.constant 0 : i32
        %dma_start3A_1345 = arith.constant 0 : i32
        %dma_start3A_1346 = tpu.memref_slice %arg3[%dma_start3A_1344, %dma_start3A_1345] : memref<100000x64xf32, #tpu.memory_space<hbm>> -> memref<100000x64xf32, #tpu.memory_space<hbm>>
        %dma_start3A_1347 = tpu.memref_slice %arg7[%dma_start3A_1338] : memref<10x!tpu.dma_semaphore, #tpu.memory_space<semaphore_mem>> -> memref<1x!tpu.dma_semaphore, #tpu.memory_space<semaphore_mem>>
        %dma_start3A_1348 = tpu.memref_squeeze %dma_start3A_1347 : memref<1x!tpu.dma_semaphore, #tpu.memory_space<semaphore_mem>> -> memref<!tpu.dma_semaphore, #tpu.memory_space<semaphore_mem>>
        tpu.enqueue_indirect_dma source(%dma_start3A_1346 : memref<100000x64xf32, #tpu.memory_space<hbm>>) target(%dma_start3A_1342 : memref<128x64xf32, #tpu.memory_space<vmem>>) offsets(%dma_start3A_1343 : memref<128xi32, #tpu.memory_space<vmem>>) semaphore(%dma_start3A_1348 : memref<!tpu.dma_semaphore, #tpu.memory_space<semaphore_mem>>)
      } else {
      }
      %mul3A_1215 = arith.constant 10 : i32
      %mul3A_1216 = arith.muli %scan3A_254, %mul3A_1215 : i32
      %add3A_1217 = arith.constant 9 : i32
      %add3A_1218 = arith.addi %mul3A_1216, %add3A_1217 : i32
      %dma_wait3A_1219 = arith.constant 9 : i32
      %dma_wait3A_1220 = arith.constant 9 : i32
      %dma_wait3A_1221 = arith.constant 0 : i32
      %dma_wait3A_1222 = arith.constant 0 : i32
      %dma_wait3A_1223 = tpu.memref_slice %arg6[%dma_wait3A_1219, %dma_wait3A_1221, %dma_wait3A_1222] : memref<10x128x64xf32, #tpu.memory_space<vmem>> -> memref<1x128x64xf32, #tpu.memory_space<vmem>>
      %dma_wait3A_1224 = tpu.memref_squeeze %dma_wait3A_1223 : memref<1x128x64xf32, #tpu.memory_space<vmem>> -> memref<128x64xf32, #tpu.memory_space<vmem>>
      %dma_wait3A_1225 = arith.constant 0 : i32
      %dma_wait3A_1226 = tpu.memref_slice %arg5[%dma_wait3A_1225] : memref<6400xi32, #tpu.memory_space<vmem>> -> memref<128xi32, #tpu.memory_space<vmem>>
      %dma_wait3A_1227 = arith.constant 0 : i32
      %dma_wait3A_1228 = arith.constant 0 : i32
      %dma_wait3A_1229 = tpu.memref_slice %arg3[%dma_wait3A_1227, %dma_wait3A_1228] : memref<100000x64xf32, #tpu.memory_space<hbm>> -> memref<100000x64xf32, #tpu.memory_space<hbm>>
      %dma_wait3A_1230 = tpu.memref_slice %arg7[%dma_wait3A_1220] : memref<10x!tpu.dma_semaphore, #tpu.memory_space<semaphore_mem>> -> memref<1x!tpu.dma_semaphore, #tpu.memory_space<semaphore_mem>>
      %dma_wait3A_1231 = tpu.memref_squeeze %dma_wait3A_1230 : memref<1x!tpu.dma_semaphore, #tpu.memory_space<semaphore_mem>> -> memref<!tpu.dma_semaphore, #tpu.memory_space<semaphore_mem>>
      tpu.wait_indirect_dma semaphore(%dma_wait3A_1231 : memref<!tpu.dma_semaphore, #tpu.memory_space<semaphore_mem>>) src(%dma_wait3A_1229 : memref<100000x64xf32, #tpu.memory_space<hbm>>) dst(%dma_wait3A_1224 : memref<128x64xf32, #tpu.memory_space<vmem>>)
      %add3A_1232 = arith.addi %mul3A_2, %add3A_1218 : i32
      %jit3A_1233 = arith.constant 64 : i32
      %div3A_1234 = arith.divsi %add3A_1232, %jit3A_1233 : i32
      %sign3A_1235 = arith.constant 0 : i32
      %sign3A_1236 = arith.cmpi sgt, %add3A_1232, %sign3A_1235 : i32
      %sign3A_1237 = arith.extui %sign3A_1236 : i1 to i32
      %sign3A_1238 = arith.constant 0 : i32
      %sign3A_1239 = arith.cmpi slt, %add3A_1232, %sign3A_1238 : i32
      %sign3A_1240 = arith.extui %sign3A_1239 : i1 to i32
      %sign3A_1241 = arith.subi %sign3A_1237, %sign3A_1240 : i32
      %sign3A_1242 = arith.constant 0 : i32
      %sign3A_1243 = arith.cmpi sgt, %jit3A_1233, %sign3A_1242 : i32
      %sign3A_1244 = arith.extui %sign3A_1243 : i1 to i32
      %sign3A_1245 = arith.constant 0 : i32
      %sign3A_1246 = arith.cmpi slt, %jit3A_1233, %sign3A_1245 : i32
      %sign3A_1247 = arith.extui %sign3A_1246 : i1 to i32
      %sign3A_1248 = arith.subi %sign3A_1244, %sign3A_1247 : i32
      %ne3A_1249 = arith.cmpi ne, %sign3A_1241, %sign3A_1248 : i32
      %rem3A_1250 = arith.remsi %add3A_1232, %jit3A_1233 : i32
      %ne3A_1251 = arith.constant 0 : i32
      %ne3A_1252 = arith.cmpi ne, %rem3A_1250, %ne3A_1251 : i32
      %and3A_1253 = arith.andi %ne3A_1249, %ne3A_1252 : i1
      %sub3A_1254 = arith.constant 1 : i32
      %sub3A_1255 = arith.subi %div3A_1234, %sub3A_1254 : i32
      %select_n3A_1256 = arith.select %and3A_1253, %sub3A_1255, %div3A_1234 : i32
      %rem3A_1257 = arith.constant 64 : i32
      %rem3A_1258 = arith.remsi %add3A_1232, %rem3A_1257 : i32
      %jit3A_1259 = arith.constant 8 : i32
      %div3A_1260 = arith.divsi %rem3A_1258, %jit3A_1259 : i32
      %sign3A_1261 = arith.constant 0 : i32
      %sign3A_1262 = arith.cmpi sgt, %rem3A_1258, %sign3A_1261 : i32
      %sign3A_1263 = arith.extui %sign3A_1262 : i1 to i32
      %sign3A_1264 = arith.constant 0 : i32
      %sign3A_1265 = arith.cmpi slt, %rem3A_1258, %sign3A_1264 : i32
      %sign3A_1266 = arith.extui %sign3A_1265 : i1 to i32
      %sign3A_1267 = arith.subi %sign3A_1263, %sign3A_1266 : i32
      %sign3A_1268 = arith.constant 0 : i32
      %sign3A_1269 = arith.cmpi sgt, %jit3A_1259, %sign3A_1268 : i32
      %sign3A_1270 = arith.extui %sign3A_1269 : i1 to i32
      %sign3A_1271 = arith.constant 0 : i32
      %sign3A_1272 = arith.cmpi slt, %jit3A_1259, %sign3A_1271 : i32
      %sign3A_1273 = arith.extui %sign3A_1272 : i1 to i32
      %sign3A_1274 = arith.subi %sign3A_1270, %sign3A_1273 : i32
      %ne3A_1275 = arith.cmpi ne, %sign3A_1267, %sign3A_1274 : i32
      %rem3A_1276 = arith.remsi %rem3A_1258, %jit3A_1259 : i32
      %ne3A_1277 = arith.constant 0 : i32
      %ne3A_1278 = arith.cmpi ne, %rem3A_1276, %ne3A_1277 : i32
      %and3A_1279 = arith.andi %ne3A_1275, %ne3A_1278 : i1
      %sub3A_1280 = arith.constant 1 : i32
      %sub3A_1281 = arith.subi %div3A_1260, %sub3A_1280 : i32
      %select_n3A_1282 = arith.select %and3A_1279, %sub3A_1281, %div3A_1260 : i32
      %rem3A_1283 = arith.constant 8 : i32
      %rem3A_1284 = arith.remsi %add3A_1232, %rem3A_1283 : i32
      %mul3A_1285 = arith.constant 8192 : i32
      %mul3A_1286 = arith.muli %select_n3A_1256, %mul3A_1285 : i32
      %mul3A_1287 = arith.constant 1024 : i32
      %mul3A_1288 = arith.muli %rem3A_1284, %mul3A_1287 : i32
      %add3A_1289 = arith.addi %mul3A_1286, %mul3A_1288 : i32
      %mul3A_1290 = arith.constant 128 : i32
      %mul3A_1291 = arith.muli %select_n3A_1282, %mul3A_1290 : i32
      %add3A_1292 = arith.addi %add3A_1289, %mul3A_1291 : i32
      %dma_start3A_1293 = arith.constant 9 : i32
      %dma_start3A_1294 = arith.constant 9 : i32
      %dma_start3A_1295 = arith.constant 0 : i32
      %dma_start3A_1296 = arith.constant 0 : i32
      %dma_start3A_1297 = tpu.memref_slice %arg6[%dma_start3A_1293, %dma_start3A_1295, %dma_start3A_1296] : memref<10x128x64xf32, #tpu.memory_space<vmem>> -> memref<1x128x64xf32, #tpu.memory_space<vmem>>
      %dma_start3A_1298 = tpu.memref_squeeze %dma_start3A_1297 : memref<1x128x64xf32, #tpu.memory_space<vmem>> -> memref<128x64xf32, #tpu.memory_space<vmem>>
      %dma_start3A_1299 = arith.constant 0 : i32
      %dma_start3A_1300 = tpu.memref_slice %arg4[%add3A_1292, %dma_start3A_1299] : memref<204800x128xf32, #tpu.memory_space<hbm>> -> memref<128x64xf32, #tpu.memory_space<hbm>>
      %dma_start3A_1301 = tpu.memref_slice %arg8[%dma_start3A_1294] : memref<10x!tpu.dma_semaphore, #tpu.memory_space<semaphore_mem>> -> memref<1x!tpu.dma_semaphore, #tpu.memory_space<semaphore_mem>>
      %dma_start3A_1302 = tpu.memref_squeeze %dma_start3A_1301 : memref<1x!tpu.dma_semaphore, #tpu.memory_space<semaphore_mem>> -> memref<!tpu.dma_semaphore, #tpu.memory_space<semaphore_mem>>
      %dma_start3A_1303 = arith.constant 0 : i32
      %dma_start3A_1304 = tpu.memref_slice %arg4[%add3A_1292, %dma_start3A_1303] : memref<204800x128xf32, #tpu.memory_space<hbm>> -> memref<128x64xf32, #tpu.memory_space<hbm>>
      %dma_start3A_1305 = arith.constant 0 : i32
      %dma_start3A_1306 = arith.constant 0 : i32
      %dma_start3A_1307 = tpu.memref_slice %arg6[%dma_start3A_1293, %dma_start3A_1305, %dma_start3A_1306] : memref<10x128x64xf32, #tpu.memory_space<vmem>> -> memref<1x128x64xf32, #tpu.memory_space<vmem>>
      %dma_start3A_1308 = tpu.memref_squeeze %dma_start3A_1307 : memref<1x128x64xf32, #tpu.memory_space<vmem>> -> memref<128x64xf32, #tpu.memory_space<vmem>>
      tpu.enqueue_dma source(%dma_start3A_1308 : memref<128x64xf32, #tpu.memory_space<vmem>>) target(%dma_start3A_1304 : memref<128x64xf32, #tpu.memory_space<hbm>>) target_semaphore(%dma_start3A_1302 : memref<!tpu.dma_semaphore, #tpu.memory_space<semaphore_mem>>)
      %lt3A_1309 = arith.constant 4 : i32
      %lt3A_1310 = arith.cmpi slt, %scan3A_254, %lt3A_1309 : i32
      %convert_element_type3A_1311 = arith.extui %lt3A_1310 : i1 to i32
      %cond3A_1312 = arith.constant 0 : i32
      %cond3A_1313 = arith.cmpi ne, %convert_element_type3A_1311, %cond3A_1312 : i32
      scf.if %cond3A_1313 {
        %dma_wait3A_1315 = arith.constant 4 : i32
        %dma_wait3A_1316 = arith.constant 4 : i32
        %dma_wait3A_1317 = arith.constant 0 : i32
        %dma_wait3A_1318 = arith.constant 0 : i32
        %dma_wait3A_1319 = tpu.memref_slice %arg6[%dma_wait3A_1315, %dma_wait3A_1317, %dma_wait3A_1318] : memref<10x128x64xf32, #tpu.memory_space<vmem>> -> memref<1x128x64xf32, #tpu.memory_space<vmem>>
        %dma_wait3A_1320 = tpu.memref_squeeze %dma_wait3A_1319 : memref<1x128x64xf32, #tpu.memory_space<vmem>> -> memref<128x64xf32, #tpu.memory_space<vmem>>
        %dma_wait3A_1321 = arith.constant 0 : i32
        %dma_wait3A_1322 = arith.constant 0 : i32
        %dma_wait3A_1323 = tpu.memref_slice %arg4[%dma_wait3A_1321, %dma_wait3A_1322] : memref<204800x128xf32, #tpu.memory_space<hbm>> -> memref<128x64xf32, #tpu.memory_space<hbm>>
        %dma_wait3A_1324 = tpu.memref_slice %arg8[%dma_wait3A_1316] : memref<10x!tpu.dma_semaphore, #tpu.memory_space<semaphore_mem>> -> memref<1x!tpu.dma_semaphore, #tpu.memory_space<semaphore_mem>>
        %dma_wait3A_1325 = tpu.memref_squeeze %dma_wait3A_1324 : memref<1x!tpu.dma_semaphore, #tpu.memory_space<semaphore_mem>> -> memref<!tpu.dma_semaphore, #tpu.memory_space<semaphore_mem>>
        %dma_wait3A_1326 = arith.constant 0 : i32
        %dma_wait3A_1327 = arith.constant 0 : i32
        %dma_wait3A_1328 = tpu.memref_slice %arg4[%dma_wait3A_1326, %dma_wait3A_1327] : memref<204800x128xf32, #tpu.memory_space<hbm>> -> memref<128x64xf32, #tpu.memory_space<hbm>>
        %dma_wait3A_1329 = arith.constant 0 : i32
        %dma_wait3A_1330 = arith.constant 0 : i32
        %dma_wait3A_1331 = tpu.memref_slice %arg6[%dma_wait3A_1315, %dma_wait3A_1329, %dma_wait3A_1330] : memref<10x128x64xf32, #tpu.memory_space<vmem>> -> memref<1x128x64xf32, #tpu.memory_space<vmem>>
        %dma_wait3A_1332 = tpu.memref_squeeze %dma_wait3A_1331 : memref<1x128x64xf32, #tpu.memory_space<vmem>> -> memref<128x64xf32, #tpu.memory_space<vmem>>
        tpu.wait_dma2 semaphore(%dma_wait3A_1325 : memref<!tpu.dma_semaphore, #tpu.memory_space<semaphore_mem>>) src(%dma_wait3A_1332 : memref<128x64xf32, #tpu.memory_space<vmem>>) dst(%dma_wait3A_1328 : memref<128x64xf32, #tpu.memory_space<hbm>>)
        %add3A_1333 = arith.constant 5 : i32
        %add3A_1334 = arith.addi %add3A_1218, %add3A_1333 : i32
        %mul3A_1335 = arith.constant 128 : i32
        %mul3A_1336 = arith.muli %add3A_1334, %mul3A_1335 : i32
        %dma_start3A_1337 = arith.constant 4 : i32
        %dma_start3A_1338 = arith.constant 4 : i32
        %dma_start3A_1339 = arith.constant 0 : i32
        %dma_start3A_1340 = arith.constant 0 : i32
        %dma_start3A_1341 = tpu.memref_slice %arg6[%dma_start3A_1337, %dma_start3A_1339, %dma_start3A_1340] : memref<10x128x64xf32, #tpu.memory_space<vmem>> -> memref<1x128x64xf32, #tpu.memory_space<vmem>>
        %dma_start3A_1342 = tpu.memref_squeeze %dma_start3A_1341 : memref<1x128x64xf32, #tpu.memory_space<vmem>> -> memref<128x64xf32, #tpu.memory_space<vmem>>
        %dma_start3A_1343 = tpu.memref_slice %arg5[%mul3A_1336] : memref<6400xi32, #tpu.memory_space<vmem>> -> memref<128xi32, #tpu.memory_space<vmem>>
        %dma_start3A_1344 = arith.constant 0 : i32
        %dma_start3A_1345 = arith.constant 0 : i32
        %dma_start3A_1346 = tpu.memref_slice %arg3[%dma_start3A_1344, %dma_start3A_1345] : memref<100000x64xf32, #tpu.memory_space<hbm>> -> memref<100000x64xf32, #tpu.memory_space<hbm>>
        %dma_start3A_1347 = tpu.memref_slice %arg7[%dma_start3A_1338] : memref<10x!tpu.dma_semaphore, #tpu.memory_space<semaphore_mem>> -> memref<1x!tpu.dma_semaphore, #tpu.memory_space<semaphore_mem>>
        %dma_start3A_1348 = tpu.memref_squeeze %dma_start3A_1347 : memref<1x!tpu.dma_semaphore, #tpu.memory_space<semaphore_mem>> -> memref<!tpu.dma_semaphore, #tpu.memory_space<semaphore_mem>>
        tpu.enqueue_indirect_dma source(%dma_start3A_1346 : memref<100000x64xf32, #tpu.memory_space<hbm>>) target(%dma_start3A_1342 : memref<128x64xf32, #tpu.memory_space<vmem>>) offsets(%dma_start3A_1343 : memref<128xi32, #tpu.memory_space<vmem>>) semaphore(%dma_start3A_1348 : memref<!tpu.dma_semaphore, #tpu.memory_space<semaphore_mem>>)
      } else {
      }
      %scan3A_1314 = arith.constant 0 : i32
      scf.yield %scan3A_1314 : i32
    }
    %scan3A_74 = arith.constant 5 : i32
    %dma_wait3A = arith.constant 0 : i32
    %dma_wait3A_75 = arith.constant 0 : i32
    %dma_wait3A_76 = arith.constant 0 : i32
    %dma_wait3A_77 = arith.constant 0 : i32
    %dma_wait3A_78 = tpu.memref_slice %arg6[%dma_wait3A, %dma_wait3A_76, %dma_wait3A_77] : memref<10x128x64xf32, #tpu.memory_space<vmem>> -> memref<1x128x64xf32, #tpu.memory_space<vmem>>
    %dma_wait3A_79 = tpu.memref_squeeze %dma_wait3A_78 : memref<1x128x64xf32, #tpu.memory_space<vmem>> -> memref<128x64xf32, #tpu.memory_space<vmem>>
    %dma_wait3A_80 = arith.constant 0 : i32
    %dma_wait3A_81 = arith.constant 0 : i32
    %dma_wait3A_82 = tpu.memref_slice %arg4[%dma_wait3A_80, %dma_wait3A_81] : memref<204800x128xf32, #tpu.memory_space<hbm>> -> memref<128x64xf32, #tpu.memory_space<hbm>>
    %dma_wait3A_83 = tpu.memref_slice %arg8[%dma_wait3A_75] : memref<10x!tpu.dma_semaphore, #tpu.memory_space<semaphore_mem>> -> memref<1x!tpu.dma_semaphore, #tpu.memory_space<semaphore_mem>>
    %dma_wait3A_84 = tpu.memref_squeeze %dma_wait3A_83 : memref<1x!tpu.dma_semaphore, #tpu.memory_space<semaphore_mem>> -> memref<!tpu.dma_semaphore, #tpu.memory_space<semaphore_mem>>
    %dma_wait3A_85 = arith.constant 0 : i32
    %dma_wait3A_86 = arith.constant 0 : i32
    %dma_wait3A_87 = tpu.memref_slice %arg4[%dma_wait3A_85, %dma_wait3A_86] : memref<204800x128xf32, #tpu.memory_space<hbm>> -> memref<128x64xf32, #tpu.memory_space<hbm>>
    %dma_wait3A_88 = arith.constant 0 : i32
    %dma_wait3A_89 = arith.constant 0 : i32
    %dma_wait3A_90 = tpu.memref_slice %arg6[%dma_wait3A, %dma_wait3A_88, %dma_wait3A_89] : memref<10x128x64xf32, #tpu.memory_space<vmem>> -> memref<1x128x64xf32, #tpu.memory_space<vmem>>
    %dma_wait3A_91 = tpu.memref_squeeze %dma_wait3A_90 : memref<1x128x64xf32, #tpu.memory_space<vmem>> -> memref<128x64xf32, #tpu.memory_space<vmem>>
    tpu.wait_dma2 semaphore(%dma_wait3A_84 : memref<!tpu.dma_semaphore, #tpu.memory_space<semaphore_mem>>) src(%dma_wait3A_91 : memref<128x64xf32, #tpu.memory_space<vmem>>) dst(%dma_wait3A_87 : memref<128x64xf32, #tpu.memory_space<hbm>>)
    %dma_wait3A_92 = arith.constant 1 : i32
    %dma_wait3A_93 = arith.constant 1 : i32
    %dma_wait3A_94 = arith.constant 0 : i32
    %dma_wait3A_95 = arith.constant 0 : i32
    %dma_wait3A_96 = tpu.memref_slice %arg6[%dma_wait3A_92, %dma_wait3A_94, %dma_wait3A_95] : memref<10x128x64xf32, #tpu.memory_space<vmem>> -> memref<1x128x64xf32, #tpu.memory_space<vmem>>
    %dma_wait3A_97 = tpu.memref_squeeze %dma_wait3A_96 : memref<1x128x64xf32, #tpu.memory_space<vmem>> -> memref<128x64xf32, #tpu.memory_space<vmem>>
    %dma_wait3A_98 = arith.constant 0 : i32
    %dma_wait3A_99 = arith.constant 0 : i32
    %dma_wait3A_100 = tpu.memref_slice %arg4[%dma_wait3A_98, %dma_wait3A_99] : memref<204800x128xf32, #tpu.memory_space<hbm>> -> memref<128x64xf32, #tpu.memory_space<hbm>>
    %dma_wait3A_101 = tpu.memref_slice %arg8[%dma_wait3A_93] : memref<10x!tpu.dma_semaphore, #tpu.memory_space<semaphore_mem>> -> memref<1x!tpu.dma_semaphore, #tpu.memory_space<semaphore_mem>>
    %dma_wait3A_102 = tpu.memref_squeeze %dma_wait3A_101 : memref<1x!tpu.dma_semaphore, #tpu.memory_space<semaphore_mem>> -> memref<!tpu.dma_semaphore, #tpu.memory_space<semaphore_mem>>
    %dma_wait3A_103 = arith.constant 0 : i32
    %dma_wait3A_104 = arith.constant 0 : i32
    %dma_wait3A_105 = tpu.memref_slice %arg4[%dma_wait3A_103, %dma_wait3A_104] : memref<204800x128xf32, #tpu.memory_space<hbm>> -> memref<128x64xf32, #tpu.memory_space<hbm>>
    %dma_wait3A_106 = arith.constant 0 : i32
    %dma_wait3A_107 = arith.constant 0 : i32
    %dma_wait3A_108 = tpu.memref_slice %arg6[%dma_wait3A_92, %dma_wait3A_106, %dma_wait3A_107] : memref<10x128x64xf32, #tpu.memory_space<vmem>> -> memref<1x128x64xf32, #tpu.memory_space<vmem>>
    %dma_wait3A_109 = tpu.memref_squeeze %dma_wait3A_108 : memref<1x128x64xf32, #tpu.memory_space<vmem>> -> memref<128x64xf32, #tpu.memory_space<vmem>>
    tpu.wait_dma2 semaphore(%dma_wait3A_102 : memref<!tpu.dma_semaphore, #tpu.memory_space<semaphore_mem>>) src(%dma_wait3A_109 : memref<128x64xf32, #tpu.memory_space<vmem>>) dst(%dma_wait3A_105 : memref<128x64xf32, #tpu.memory_space<hbm>>)
    %dma_wait3A_110 = arith.constant 2 : i32
    %dma_wait3A_111 = arith.constant 2 : i32
    %dma_wait3A_112 = arith.constant 0 : i32
    %dma_wait3A_113 = arith.constant 0 : i32
    %dma_wait3A_114 = tpu.memref_slice %arg6[%dma_wait3A_110, %dma_wait3A_112, %dma_wait3A_113] : memref<10x128x64xf32, #tpu.memory_space<vmem>> -> memref<1x128x64xf32, #tpu.memory_space<vmem>>
    %dma_wait3A_115 = tpu.memref_squeeze %dma_wait3A_114 : memref<1x128x64xf32, #tpu.memory_space<vmem>> -> memref<128x64xf32, #tpu.memory_space<vmem>>
    %dma_wait3A_116 = arith.constant 0 : i32
    %dma_wait3A_117 = arith.constant 0 : i32
    %dma_wait3A_118 = tpu.memref_slice %arg4[%dma_wait3A_116, %dma_wait3A_117] : memref<204800x128xf32, #tpu.memory_space<hbm>> -> memref<128x64xf32, #tpu.memory_space<hbm>>
    %dma_wait3A_119 = tpu.memref_slice %arg8[%dma_wait3A_111] : memref<10x!tpu.dma_semaphore, #tpu.memory_space<semaphore_mem>> -> memref<1x!tpu.dma_semaphore, #tpu.memory_space<semaphore_mem>>
    %dma_wait3A_120 = tpu.memref_squeeze %dma_wait3A_119 : memref<1x!tpu.dma_semaphore, #tpu.memory_space<semaphore_mem>> -> memref<!tpu.dma_semaphore, #tpu.memory_space<semaphore_mem>>
    %dma_wait3A_121 = arith.constant 0 : i32
    %dma_wait3A_122 = arith.constant 0 : i32
    %dma_wait3A_123 = tpu.memref_slice %arg4[%dma_wait3A_121, %dma_wait3A_122] : memref<204800x128xf32, #tpu.memory_space<hbm>> -> memref<128x64xf32, #tpu.memory_space<hbm>>
    %dma_wait3A_124 = arith.constant 0 : i32
    %dma_wait3A_125 = arith.constant 0 : i32
    %dma_wait3A_126 = tpu.memref_slice %arg6[%dma_wait3A_110, %dma_wait3A_124, %dma_wait3A_125] : memref<10x128x64xf32, #tpu.memory_space<vmem>> -> memref<1x128x64xf32, #tpu.memory_space<vmem>>
    %dma_wait3A_127 = tpu.memref_squeeze %dma_wait3A_126 : memref<1x128x64xf32, #tpu.memory_space<vmem>> -> memref<128x64xf32, #tpu.memory_space<vmem>>
    tpu.wait_dma2 semaphore(%dma_wait3A_120 : memref<!tpu.dma_semaphore, #tpu.memory_space<semaphore_mem>>) src(%dma_wait3A_127 : memref<128x64xf32, #tpu.memory_space<vmem>>) dst(%dma_wait3A_123 : memref<128x64xf32, #tpu.memory_space<hbm>>)
    %dma_wait3A_128 = arith.constant 3 : i32
    %dma_wait3A_129 = arith.constant 3 : i32
    %dma_wait3A_130 = arith.constant 0 : i32
    %dma_wait3A_131 = arith.constant 0 : i32
    %dma_wait3A_132 = tpu.memref_slice %arg6[%dma_wait3A_128, %dma_wait3A_130, %dma_wait3A_131] : memref<10x128x64xf32, #tpu.memory_space<vmem>> -> memref<1x128x64xf32, #tpu.memory_space<vmem>>
    %dma_wait3A_133 = tpu.memref_squeeze %dma_wait3A_132 : memref<1x128x64xf32, #tpu.memory_space<vmem>> -> memref<128x64xf32, #tpu.memory_space<vmem>>
    %dma_wait3A_134 = arith.constant 0 : i32
    %dma_wait3A_135 = arith.constant 0 : i32
    %dma_wait3A_136 = tpu.memref_slice %arg4[%dma_wait3A_134, %dma_wait3A_135] : memref<204800x128xf32, #tpu.memory_space<hbm>> -> memref<128x64xf32, #tpu.memory_space<hbm>>
    %dma_wait3A_137 = tpu.memref_slice %arg8[%dma_wait3A_129] : memref<10x!tpu.dma_semaphore, #tpu.memory_space<semaphore_mem>> -> memref<1x!tpu.dma_semaphore, #tpu.memory_space<semaphore_mem>>
    %dma_wait3A_138 = tpu.memref_squeeze %dma_wait3A_137 : memref<1x!tpu.dma_semaphore, #tpu.memory_space<semaphore_mem>> -> memref<!tpu.dma_semaphore, #tpu.memory_space<semaphore_mem>>
    %dma_wait3A_139 = arith.constant 0 : i32
    %dma_wait3A_140 = arith.constant 0 : i32
    %dma_wait3A_141 = tpu.memref_slice %arg4[%dma_wait3A_139, %dma_wait3A_140] : memref<204800x128xf32, #tpu.memory_space<hbm>> -> memref<128x64xf32, #tpu.memory_space<hbm>>
    %dma_wait3A_142 = arith.constant 0 : i32
    %dma_wait3A_143 = arith.constant 0 : i32
    %dma_wait3A_144 = tpu.memref_slice %arg6[%dma_wait3A_128, %dma_wait3A_142, %dma_wait3A_143] : memref<10x128x64xf32, #tpu.memory_space<vmem>> -> memref<1x128x64xf32, #tpu.memory_space<vmem>>
    %dma_wait3A_145 = tpu.memref_squeeze %dma_wait3A_144 : memref<1x128x64xf32, #tpu.memory_space<vmem>> -> memref<128x64xf32, #tpu.memory_space<vmem>>
    tpu.wait_dma2 semaphore(%dma_wait3A_138 : memref<!tpu.dma_semaphore, #tpu.memory_space<semaphore_mem>>) src(%dma_wait3A_145 : memref<128x64xf32, #tpu.memory_space<vmem>>) dst(%dma_wait3A_141 : memref<128x64xf32, #tpu.memory_space<hbm>>)
    %dma_wait3A_146 = arith.constant 4 : i32
    %dma_wait3A_147 = arith.constant 4 : i32
    %dma_wait3A_148 = arith.constant 0 : i32
    %dma_wait3A_149 = arith.constant 0 : i32
    %dma_wait3A_150 = tpu.memref_slice %arg6[%dma_wait3A_146, %dma_wait3A_148, %dma_wait3A_149] : memref<10x128x64xf32, #tpu.memory_space<vmem>> -> memref<1x128x64xf32, #tpu.memory_space<vmem>>
    %dma_wait3A_151 = tpu.memref_squeeze %dma_wait3A_150 : memref<1x128x64xf32, #tpu.memory_space<vmem>> -> memref<128x64xf32, #tpu.memory_space<vmem>>
    %dma_wait3A_152 = arith.constant 0 : i32
    %dma_wait3A_153 = arith.constant 0 : i32
    %dma_wait3A_154 = tpu.memref_slice %arg4[%dma_wait3A_152, %dma_wait3A_153] : memref<204800x128xf32, #tpu.memory_space<hbm>> -> memref<128x64xf32, #tpu.memory_space<hbm>>
    %dma_wait3A_155 = tpu.memref_slice %arg8[%dma_wait3A_147] : memref<10x!tpu.dma_semaphore, #tpu.memory_space<semaphore_mem>> -> memref<1x!tpu.dma_semaphore, #tpu.memory_space<semaphore_mem>>
    %dma_wait3A_156 = tpu.memref_squeeze %dma_wait3A_155 : memref<1x!tpu.dma_semaphore, #tpu.memory_space<semaphore_mem>> -> memref<!tpu.dma_semaphore, #tpu.memory_space<semaphore_mem>>
    %dma_wait3A_157 = arith.constant 0 : i32
    %dma_wait3A_158 = arith.constant 0 : i32
    %dma_wait3A_159 = tpu.memref_slice %arg4[%dma_wait3A_157, %dma_wait3A_158] : memref<204800x128xf32, #tpu.memory_space<hbm>> -> memref<128x64xf32, #tpu.memory_space<hbm>>
    %dma_wait3A_160 = arith.constant 0 : i32
    %dma_wait3A_161 = arith.constant 0 : i32
    %dma_wait3A_162 = tpu.memref_slice %arg6[%dma_wait3A_146, %dma_wait3A_160, %dma_wait3A_161] : memref<10x128x64xf32, #tpu.memory_space<vmem>> -> memref<1x128x64xf32, #tpu.memory_space<vmem>>
    %dma_wait3A_163 = tpu.memref_squeeze %dma_wait3A_162 : memref<1x128x64xf32, #tpu.memory_space<vmem>> -> memref<128x64xf32, #tpu.memory_space<vmem>>
    tpu.wait_dma2 semaphore(%dma_wait3A_156 : memref<!tpu.dma_semaphore, #tpu.memory_space<semaphore_mem>>) src(%dma_wait3A_163 : memref<128x64xf32, #tpu.memory_space<vmem>>) dst(%dma_wait3A_159 : memref<128x64xf32, #tpu.memory_space<hbm>>)
    %dma_wait3A_164 = arith.constant 5 : i32
    %dma_wait3A_165 = arith.constant 5 : i32
    %dma_wait3A_166 = arith.constant 0 : i32
    %dma_wait3A_167 = arith.constant 0 : i32
    %dma_wait3A_168 = tpu.memref_slice %arg6[%dma_wait3A_164, %dma_wait3A_166, %dma_wait3A_167] : memref<10x128x64xf32, #tpu.memory_space<vmem>> -> memref<1x128x64xf32, #tpu.memory_space<vmem>>
    %dma_wait3A_169 = tpu.memref_squeeze %dma_wait3A_168 : memref<1x128x64xf32, #tpu.memory_space<vmem>> -> memref<128x64xf32, #tpu.memory_space<vmem>>
    %dma_wait3A_170 = arith.constant 0 : i32
    %dma_wait3A_171 = arith.constant 0 : i32
    %dma_wait3A_172 = tpu.memref_slice %arg4[%dma_wait3A_170, %dma_wait3A_171] : memref<204800x128xf32, #tpu.memory_space<hbm>> -> memref<128x64xf32, #tpu.memory_space<hbm>>
    %dma_wait3A_173 = tpu.memref_slice %arg8[%dma_wait3A_165] : memref<10x!tpu.dma_semaphore, #tpu.memory_space<semaphore_mem>> -> memref<1x!tpu.dma_semaphore, #tpu.memory_space<semaphore_mem>>
    %dma_wait3A_174 = tpu.memref_squeeze %dma_wait3A_173 : memref<1x!tpu.dma_semaphore, #tpu.memory_space<semaphore_mem>> -> memref<!tpu.dma_semaphore, #tpu.memory_space<semaphore_mem>>
    %dma_wait3A_175 = arith.constant 0 : i32
    %dma_wait3A_176 = arith.constant 0 : i32
    %dma_wait3A_177 = tpu.memref_slice %arg4[%dma_wait3A_175, %dma_wait3A_176] : memref<204800x128xf32, #tpu.memory_space<hbm>> -> memref<128x64xf32, #tpu.memory_space<hbm>>
    %dma_wait3A_178 = arith.constant 0 : i32
    %dma_wait3A_179 = arith.constant 0 : i32
    %dma_wait3A_180 = tpu.memref_slice %arg6[%dma_wait3A_164, %dma_wait3A_178, %dma_wait3A_179] : memref<10x128x64xf32, #tpu.memory_space<vmem>> -> memref<1x128x64xf32, #tpu.memory_space<vmem>>
    %dma_wait3A_181 = tpu.memref_squeeze %dma_wait3A_180 : memref<1x128x64xf32, #tpu.memory_space<vmem>> -> memref<128x64xf32, #tpu.memory_space<vmem>>
    tpu.wait_dma2 semaphore(%dma_wait3A_174 : memref<!tpu.dma_semaphore, #tpu.memory_space<semaphore_mem>>) src(%dma_wait3A_181 : memref<128x64xf32, #tpu.memory_space<vmem>>) dst(%dma_wait3A_177 : memref<128x64xf32, #tpu.memory_space<hbm>>)
    %dma_wait3A_182 = arith.constant 6 : i32
    %dma_wait3A_183 = arith.constant 6 : i32
    %dma_wait3A_184 = arith.constant 0 : i32
    %dma_wait3A_185 = arith.constant 0 : i32
    %dma_wait3A_186 = tpu.memref_slice %arg6[%dma_wait3A_182, %dma_wait3A_184, %dma_wait3A_185] : memref<10x128x64xf32, #tpu.memory_space<vmem>> -> memref<1x128x64xf32, #tpu.memory_space<vmem>>
    %dma_wait3A_187 = tpu.memref_squeeze %dma_wait3A_186 : memref<1x128x64xf32, #tpu.memory_space<vmem>> -> memref<128x64xf32, #tpu.memory_space<vmem>>
    %dma_wait3A_188 = arith.constant 0 : i32
    %dma_wait3A_189 = arith.constant 0 : i32
    %dma_wait3A_190 = tpu.memref_slice %arg4[%dma_wait3A_188, %dma_wait3A_189] : memref<204800x128xf32, #tpu.memory_space<hbm>> -> memref<128x64xf32, #tpu.memory_space<hbm>>
    %dma_wait3A_191 = tpu.memref_slice %arg8[%dma_wait3A_183] : memref<10x!tpu.dma_semaphore, #tpu.memory_space<semaphore_mem>> -> memref<1x!tpu.dma_semaphore, #tpu.memory_space<semaphore_mem>>
    %dma_wait3A_192 = tpu.memref_squeeze %dma_wait3A_191 : memref<1x!tpu.dma_semaphore, #tpu.memory_space<semaphore_mem>> -> memref<!tpu.dma_semaphore, #tpu.memory_space<semaphore_mem>>
    %dma_wait3A_193 = arith.constant 0 : i32
    %dma_wait3A_194 = arith.constant 0 : i32
    %dma_wait3A_195 = tpu.memref_slice %arg4[%dma_wait3A_193, %dma_wait3A_194] : memref<204800x128xf32, #tpu.memory_space<hbm>> -> memref<128x64xf32, #tpu.memory_space<hbm>>
    %dma_wait3A_196 = arith.constant 0 : i32
    %dma_wait3A_197 = arith.constant 0 : i32
    %dma_wait3A_198 = tpu.memref_slice %arg6[%dma_wait3A_182, %dma_wait3A_196, %dma_wait3A_197] : memref<10x128x64xf32, #tpu.memory_space<vmem>> -> memref<1x128x64xf32, #tpu.memory_space<vmem>>
    %dma_wait3A_199 = tpu.memref_squeeze %dma_wait3A_198 : memref<1x128x64xf32, #tpu.memory_space<vmem>> -> memref<128x64xf32, #tpu.memory_space<vmem>>
    tpu.wait_dma2 semaphore(%dma_wait3A_192 : memref<!tpu.dma_semaphore, #tpu.memory_space<semaphore_mem>>) src(%dma_wait3A_199 : memref<128x64xf32, #tpu.memory_space<vmem>>) dst(%dma_wait3A_195 : memref<128x64xf32, #tpu.memory_space<hbm>>)
    %dma_wait3A_200 = arith.constant 7 : i32
    %dma_wait3A_201 = arith.constant 7 : i32
    %dma_wait3A_202 = arith.constant 0 : i32
    %dma_wait3A_203 = arith.constant 0 : i32
    %dma_wait3A_204 = tpu.memref_slice %arg6[%dma_wait3A_200, %dma_wait3A_202, %dma_wait3A_203] : memref<10x128x64xf32, #tpu.memory_space<vmem>> -> memref<1x128x64xf32, #tpu.memory_space<vmem>>
    %dma_wait3A_205 = tpu.memref_squeeze %dma_wait3A_204 : memref<1x128x64xf32, #tpu.memory_space<vmem>> -> memref<128x64xf32, #tpu.memory_space<vmem>>
    %dma_wait3A_206 = arith.constant 0 : i32
    %dma_wait3A_207 = arith.constant 0 : i32
    %dma_wait3A_208 = tpu.memref_slice %arg4[%dma_wait3A_206, %dma_wait3A_207] : memref<204800x128xf32, #tpu.memory_space<hbm>> -> memref<128x64xf32, #tpu.memory_space<hbm>>
    %dma_wait3A_209 = tpu.memref_slice %arg8[%dma_wait3A_201] : memref<10x!tpu.dma_semaphore, #tpu.memory_space<semaphore_mem>> -> memref<1x!tpu.dma_semaphore, #tpu.memory_space<semaphore_mem>>
    %dma_wait3A_210 = tpu.memref_squeeze %dma_wait3A_209 : memref<1x!tpu.dma_semaphore, #tpu.memory_space<semaphore_mem>> -> memref<!tpu.dma_semaphore, #tpu.memory_space<semaphore_mem>>
    %dma_wait3A_211 = arith.constant 0 : i32
    %dma_wait3A_212 = arith.constant 0 : i32
    %dma_wait3A_213 = tpu.memref_slice %arg4[%dma_wait3A_211, %dma_wait3A_212] : memref<204800x128xf32, #tpu.memory_space<hbm>> -> memref<128x64xf32, #tpu.memory_space<hbm>>
    %dma_wait3A_214 = arith.constant 0 : i32
    %dma_wait3A_215 = arith.constant 0 : i32
    %dma_wait3A_216 = tpu.memref_slice %arg6[%dma_wait3A_200, %dma_wait3A_214, %dma_wait3A_215] : memref<10x128x64xf32, #tpu.memory_space<vmem>> -> memref<1x128x64xf32, #tpu.memory_space<vmem>>
    %dma_wait3A_217 = tpu.memref_squeeze %dma_wait3A_216 : memref<1x128x64xf32, #tpu.memory_space<vmem>> -> memref<128x64xf32, #tpu.memory_space<vmem>>
    tpu.wait_dma2 semaphore(%dma_wait3A_210 : memref<!tpu.dma_semaphore, #tpu.memory_space<semaphore_mem>>) src(%dma_wait3A_217 : memref<128x64xf32, #tpu.memory_space<vmem>>) dst(%dma_wait3A_213 : memref<128x64xf32, #tpu.memory_space<hbm>>)
    %dma_wait3A_218 = arith.constant 8 : i32
    %dma_wait3A_219 = arith.constant 8 : i32
    %dma_wait3A_220 = arith.constant 0 : i32
    %dma_wait3A_221 = arith.constant 0 : i32
    %dma_wait3A_222 = tpu.memref_slice %arg6[%dma_wait3A_218, %dma_wait3A_220, %dma_wait3A_221] : memref<10x128x64xf32, #tpu.memory_space<vmem>> -> memref<1x128x64xf32, #tpu.memory_space<vmem>>
    %dma_wait3A_223 = tpu.memref_squeeze %dma_wait3A_222 : memref<1x128x64xf32, #tpu.memory_space<vmem>> -> memref<128x64xf32, #tpu.memory_space<vmem>>
    %dma_wait3A_224 = arith.constant 0 : i32
    %dma_wait3A_225 = arith.constant 0 : i32
    %dma_wait3A_226 = tpu.memref_slice %arg4[%dma_wait3A_224, %dma_wait3A_225] : memref<204800x128xf32, #tpu.memory_space<hbm>> -> memref<128x64xf32, #tpu.memory_space<hbm>>
    %dma_wait3A_227 = tpu.memref_slice %arg8[%dma_wait3A_219] : memref<10x!tpu.dma_semaphore, #tpu.memory_space<semaphore_mem>> -> memref<1x!tpu.dma_semaphore, #tpu.memory_space<semaphore_mem>>
    %dma_wait3A_228 = tpu.memref_squeeze %dma_wait3A_227 : memref<1x!tpu.dma_semaphore, #tpu.memory_space<semaphore_mem>> -> memref<!tpu.dma_semaphore, #tpu.memory_space<semaphore_mem>>
    %dma_wait3A_229 = arith.constant 0 : i32
    %dma_wait3A_230 = arith.constant 0 : i32
    %dma_wait3A_231 = tpu.memref_slice %arg4[%dma_wait3A_229, %dma_wait3A_230] : memref<204800x128xf32, #tpu.memory_space<hbm>> -> memref<128x64xf32, #tpu.memory_space<hbm>>
    %dma_wait3A_232 = arith.constant 0 : i32
    %dma_wait3A_233 = arith.constant 0 : i32
    %dma_wait3A_234 = tpu.memref_slice %arg6[%dma_wait3A_218, %dma_wait3A_232, %dma_wait3A_233] : memref<10x128x64xf32, #tpu.memory_space<vmem>> -> memref<1x128x64xf32, #tpu.memory_space<vmem>>
    %dma_wait3A_235 = tpu.memref_squeeze %dma_wait3A_234 : memref<1x128x64xf32, #tpu.memory_space<vmem>> -> memref<128x64xf32, #tpu.memory_space<vmem>>
    tpu.wait_dma2 semaphore(%dma_wait3A_228 : memref<!tpu.dma_semaphore, #tpu.memory_space<semaphore_mem>>) src(%dma_wait3A_235 : memref<128x64xf32, #tpu.memory_space<vmem>>) dst(%dma_wait3A_231 : memref<128x64xf32, #tpu.memory_space<hbm>>)
    %dma_wait3A_236 = arith.constant 9 : i32
    %dma_wait3A_237 = arith.constant 9 : i32
    %dma_wait3A_238 = arith.constant 0 : i32
    %dma_wait3A_239 = arith.constant 0 : i32
    %dma_wait3A_240 = tpu.memref_slice %arg6[%dma_wait3A_236, %dma_wait3A_238, %dma_wait3A_239] : memref<10x128x64xf32, #tpu.memory_space<vmem>> -> memref<1x128x64xf32, #tpu.memory_space<vmem>>
    %dma_wait3A_241 = tpu.memref_squeeze %dma_wait3A_240 : memref<1x128x64xf32, #tpu.memory_space<vmem>> -> memref<128x64xf32, #tpu.memory_space<vmem>>
    %dma_wait3A_242 = arith.constant 0 : i32
    %dma_wait3A_243 = arith.constant 0 : i32
    %dma_wait3A_244 = tpu.memref_slice %arg4[%dma_wait3A_242, %dma_wait3A_243] : memref<204800x128xf32, #tpu.memory_space<hbm>> -> memref<128x64xf32, #tpu.memory_space<hbm>>
    %dma_wait3A_245 = tpu.memref_slice %arg8[%dma_wait3A_237] : memref<10x!tpu.dma_semaphore, #tpu.memory_space<semaphore_mem>> -> memref<1x!tpu.dma_semaphore, #tpu.memory_space<semaphore_mem>>
    %dma_wait3A_246 = tpu.memref_squeeze %dma_wait3A_245 : memref<1x!tpu.dma_semaphore, #tpu.memory_space<semaphore_mem>> -> memref<!tpu.dma_semaphore, #tpu.memory_space<semaphore_mem>>
    %dma_wait3A_247 = arith.constant 0 : i32
    %dma_wait3A_248 = arith.constant 0 : i32
    %dma_wait3A_249 = tpu.memref_slice %arg4[%dma_wait3A_247, %dma_wait3A_248] : memref<204800x128xf32, #tpu.memory_space<hbm>> -> memref<128x64xf32, #tpu.memory_space<hbm>>
    %dma_wait3A_250 = arith.constant 0 : i32
    %dma_wait3A_251 = arith.constant 0 : i32
    %dma_wait3A_252 = tpu.memref_slice %arg6[%dma_wait3A_236, %dma_wait3A_250, %dma_wait3A_251] : memref<10x128x64xf32, #tpu.memory_space<vmem>> -> memref<1x128x64xf32, #tpu.memory_space<vmem>>
    %dma_wait3A_253 = tpu.memref_squeeze %dma_wait3A_252 : memref<1x128x64xf32, #tpu.memory_space<vmem>> -> memref<128x64xf32, #tpu.memory_space<vmem>>
    tpu.wait_dma2 semaphore(%dma_wait3A_246 : memref<!tpu.dma_semaphore, #tpu.memory_space<semaphore_mem>>) src(%dma_wait3A_253 : memref<128x64xf32, #tpu.memory_space<vmem>>) dst(%dma_wait3A_249 : memref<128x64xf32, #tpu.memory_space<hbm>>)
    return
  }
}

module attributes {stable_mosaic.version = 14 : i64} {
  func.func @_transform_kernel(%arg0: i32, %arg1: memref<204800x128xf32, #tpu.memory_space<any>>, %arg2: memref<4x8x8x8x128xf32, #tpu.memory_space<vmem>>, %arg3: memref<6x4096x128xf32, #tpu.memory_space<vmem>>, %arg4: memref<6x!tpu.dma_semaphore, #tpu.memory_space<semaphore_mem>>) attributes {dimension_semantics = [#tpu.dimension_semantics<arbitrary>], iteration_bounds = array<i64: 50>, scalar_prefetch = 0 : i64, scratch_operands = 2 : i64, tpu.core_type = #tpu.core_type<tc>, window_params = [{}, {transform_indices = @transform_1, window_bounds = array<i64: 4, 8, 8, 8, 128>}]} {
    %rem3A = arith.constant 6 : i32
    %rem3A_0 = arith.remsi %arg0, %rem3A : i32
    %eq3A = arith.constant 0 : i32
    %eq3A_1 = arith.cmpi eq, %arg0, %eq3A : i32
    %convert_element_type3A = arith.extui %eq3A_1 : i1 to i32
    %cond3A = arith.constant 0 : i32
    %cond3A_2 = arith.cmpi ne, %convert_element_type3A, %cond3A : i32
    scf.if %cond3A_2 {
      %dma_start3A = arith.constant 0 : i32
      %dma_start3A_589 = arith.constant 0 : i32
      %dma_start3A_590 = tpu.memref_slice %arg4[%dma_start3A_589] : memref<6x!tpu.dma_semaphore, #tpu.memory_space<semaphore_mem>> -> memref<1x!tpu.dma_semaphore, #tpu.memory_space<semaphore_mem>>
      %dma_start3A_591 = tpu.memref_squeeze %dma_start3A_590 : memref<1x!tpu.dma_semaphore, #tpu.memory_space<semaphore_mem>> -> memref<!tpu.dma_semaphore, #tpu.memory_space<semaphore_mem>>
      %dma_start3A_592 = arith.constant 0 : i32
      %dma_start3A_593 = arith.constant 0 : i32
      %dma_start3A_594 = tpu.memref_slice %arg3[%dma_start3A, %dma_start3A_592, %dma_start3A_593] : memref<6x4096x128xf32, #tpu.memory_space<vmem>> -> memref<1x4096x128xf32, #tpu.memory_space<vmem>>
      %dma_start3A_595 = tpu.memref_squeeze %dma_start3A_594 : memref<1x4096x128xf32, #tpu.memory_space<vmem>> -> memref<4096x128xf32, #tpu.memory_space<vmem>>
      %dma_start3A_596 = arith.constant 0 : i32
      %dma_start3A_597 = arith.constant 0 : i32
      %dma_start3A_598 = tpu.memref_slice %arg1[%dma_start3A_596, %dma_start3A_597] : memref<204800x128xf32, #tpu.memory_space<any>> -> memref<4096x128xf32, #tpu.memory_space<any>>
      tpu.enqueue_dma source(%dma_start3A_598 : memref<4096x128xf32, #tpu.memory_space<any>>) target(%dma_start3A_595 : memref<4096x128xf32, #tpu.memory_space<vmem>>) target_semaphore(%dma_start3A_591 : memref<!tpu.dma_semaphore, #tpu.memory_space<semaphore_mem>>)
      %dma_start3A_599 = arith.constant 1 : i32
      %dma_start3A_600 = arith.constant 1 : i32
      %dma_start3A_601 = tpu.memref_slice %arg4[%dma_start3A_600] : memref<6x!tpu.dma_semaphore, #tpu.memory_space<semaphore_mem>> -> memref<1x!tpu.dma_semaphore, #tpu.memory_space<semaphore_mem>>
      %dma_start3A_602 = tpu.memref_squeeze %dma_start3A_601 : memref<1x!tpu.dma_semaphore, #tpu.memory_space<semaphore_mem>> -> memref<!tpu.dma_semaphore, #tpu.memory_space<semaphore_mem>>
      %dma_start3A_603 = arith.constant 0 : i32
      %dma_start3A_604 = arith.constant 0 : i32
      %dma_start3A_605 = tpu.memref_slice %arg3[%dma_start3A_599, %dma_start3A_603, %dma_start3A_604] : memref<6x4096x128xf32, #tpu.memory_space<vmem>> -> memref<1x4096x128xf32, #tpu.memory_space<vmem>>
      %dma_start3A_606 = tpu.memref_squeeze %dma_start3A_605 : memref<1x4096x128xf32, #tpu.memory_space<vmem>> -> memref<4096x128xf32, #tpu.memory_space<vmem>>
      %dma_start3A_607 = arith.constant 4096 : i32
      %dma_start3A_608 = arith.constant 0 : i32
      %dma_start3A_609 = tpu.memref_slice %arg1[%dma_start3A_607, %dma_start3A_608] : memref<204800x128xf32, #tpu.memory_space<any>> -> memref<4096x128xf32, #tpu.memory_space<any>>
      tpu.enqueue_dma source(%dma_start3A_609 : memref<4096x128xf32, #tpu.memory_space<any>>) target(%dma_start3A_606 : memref<4096x128xf32, #tpu.memory_space<vmem>>) target_semaphore(%dma_start3A_602 : memref<!tpu.dma_semaphore, #tpu.memory_space<semaphore_mem>>)
      %dma_start3A_610 = arith.constant 2 : i32
      %dma_start3A_611 = arith.constant 2 : i32
      %dma_start3A_612 = tpu.memref_slice %arg4[%dma_start3A_611] : memref<6x!tpu.dma_semaphore, #tpu.memory_space<semaphore_mem>> -> memref<1x!tpu.dma_semaphore, #tpu.memory_space<semaphore_mem>>
      %dma_start3A_613 = tpu.memref_squeeze %dma_start3A_612 : memref<1x!tpu.dma_semaphore, #tpu.memory_space<semaphore_mem>> -> memref<!tpu.dma_semaphore, #tpu.memory_space<semaphore_mem>>
      %dma_start3A_614 = arith.constant 0 : i32
      %dma_start3A_615 = arith.constant 0 : i32
      %dma_start3A_616 = tpu.memref_slice %arg3[%dma_start3A_610, %dma_start3A_614, %dma_start3A_615] : memref<6x4096x128xf32, #tpu.memory_space<vmem>> -> memref<1x4096x128xf32, #tpu.memory_space<vmem>>
      %dma_start3A_617 = tpu.memref_squeeze %dma_start3A_616 : memref<1x4096x128xf32, #tpu.memory_space<vmem>> -> memref<4096x128xf32, #tpu.memory_space<vmem>>
      %dma_start3A_618 = arith.constant 8192 : i32
      %dma_start3A_619 = arith.constant 0 : i32
      %dma_start3A_620 = tpu.memref_slice %arg1[%dma_start3A_618, %dma_start3A_619] : memref<204800x128xf32, #tpu.memory_space<any>> -> memref<4096x128xf32, #tpu.memory_space<any>>
      tpu.enqueue_dma source(%dma_start3A_620 : memref<4096x128xf32, #tpu.memory_space<any>>) target(%dma_start3A_617 : memref<4096x128xf32, #tpu.memory_space<vmem>>) target_semaphore(%dma_start3A_613 : memref<!tpu.dma_semaphore, #tpu.memory_space<semaphore_mem>>)
      %dma_start3A_621 = arith.constant 3 : i32
      %dma_start3A_622 = arith.constant 3 : i32
      %dma_start3A_623 = tpu.memref_slice %arg4[%dma_start3A_622] : memref<6x!tpu.dma_semaphore, #tpu.memory_space<semaphore_mem>> -> memref<1x!tpu.dma_semaphore, #tpu.memory_space<semaphore_mem>>
      %dma_start3A_624 = tpu.memref_squeeze %dma_start3A_623 : memref<1x!tpu.dma_semaphore, #tpu.memory_space<semaphore_mem>> -> memref<!tpu.dma_semaphore, #tpu.memory_space<semaphore_mem>>
      %dma_start3A_625 = arith.constant 0 : i32
      %dma_start3A_626 = arith.constant 0 : i32
      %dma_start3A_627 = tpu.memref_slice %arg3[%dma_start3A_621, %dma_start3A_625, %dma_start3A_626] : memref<6x4096x128xf32, #tpu.memory_space<vmem>> -> memref<1x4096x128xf32, #tpu.memory_space<vmem>>
      %dma_start3A_628 = tpu.memref_squeeze %dma_start3A_627 : memref<1x4096x128xf32, #tpu.memory_space<vmem>> -> memref<4096x128xf32, #tpu.memory_space<vmem>>
      %dma_start3A_629 = arith.constant 12288 : i32
      %dma_start3A_630 = arith.constant 0 : i32
      %dma_start3A_631 = tpu.memref_slice %arg1[%dma_start3A_629, %dma_start3A_630] : memref<204800x128xf32, #tpu.memory_space<any>> -> memref<4096x128xf32, #tpu.memory_space<any>>
      tpu.enqueue_dma source(%dma_start3A_631 : memref<4096x128xf32, #tpu.memory_space<any>>) target(%dma_start3A_628 : memref<4096x128xf32, #tpu.memory_space<vmem>>) target_semaphore(%dma_start3A_624 : memref<!tpu.dma_semaphore, #tpu.memory_space<semaphore_mem>>)
      %dma_start3A_632 = arith.constant 4 : i32
      %dma_start3A_633 = arith.constant 4 : i32
      %dma_start3A_634 = tpu.memref_slice %arg4[%dma_start3A_633] : memref<6x!tpu.dma_semaphore, #tpu.memory_space<semaphore_mem>> -> memref<1x!tpu.dma_semaphore, #tpu.memory_space<semaphore_mem>>
      %dma_start3A_635 = tpu.memref_squeeze %dma_start3A_634 : memref<1x!tpu.dma_semaphore, #tpu.memory_space<semaphore_mem>> -> memref<!tpu.dma_semaphore, #tpu.memory_space<semaphore_mem>>
      %dma_start3A_636 = arith.constant 0 : i32
      %dma_start3A_637 = arith.constant 0 : i32
      %dma_start3A_638 = tpu.memref_slice %arg3[%dma_start3A_632, %dma_start3A_636, %dma_start3A_637] : memref<6x4096x128xf32, #tpu.memory_space<vmem>> -> memref<1x4096x128xf32, #tpu.memory_space<vmem>>
      %dma_start3A_639 = tpu.memref_squeeze %dma_start3A_638 : memref<1x4096x128xf32, #tpu.memory_space<vmem>> -> memref<4096x128xf32, #tpu.memory_space<vmem>>
      %dma_start3A_640 = arith.constant 16384 : i32
      %dma_start3A_641 = arith.constant 0 : i32
      %dma_start3A_642 = tpu.memref_slice %arg1[%dma_start3A_640, %dma_start3A_641] : memref<204800x128xf32, #tpu.memory_space<any>> -> memref<4096x128xf32, #tpu.memory_space<any>>
      tpu.enqueue_dma source(%dma_start3A_642 : memref<4096x128xf32, #tpu.memory_space<any>>) target(%dma_start3A_639 : memref<4096x128xf32, #tpu.memory_space<vmem>>) target_semaphore(%dma_start3A_635 : memref<!tpu.dma_semaphore, #tpu.memory_space<semaphore_mem>>)
    } else {
    }
    %add3A = arith.constant 6 : i32
    %add3A_3 = arith.addi %arg0, %add3A : i32
    %sub3A = arith.constant 1 : i32
    %sub3A_4 = arith.subi %add3A_3, %sub3A : i32
    %lt3A = arith.constant 50 : i32
    %lt3A_5 = arith.cmpi slt, %sub3A_4, %lt3A : i32
    %convert_element_type3A_6 = arith.extui %lt3A_5 : i1 to i32
    %cond3A_7 = arith.constant 0 : i32
    %cond3A_8 = arith.cmpi ne, %convert_element_type3A_6, %cond3A_7 : i32
    scf.if %cond3A_8 {
      %add3A_589 = arith.constant 6 : i32
      %add3A_590 = arith.addi %arg0, %add3A_589 : i32
      %sub3A_591 = arith.constant 1 : i32
      %sub3A_592 = arith.subi %add3A_590, %sub3A_591 : i32
      %rem3A_593 = arith.constant 6 : i32
      %rem3A_594 = arith.remsi %sub3A_592, %rem3A_593 : i32
      %mul3A_595 = arith.constant 4096 : i32
      %mul3A_596 = arith.muli %sub3A_592, %mul3A_595 : i32
      %dma_start3A = tpu.memref_slice %arg4[%rem3A_594] : memref<6x!tpu.dma_semaphore, #tpu.memory_space<semaphore_mem>> -> memref<1x!tpu.dma_semaphore, #tpu.memory_space<semaphore_mem>>
      %dma_start3A_597 = tpu.memref_squeeze %dma_start3A : memref<1x!tpu.dma_semaphore, #tpu.memory_space<semaphore_mem>> -> memref<!tpu.dma_semaphore, #tpu.memory_space<semaphore_mem>>
      %dma_start3A_598 = arith.constant 0 : i32
      %dma_start3A_599 = arith.constant 0 : i32
      %dma_start3A_600 = tpu.memref_slice %arg3[%rem3A_594, %dma_start3A_598, %dma_start3A_599] : memref<6x4096x128xf32, #tpu.memory_space<vmem>> -> memref<1x4096x128xf32, #tpu.memory_space<vmem>>
      %dma_start3A_601 = tpu.memref_squeeze %dma_start3A_600 : memref<1x4096x128xf32, #tpu.memory_space<vmem>> -> memref<4096x128xf32, #tpu.memory_space<vmem>>
      %dma_start3A_602 = arith.constant 0 : i32
      %dma_start3A_603 = tpu.memref_slice %arg1[%mul3A_596, %dma_start3A_602] : memref<204800x128xf32, #tpu.memory_space<any>> -> memref<4096x128xf32, #tpu.memory_space<any>>
      tpu.enqueue_dma source(%dma_start3A_603 : memref<4096x128xf32, #tpu.memory_space<any>>) target(%dma_start3A_601 : memref<4096x128xf32, #tpu.memory_space<vmem>>) target_semaphore(%dma_start3A_597 : memref<!tpu.dma_semaphore, #tpu.memory_space<semaphore_mem>>)
    } else {
    }
    %mul3A = arith.constant 4096 : i32
    %mul3A_9 = arith.muli %arg0, %mul3A : i32
    %dma_wait3A = tpu.memref_slice %arg4[%rem3A_0] : memref<6x!tpu.dma_semaphore, #tpu.memory_space<semaphore_mem>> -> memref<1x!tpu.dma_semaphore, #tpu.memory_space<semaphore_mem>>
    %dma_wait3A_10 = tpu.memref_squeeze %dma_wait3A : memref<1x!tpu.dma_semaphore, #tpu.memory_space<semaphore_mem>> -> memref<!tpu.dma_semaphore, #tpu.memory_space<semaphore_mem>>
    %dma_wait3A_11 = arith.constant 0 : i32
    %dma_wait3A_12 = arith.constant 0 : i32
    %dma_wait3A_13 = tpu.memref_slice %arg3[%rem3A_0, %dma_wait3A_11, %dma_wait3A_12] : memref<6x4096x128xf32, #tpu.memory_space<vmem>> -> memref<1x4096x128xf32, #tpu.memory_space<vmem>>
    %dma_wait3A_14 = tpu.memref_squeeze %dma_wait3A_13 : memref<1x4096x128xf32, #tpu.memory_space<vmem>> -> memref<4096x128xf32, #tpu.memory_space<vmem>>
    %dma_wait3A_15 = arith.constant 0 : i32
    %dma_wait3A_16 = tpu.memref_slice %arg1[%mul3A_9, %dma_wait3A_15] : memref<204800x128xf32, #tpu.memory_space<any>> -> memref<4096x128xf32, #tpu.memory_space<any>>
    tpu.wait_dma2 semaphore(%dma_wait3A_10 : memref<!tpu.dma_semaphore, #tpu.memory_space<semaphore_mem>>) src(%dma_wait3A_16 : memref<4096x128xf32, #tpu.memory_space<any>>) dst(%dma_wait3A_14 : memref<4096x128xf32, #tpu.memory_space<vmem>>)
    %get3A = arith.index_cast %rem3A_0 : i32 to index
    %get3A_17 = arith.constant 0 : index
    %get3A_18 = arith.constant 0 : index
    %get3A_19 = vector.load %arg3[%get3A, %get3A_17, %get3A_18] : memref<6x4096x128xf32, #tpu.memory_space<vmem>>, vector<1x128x64xf32>
    %get3A_20 = vector.shape_cast %get3A_19 : vector<1x128x64xf32> to vector<128x64xf32>
    %transpose3A = tpu.transpose %get3A_20, [1, 0] : vector<128x64xf32> -> vector<64x128xf32>
    %mul3A_21 = arith.constant 8.000000e+00 : f32
    %mul3A_22 = vector.broadcast %mul3A_21 : f32 to vector<64x128xf32>
    %mul3A_23 = arith.mulf %transpose3A, %mul3A_22 : vector<64x128xf32>
    %reshape3A = vector.shape_cast %mul3A_23 : vector<64x128xf32> to vector<8x8x128xf32>
    %swap3A = arith.constant 0 : index
    %swap3A_24 = arith.constant 0 : index
    %swap3A_25 = arith.constant 0 : index
    %swap3A_26 = arith.constant 0 : index
    %swap3A_27 = arith.constant 0 : index
    %swap3A_28 = vector.load %arg2[%swap3A, %swap3A_24, %swap3A_25, %swap3A_26, %swap3A_27] : memref<4x8x8x8x128xf32, #tpu.memory_space<vmem>>, vector<1x8x1x8x128xf32>
    %swap3A_29 = vector.shape_cast %swap3A_28 : vector<1x8x1x8x128xf32> to vector<8x8x128xf32>
    %swap3A_30 = vector.shape_cast %reshape3A : vector<8x8x128xf32> to vector<1x8x1x8x128xf32>
    tpu.vector_store %arg2[%swap3A, %swap3A_24, %swap3A_25, %swap3A_26, %swap3A_27], %swap3A_30 {strides = array<i32>} : memref<4x8x8x8x128xf32, #tpu.memory_space<vmem>>, vector<1x8x1x8x128xf32>,
    %get3A_31 = arith.index_cast %rem3A_0 : i32 to index
    %get3A_32 = arith.constant 128 : index
    %get3A_33 = arith.constant 0 : index
    %get3A_34 = vector.load %arg3[%get3A_31, %get3A_32, %get3A_33] : memref<6x4096x128xf32, #tpu.memory_space<vmem>>, vector<1x128x64xf32>
    %get3A_35 = vector.shape_cast %get3A_34 : vector<1x128x64xf32> to vector<128x64xf32>
    %transpose3A_36 = tpu.transpose %get3A_35, [1, 0] : vector<128x64xf32> -> vector<64x128xf32>
    %mul3A_37 = arith.constant 8.000000e+00 : f32
    %mul3A_38 = vector.broadcast %mul3A_37 : f32 to vector<64x128xf32>
    %mul3A_39 = arith.mulf %transpose3A_36, %mul3A_38 : vector<64x128xf32>
    %reshape3A_40 = vector.shape_cast %mul3A_39 : vector<64x128xf32> to vector<8x8x128xf32>
    %swap3A_41 = arith.constant 0 : index
    %swap3A_42 = arith.constant 0 : index
    %swap3A_43 = arith.constant 1 : index
    %swap3A_44 = arith.constant 0 : index
    %swap3A_45 = arith.constant 0 : index
    %swap3A_46 = vector.load %arg2[%swap3A_41, %swap3A_42, %swap3A_43, %swap3A_44, %swap3A_45] : memref<4x8x8x8x128xf32, #tpu.memory_space<vmem>>, vector<1x8x1x8x128xf32>
    %swap3A_47 = vector.shape_cast %swap3A_46 : vector<1x8x1x8x128xf32> to vector<8x8x128xf32>
    %swap3A_48 = vector.shape_cast %reshape3A_40 : vector<8x8x128xf32> to vector<1x8x1x8x128xf32>
    tpu.vector_store %arg2[%swap3A_41, %swap3A_42, %swap3A_43, %swap3A_44, %swap3A_45], %swap3A_48 {strides = array<i32>} : memref<4x8x8x8x128xf32, #tpu.memory_space<vmem>>, vector<1x8x1x8x128xf32>,
    %get3A_49 = arith.index_cast %rem3A_0 : i32 to index
    %get3A_50 = arith.constant 256 : index
    %get3A_51 = arith.constant 0 : index
    %get3A_52 = vector.load %arg3[%get3A_49, %get3A_50, %get3A_51] : memref<6x4096x128xf32, #tpu.memory_space<vmem>>, vector<1x128x64xf32>
    %get3A_53 = vector.shape_cast %get3A_52 : vector<1x128x64xf32> to vector<128x64xf32>
    %transpose3A_54 = tpu.transpose %get3A_53, [1, 0] : vector<128x64xf32> -> vector<64x128xf32>
    %mul3A_55 = arith.constant 8.000000e+00 : f32
    %mul3A_56 = vector.broadcast %mul3A_55 : f32 to vector<64x128xf32>
    %mul3A_57 = arith.mulf %transpose3A_54, %mul3A_56 : vector<64x128xf32>
    %reshape3A_58 = vector.shape_cast %mul3A_57 : vector<64x128xf32> to vector<8x8x128xf32>
    %swap3A_59 = arith.constant 0 : index
    %swap3A_60 = arith.constant 0 : index
    %swap3A_61 = arith.constant 2 : index
    %swap3A_62 = arith.constant 0 : index
    %swap3A_63 = arith.constant 0 : index
    %swap3A_64 = vector.load %arg2[%swap3A_59, %swap3A_60, %swap3A_61, %swap3A_62, %swap3A_63] : memref<4x8x8x8x128xf32, #tpu.memory_space<vmem>>, vector<1x8x1x8x128xf32>
    %swap3A_65 = vector.shape_cast %swap3A_64 : vector<1x8x1x8x128xf32> to vector<8x8x128xf32>
    %swap3A_66 = vector.shape_cast %reshape3A_58 : vector<8x8x128xf32> to vector<1x8x1x8x128xf32>
    tpu.vector_store %arg2[%swap3A_59, %swap3A_60, %swap3A_61, %swap3A_62, %swap3A_63], %swap3A_66 {strides = array<i32>} : memref<4x8x8x8x128xf32, #tpu.memory_space<vmem>>, vector<1x8x1x8x128xf32>,
    %get3A_67 = arith.index_cast %rem3A_0 : i32 to index
    %get3A_68 = arith.constant 384 : index
    %get3A_69 = arith.constant 0 : index
    %get3A_70 = vector.load %arg3[%get3A_67, %get3A_68, %get3A_69] : memref<6x4096x128xf32, #tpu.memory_space<vmem>>, vector<1x128x64xf32>
    %get3A_71 = vector.shape_cast %get3A_70 : vector<1x128x64xf32> to vector<128x64xf32>
    %transpose3A_72 = tpu.transpose %get3A_71, [1, 0] : vector<128x64xf32> -> vector<64x128xf32>
    %mul3A_73 = arith.constant 8.000000e+00 : f32
    %mul3A_74 = vector.broadcast %mul3A_73 : f32 to vector<64x128xf32>
    %mul3A_75 = arith.mulf %transpose3A_72, %mul3A_74 : vector<64x128xf32>
    %reshape3A_76 = vector.shape_cast %mul3A_75 : vector<64x128xf32> to vector<8x8x128xf32>
    %swap3A_77 = arith.constant 0 : index
    %swap3A_78 = arith.constant 0 : index
    %swap3A_79 = arith.constant 3 : index
    %swap3A_80 = arith.constant 0 : index
    %swap3A_81 = arith.constant 0 : index
    %swap3A_82 = vector.load %arg2[%swap3A_77, %swap3A_78, %swap3A_79, %swap3A_80, %swap3A_81] : memref<4x8x8x8x128xf32, #tpu.memory_space<vmem>>, vector<1x8x1x8x128xf32>
    %swap3A_83 = vector.shape_cast %swap3A_82 : vector<1x8x1x8x128xf32> to vector<8x8x128xf32>
    %swap3A_84 = vector.shape_cast %reshape3A_76 : vector<8x8x128xf32> to vector<1x8x1x8x128xf32>
    tpu.vector_store %arg2[%swap3A_77, %swap3A_78, %swap3A_79, %swap3A_80, %swap3A_81], %swap3A_84 {strides = array<i32>} : memref<4x8x8x8x128xf32, #tpu.memory_space<vmem>>, vector<1x8x1x8x128xf32>,
    %get3A_85 = arith.index_cast %rem3A_0 : i32 to index
    %get3A_86 = arith.constant 512 : index
    %get3A_87 = arith.constant 0 : index
    %get3A_88 = vector.load %arg3[%get3A_85, %get3A_86, %get3A_87] : memref<6x4096x128xf32, #tpu.memory_space<vmem>>, vector<1x128x64xf32>
    %get3A_89 = vector.shape_cast %get3A_88 : vector<1x128x64xf32> to vector<128x64xf32>
    %transpose3A_90 = tpu.transpose %get3A_89, [1, 0] : vector<128x64xf32> -> vector<64x128xf32>
    %mul3A_91 = arith.constant 8.000000e+00 : f32
    %mul3A_92 = vector.broadcast %mul3A_91 : f32 to vector<64x128xf32>
    %mul3A_93 = arith.mulf %transpose3A_90, %mul3A_92 : vector<64x128xf32>
    %reshape3A_94 = vector.shape_cast %mul3A_93 : vector<64x128xf32> to vector<8x8x128xf32>
    %swap3A_95 = arith.constant 0 : index
    %swap3A_96 = arith.constant 0 : index
    %swap3A_97 = arith.constant 4 : index
    %swap3A_98 = arith.constant 0 : index
    %swap3A_99 = arith.constant 0 : index
    %swap3A_100 = vector.load %arg2[%swap3A_95, %swap3A_96, %swap3A_97, %swap3A_98, %swap3A_99] : memref<4x8x8x8x128xf32, #tpu.memory_space<vmem>>, vector<1x8x1x8x128xf32>
    %swap3A_101 = vector.shape_cast %swap3A_100 : vector<1x8x1x8x128xf32> to vector<8x8x128xf32>
    %swap3A_102 = vector.shape_cast %reshape3A_94 : vector<8x8x128xf32> to vector<1x8x1x8x128xf32>
    tpu.vector_store %arg2[%swap3A_95, %swap3A_96, %swap3A_97, %swap3A_98, %swap3A_99], %swap3A_102 {strides = array<i32>} : memref<4x8x8x8x128xf32, #tpu.memory_space<vmem>>, vector<1x8x1x8x128xf32>,
    %get3A_103 = arith.index_cast %rem3A_0 : i32 to index
    %get3A_104 = arith.constant 640 : index
    %get3A_105 = arith.constant 0 : index
    %get3A_106 = vector.load %arg3[%get3A_103, %get3A_104, %get3A_105] : memref<6x4096x128xf32, #tpu.memory_space<vmem>>, vector<1x128x64xf32>
    %get3A_107 = vector.shape_cast %get3A_106 : vector<1x128x64xf32> to vector<128x64xf32>
    %transpose3A_108 = tpu.transpose %get3A_107, [1, 0] : vector<128x64xf32> -> vector<64x128xf32>
    %mul3A_109 = arith.constant 8.000000e+00 : f32
    %mul3A_110 = vector.broadcast %mul3A_109 : f32 to vector<64x128xf32>
    %mul3A_111 = arith.mulf %transpose3A_108, %mul3A_110 : vector<64x128xf32>
    %reshape3A_112 = vector.shape_cast %mul3A_111 : vector<64x128xf32> to vector<8x8x128xf32>
    %swap3A_113 = arith.constant 0 : index
    %swap3A_114 = arith.constant 0 : index
    %swap3A_115 = arith.constant 5 : index
    %swap3A_116 = arith.constant 0 : index
    %swap3A_117 = arith.constant 0 : index
    %swap3A_118 = vector.load %arg2[%swap3A_113, %swap3A_114, %swap3A_115, %swap3A_116, %swap3A_117] : memref<4x8x8x8x128xf32, #tpu.memory_space<vmem>>, vector<1x8x1x8x128xf32>
    %swap3A_119 = vector.shape_cast %swap3A_118 : vector<1x8x1x8x128xf32> to vector<8x8x128xf32>
    %swap3A_120 = vector.shape_cast %reshape3A_112 : vector<8x8x128xf32> to vector<1x8x1x8x128xf32>
    tpu.vector_store %arg2[%swap3A_113, %swap3A_114, %swap3A_115, %swap3A_116, %swap3A_117], %swap3A_120 {strides = array<i32>} : memref<4x8x8x8x128xf32, #tpu.memory_space<vmem>>, vector<1x8x1x8x128xf32>,
    %get3A_121 = arith.index_cast %rem3A_0 : i32 to index
    %get3A_122 = arith.constant 768 : index
    %get3A_123 = arith.constant 0 : index
    %get3A_124 = vector.load %arg3[%get3A_121, %get3A_122, %get3A_123] : memref<6x4096x128xf32, #tpu.memory_space<vmem>>, vector<1x128x64xf32>
    %get3A_125 = vector.shape_cast %get3A_124 : vector<1x128x64xf32> to vector<128x64xf32>
    %transpose3A_126 = tpu.transpose %get3A_125, [1, 0] : vector<128x64xf32> -> vector<64x128xf32>
    %mul3A_127 = arith.constant 8.000000e+00 : f32
    %mul3A_128 = vector.broadcast %mul3A_127 : f32 to vector<64x128xf32>
    %mul3A_129 = arith.mulf %transpose3A_126, %mul3A_128 : vector<64x128xf32>
    %reshape3A_130 = vector.shape_cast %mul3A_129 : vector<64x128xf32> to vector<8x8x128xf32>
    %swap3A_131 = arith.constant 0 : index
    %swap3A_132 = arith.constant 0 : index
    %swap3A_133 = arith.constant 6 : index
    %swap3A_134 = arith.constant 0 : index
    %swap3A_135 = arith.constant 0 : index
    %swap3A_136 = vector.load %arg2[%swap3A_131, %swap3A_132, %swap3A_133, %swap3A_134, %swap3A_135] : memref<4x8x8x8x128xf32, #tpu.memory_space<vmem>>, vector<1x8x1x8x128xf32>
    %swap3A_137 = vector.shape_cast %swap3A_136 : vector<1x8x1x8x128xf32> to vector<8x8x128xf32>
    %swap3A_138 = vector.shape_cast %reshape3A_130 : vector<8x8x128xf32> to vector<1x8x1x8x128xf32>
    tpu.vector_store %arg2[%swap3A_131, %swap3A_132, %swap3A_133, %swap3A_134, %swap3A_135], %swap3A_138 {strides = array<i32>} : memref<4x8x8x8x128xf32, #tpu.memory_space<vmem>>, vector<1x8x1x8x128xf32>,
    %get3A_139 = arith.index_cast %rem3A_0 : i32 to index
    %get3A_140 = arith.constant 896 : index
    %get3A_141 = arith.constant 0 : index
    %get3A_142 = vector.load %arg3[%get3A_139, %get3A_140, %get3A_141] : memref<6x4096x128xf32, #tpu.memory_space<vmem>>, vector<1x128x64xf32>
    %get3A_143 = vector.shape_cast %get3A_142 : vector<1x128x64xf32> to vector<128x64xf32>
    %transpose3A_144 = tpu.transpose %get3A_143, [1, 0] : vector<128x64xf32> -> vector<64x128xf32>
    %mul3A_145 = arith.constant 8.000000e+00 : f32
    %mul3A_146 = vector.broadcast %mul3A_145 : f32 to vector<64x128xf32>
    %mul3A_147 = arith.mulf %transpose3A_144, %mul3A_146 : vector<64x128xf32>
    %reshape3A_148 = vector.shape_cast %mul3A_147 : vector<64x128xf32> to vector<8x8x128xf32>
    %swap3A_149 = arith.constant 0 : index
    %swap3A_150 = arith.constant 0 : index
    %swap3A_151 = arith.constant 7 : index
    %swap3A_152 = arith.constant 0 : index
    %swap3A_153 = arith.constant 0 : index
    %swap3A_154 = vector.load %arg2[%swap3A_149, %swap3A_150, %swap3A_151, %swap3A_152, %swap3A_153] : memref<4x8x8x8x128xf32, #tpu.memory_space<vmem>>, vector<1x8x1x8x128xf32>
    %swap3A_155 = vector.shape_cast %swap3A_154 : vector<1x8x1x8x128xf32> to vector<8x8x128xf32>
    %swap3A_156 = vector.shape_cast %reshape3A_148 : vector<8x8x128xf32> to vector<1x8x1x8x128xf32>
    tpu.vector_store %arg2[%swap3A_149, %swap3A_150, %swap3A_151, %swap3A_152, %swap3A_153], %swap3A_156 {strides = array<i32>} : memref<4x8x8x8x128xf32, #tpu.memory_space<vmem>>, vector<1x8x1x8x128xf32>,
    %get3A_157 = arith.index_cast %rem3A_0 : i32 to index
    %get3A_158 = arith.constant 1024 : index
    %get3A_159 = arith.constant 0 : index
    %get3A_160 = vector.load %arg3[%get3A_157, %get3A_158, %get3A_159] : memref<6x4096x128xf32, #tpu.memory_space<vmem>>, vector<1x128x64xf32>
    %get3A_161 = vector.shape_cast %get3A_160 : vector<1x128x64xf32> to vector<128x64xf32>
    %transpose3A_162 = tpu.transpose %get3A_161, [1, 0] : vector<128x64xf32> -> vector<64x128xf32>
    %mul3A_163 = arith.constant 8.000000e+00 : f32
    %mul3A_164 = vector.broadcast %mul3A_163 : f32 to vector<64x128xf32>
    %mul3A_165 = arith.mulf %transpose3A_162, %mul3A_164 : vector<64x128xf32>
    %reshape3A_166 = vector.shape_cast %mul3A_165 : vector<64x128xf32> to vector<8x8x128xf32>
    %swap3A_167 = arith.constant 1 : index
    %swap3A_168 = arith.constant 0 : index
    %swap3A_169 = arith.constant 0 : index
    %swap3A_170 = arith.constant 0 : index
    %swap3A_171 = arith.constant 0 : index
    %swap3A_172 = vector.load %arg2[%swap3A_167, %swap3A_168, %swap3A_169, %swap3A_170, %swap3A_171] : memref<4x8x8x8x128xf32, #tpu.memory_space<vmem>>, vector<1x8x1x8x128xf32>
    %swap3A_173 = vector.shape_cast %swap3A_172 : vector<1x8x1x8x128xf32> to vector<8x8x128xf32>
    %swap3A_174 = vector.shape_cast %reshape3A_166 : vector<8x8x128xf32> to vector<1x8x1x8x128xf32>
    tpu.vector_store %arg2[%swap3A_167, %swap3A_168, %swap3A_169, %swap3A_170, %swap3A_171], %swap3A_174 {strides = array<i32>} : memref<4x8x8x8x128xf32, #tpu.memory_space<vmem>>, vector<1x8x1x8x128xf32>,
    %get3A_175 = arith.index_cast %rem3A_0 : i32 to index
    %get3A_176 = arith.constant 1152 : index
    %get3A_177 = arith.constant 0 : index
    %get3A_178 = vector.load %arg3[%get3A_175, %get3A_176, %get3A_177] : memref<6x4096x128xf32, #tpu.memory_space<vmem>>, vector<1x128x64xf32>
    %get3A_179 = vector.shape_cast %get3A_178 : vector<1x128x64xf32> to vector<128x64xf32>
    %transpose3A_180 = tpu.transpose %get3A_179, [1, 0] : vector<128x64xf32> -> vector<64x128xf32>
    %mul3A_181 = arith.constant 8.000000e+00 : f32
    %mul3A_182 = vector.broadcast %mul3A_181 : f32 to vector<64x128xf32>
    %mul3A_183 = arith.mulf %transpose3A_180, %mul3A_182 : vector<64x128xf32>
    %reshape3A_184 = vector.shape_cast %mul3A_183 : vector<64x128xf32> to vector<8x8x128xf32>
    %swap3A_185 = arith.constant 1 : index
    %swap3A_186 = arith.constant 0 : index
    %swap3A_187 = arith.constant 1 : index
    %swap3A_188 = arith.constant 0 : index
    %swap3A_189 = arith.constant 0 : index
    %swap3A_190 = vector.load %arg2[%swap3A_185, %swap3A_186, %swap3A_187, %swap3A_188, %swap3A_189] : memref<4x8x8x8x128xf32, #tpu.memory_space<vmem>>, vector<1x8x1x8x128xf32>
    %swap3A_191 = vector.shape_cast %swap3A_190 : vector<1x8x1x8x128xf32> to vector<8x8x128xf32>
    %swap3A_192 = vector.shape_cast %reshape3A_184 : vector<8x8x128xf32> to vector<1x8x1x8x128xf32>
    tpu.vector_store %arg2[%swap3A_185, %swap3A_186, %swap3A_187, %swap3A_188, %swap3A_189], %swap3A_192 {strides = array<i32>} : memref<4x8x8x8x128xf32, #tpu.memory_space<vmem>>, vector<1x8x1x8x128xf32>,
    %get3A_193 = arith.index_cast %rem3A_0 : i32 to index
    %get3A_194 = arith.constant 1280 : index
    %get3A_195 = arith.constant 0 : index
    %get3A_196 = vector.load %arg3[%get3A_193, %get3A_194, %get3A_195] : memref<6x4096x128xf32, #tpu.memory_space<vmem>>, vector<1x128x64xf32>
    %get3A_197 = vector.shape_cast %get3A_196 : vector<1x128x64xf32> to vector<128x64xf32>
    %transpose3A_198 = tpu.transpose %get3A_197, [1, 0] : vector<128x64xf32> -> vector<64x128xf32>
    %mul3A_199 = arith.constant 8.000000e+00 : f32
    %mul3A_200 = vector.broadcast %mul3A_199 : f32 to vector<64x128xf32>
    %mul3A_201 = arith.mulf %transpose3A_198, %mul3A_200 : vector<64x128xf32>
    %reshape3A_202 = vector.shape_cast %mul3A_201 : vector<64x128xf32> to vector<8x8x128xf32>
    %swap3A_203 = arith.constant 1 : index
    %swap3A_204 = arith.constant 0 : index
    %swap3A_205 = arith.constant 2 : index
    %swap3A_206 = arith.constant 0 : index
    %swap3A_207 = arith.constant 0 : index
    %swap3A_208 = vector.load %arg2[%swap3A_203, %swap3A_204, %swap3A_205, %swap3A_206, %swap3A_207] : memref<4x8x8x8x128xf32, #tpu.memory_space<vmem>>, vector<1x8x1x8x128xf32>
    %swap3A_209 = vector.shape_cast %swap3A_208 : vector<1x8x1x8x128xf32> to vector<8x8x128xf32>
    %swap3A_210 = vector.shape_cast %reshape3A_202 : vector<8x8x128xf32> to vector<1x8x1x8x128xf32>
    tpu.vector_store %arg2[%swap3A_203, %swap3A_204, %swap3A_205, %swap3A_206, %swap3A_207], %swap3A_210 {strides = array<i32>} : memref<4x8x8x8x128xf32, #tpu.memory_space<vmem>>, vector<1x8x1x8x128xf32>,
    %get3A_211 = arith.index_cast %rem3A_0 : i32 to index
    %get3A_212 = arith.constant 1408 : index
    %get3A_213 = arith.constant 0 : index
    %get3A_214 = vector.load %arg3[%get3A_211, %get3A_212, %get3A_213] : memref<6x4096x128xf32, #tpu.memory_space<vmem>>, vector<1x128x64xf32>
    %get3A_215 = vector.shape_cast %get3A_214 : vector<1x128x64xf32> to vector<128x64xf32>
    %transpose3A_216 = tpu.transpose %get3A_215, [1, 0] : vector<128x64xf32> -> vector<64x128xf32>
    %mul3A_217 = arith.constant 8.000000e+00 : f32
    %mul3A_218 = vector.broadcast %mul3A_217 : f32 to vector<64x128xf32>
    %mul3A_219 = arith.mulf %transpose3A_216, %mul3A_218 : vector<64x128xf32>
    %reshape3A_220 = vector.shape_cast %mul3A_219 : vector<64x128xf32> to vector<8x8x128xf32>
    %swap3A_221 = arith.constant 1 : index
    %swap3A_222 = arith.constant 0 : index
    %swap3A_223 = arith.constant 3 : index
    %swap3A_224 = arith.constant 0 : index
    %swap3A_225 = arith.constant 0 : index
    %swap3A_226 = vector.load %arg2[%swap3A_221, %swap3A_222, %swap3A_223, %swap3A_224, %swap3A_225] : memref<4x8x8x8x128xf32, #tpu.memory_space<vmem>>, vector<1x8x1x8x128xf32>
    %swap3A_227 = vector.shape_cast %swap3A_226 : vector<1x8x1x8x128xf32> to vector<8x8x128xf32>
    %swap3A_228 = vector.shape_cast %reshape3A_220 : vector<8x8x128xf32> to vector<1x8x1x8x128xf32>
    tpu.vector_store %arg2[%swap3A_221, %swap3A_222, %swap3A_223, %swap3A_224, %swap3A_225], %swap3A_228 {strides = array<i32>} : memref<4x8x8x8x128xf32, #tpu.memory_space<vmem>>, vector<1x8x1x8x128xf32>,
    %get3A_229 = arith.index_cast %rem3A_0 : i32 to index
    %get3A_230 = arith.constant 1536 : index
    %get3A_231 = arith.constant 0 : index
    %get3A_232 = vector.load %arg3[%get3A_229, %get3A_230, %get3A_231] : memref<6x4096x128xf32, #tpu.memory_space<vmem>>, vector<1x128x64xf32>
    %get3A_233 = vector.shape_cast %get3A_232 : vector<1x128x64xf32> to vector<128x64xf32>
    %transpose3A_234 = tpu.transpose %get3A_233, [1, 0] : vector<128x64xf32> -> vector<64x128xf32>
    %mul3A_235 = arith.constant 8.000000e+00 : f32
    %mul3A_236 = vector.broadcast %mul3A_235 : f32 to vector<64x128xf32>
    %mul3A_237 = arith.mulf %transpose3A_234, %mul3A_236 : vector<64x128xf32>
    %reshape3A_238 = vector.shape_cast %mul3A_237 : vector<64x128xf32> to vector<8x8x128xf32>
    %swap3A_239 = arith.constant 1 : index
    %swap3A_240 = arith.constant 0 : index
    %swap3A_241 = arith.constant 4 : index
    %swap3A_242 = arith.constant 0 : index
    %swap3A_243 = arith.constant 0 : index
    %swap3A_244 = vector.load %arg2[%swap3A_239, %swap3A_240, %swap3A_241, %swap3A_242, %swap3A_243] : memref<4x8x8x8x128xf32, #tpu.memory_space<vmem>>, vector<1x8x1x8x128xf32>
    %swap3A_245 = vector.shape_cast %swap3A_244 : vector<1x8x1x8x128xf32> to vector<8x8x128xf32>
    %swap3A_246 = vector.shape_cast %reshape3A_238 : vector<8x8x128xf32> to vector<1x8x1x8x128xf32>
    tpu.vector_store %arg2[%swap3A_239, %swap3A_240, %swap3A_241, %swap3A_242, %swap3A_243], %swap3A_246 {strides = array<i32>} : memref<4x8x8x8x128xf32, #tpu.memory_space<vmem>>, vector<1x8x1x8x128xf32>,
    %get3A_247 = arith.index_cast %rem3A_0 : i32 to index
    %get3A_248 = arith.constant 1664 : index
    %get3A_249 = arith.constant 0 : index
    %get3A_250 = vector.load %arg3[%get3A_247, %get3A_248, %get3A_249] : memref<6x4096x128xf32, #tpu.memory_space<vmem>>, vector<1x128x64xf32>
    %get3A_251 = vector.shape_cast %get3A_250 : vector<1x128x64xf32> to vector<128x64xf32>
    %transpose3A_252 = tpu.transpose %get3A_251, [1, 0] : vector<128x64xf32> -> vector<64x128xf32>
    %mul3A_253 = arith.constant 8.000000e+00 : f32
    %mul3A_254 = vector.broadcast %mul3A_253 : f32 to vector<64x128xf32>
    %mul3A_255 = arith.mulf %transpose3A_252, %mul3A_254 : vector<64x128xf32>
    %reshape3A_256 = vector.shape_cast %mul3A_255 : vector<64x128xf32> to vector<8x8x128xf32>
    %swap3A_257 = arith.constant 1 : index
    %swap3A_258 = arith.constant 0 : index
    %swap3A_259 = arith.constant 5 : index
    %swap3A_260 = arith.constant 0 : index
    %swap3A_261 = arith.constant 0 : index
    %swap3A_262 = vector.load %arg2[%swap3A_257, %swap3A_258, %swap3A_259, %swap3A_260, %swap3A_261] : memref<4x8x8x8x128xf32, #tpu.memory_space<vmem>>, vector<1x8x1x8x128xf32>
    %swap3A_263 = vector.shape_cast %swap3A_262 : vector<1x8x1x8x128xf32> to vector<8x8x128xf32>
    %swap3A_264 = vector.shape_cast %reshape3A_256 : vector<8x8x128xf32> to vector<1x8x1x8x128xf32>
    tpu.vector_store %arg2[%swap3A_257, %swap3A_258, %swap3A_259, %swap3A_260, %swap3A_261], %swap3A_264 {strides = array<i32>} : memref<4x8x8x8x128xf32, #tpu.memory_space<vmem>>, vector<1x8x1x8x128xf32>,
    %get3A_265 = arith.index_cast %rem3A_0 : i32 to index
    %get3A_266 = arith.constant 1792 : index
    %get3A_267 = arith.constant 0 : index
    %get3A_268 = vector.load %arg3[%get3A_265, %get3A_266, %get3A_267] : memref<6x4096x128xf32, #tpu.memory_space<vmem>>, vector<1x128x64xf32>
    %get3A_269 = vector.shape_cast %get3A_268 : vector<1x128x64xf32> to vector<128x64xf32>
    %transpose3A_270 = tpu.transpose %get3A_269, [1, 0] : vector<128x64xf32> -> vector<64x128xf32>
    %mul3A_271 = arith.constant 8.000000e+00 : f32
    %mul3A_272 = vector.broadcast %mul3A_271 : f32 to vector<64x128xf32>
    %mul3A_273 = arith.mulf %transpose3A_270, %mul3A_272 : vector<64x128xf32>
    %reshape3A_274 = vector.shape_cast %mul3A_273 : vector<64x128xf32> to vector<8x8x128xf32>
    %swap3A_275 = arith.constant 1 : index
    %swap3A_276 = arith.constant 0 : index
    %swap3A_277 = arith.constant 6 : index
    %swap3A_278 = arith.constant 0 : index
    %swap3A_279 = arith.constant 0 : index
    %swap3A_280 = vector.load %arg2[%swap3A_275, %swap3A_276, %swap3A_277, %swap3A_278, %swap3A_279] : memref<4x8x8x8x128xf32, #tpu.memory_space<vmem>>, vector<1x8x1x8x128xf32>
    %swap3A_281 = vector.shape_cast %swap3A_280 : vector<1x8x1x8x128xf32> to vector<8x8x128xf32>
    %swap3A_282 = vector.shape_cast %reshape3A_274 : vector<8x8x128xf32> to vector<1x8x1x8x128xf32>
    tpu.vector_store %arg2[%swap3A_275, %swap3A_276, %swap3A_277, %swap3A_278, %swap3A_279], %swap3A_282 {strides = array<i32>} : memref<4x8x8x8x128xf32, #tpu.memory_space<vmem>>, vector<1x8x1x8x128xf32>,
    %get3A_283 = arith.index_cast %rem3A_0 : i32 to index
    %get3A_284 = arith.constant 1920 : index
    %get3A_285 = arith.constant 0 : index
    %get3A_286 = vector.load %arg3[%get3A_283, %get3A_284, %get3A_285] : memref<6x4096x128xf32, #tpu.memory_space<vmem>>, vector<1x128x64xf32>
    %get3A_287 = vector.shape_cast %get3A_286 : vector<1x128x64xf32> to vector<128x64xf32>
    %transpose3A_288 = tpu.transpose %get3A_287, [1, 0] : vector<128x64xf32> -> vector<64x128xf32>
    %mul3A_289 = arith.constant 8.000000e+00 : f32
    %mul3A_290 = vector.broadcast %mul3A_289 : f32 to vector<64x128xf32>
    %mul3A_291 = arith.mulf %transpose3A_288, %mul3A_290 : vector<64x128xf32>
    %reshape3A_292 = vector.shape_cast %mul3A_291 : vector<64x128xf32> to vector<8x8x128xf32>
    %swap3A_293 = arith.constant 1 : index
    %swap3A_294 = arith.constant 0 : index
    %swap3A_295 = arith.constant 7 : index
    %swap3A_296 = arith.constant 0 : index
    %swap3A_297 = arith.constant 0 : index
    %swap3A_298 = vector.load %arg2[%swap3A_293, %swap3A_294, %swap3A_295, %swap3A_296, %swap3A_297] : memref<4x8x8x8x128xf32, #tpu.memory_space<vmem>>, vector<1x8x1x8x128xf32>
    %swap3A_299 = vector.shape_cast %swap3A_298 : vector<1x8x1x8x128xf32> to vector<8x8x128xf32>
    %swap3A_300 = vector.shape_cast %reshape3A_292 : vector<8x8x128xf32> to vector<1x8x1x8x128xf32>
    tpu.vector_store %arg2[%swap3A_293, %swap3A_294, %swap3A_295, %swap3A_296, %swap3A_297], %swap3A_300 {strides = array<i32>} : memref<4x8x8x8x128xf32, #tpu.memory_space<vmem>>, vector<1x8x1x8x128xf32>,
    %get3A_301 = arith.index_cast %rem3A_0 : i32 to index
    %get3A_302 = arith.constant 2048 : index
    %get3A_303 = arith.constant 0 : index
    %get3A_304 = vector.load %arg3[%get3A_301, %get3A_302, %get3A_303] : memref<6x4096x128xf32, #tpu.memory_space<vmem>>, vector<1x128x64xf32>
    %get3A_305 = vector.shape_cast %get3A_304 : vector<1x128x64xf32> to vector<128x64xf32>
    %transpose3A_306 = tpu.transpose %get3A_305, [1, 0] : vector<128x64xf32> -> vector<64x128xf32>
    %mul3A_307 = arith.constant 8.000000e+00 : f32
    %mul3A_308 = vector.broadcast %mul3A_307 : f32 to vector<64x128xf32>
    %mul3A_309 = arith.mulf %transpose3A_306, %mul3A_308 : vector<64x128xf32>
    %reshape3A_310 = vector.shape_cast %mul3A_309 : vector<64x128xf32> to vector<8x8x128xf32>
    %swap3A_311 = arith.constant 2 : index
    %swap3A_312 = arith.constant 0 : index
    %swap3A_313 = arith.constant 0 : index
    %swap3A_314 = arith.constant 0 : index
    %swap3A_315 = arith.constant 0 : index
    %swap3A_316 = vector.load %arg2[%swap3A_311, %swap3A_312, %swap3A_313, %swap3A_314, %swap3A_315] : memref<4x8x8x8x128xf32, #tpu.memory_space<vmem>>, vector<1x8x1x8x128xf32>
    %swap3A_317 = vector.shape_cast %swap3A_316 : vector<1x8x1x8x128xf32> to vector<8x8x128xf32>
    %swap3A_318 = vector.shape_cast %reshape3A_310 : vector<8x8x128xf32> to vector<1x8x1x8x128xf32>
    tpu.vector_store %arg2[%swap3A_311, %swap3A_312, %swap3A_313, %swap3A_314, %swap3A_315], %swap3A_318 {strides = array<i32>} : memref<4x8x8x8x128xf32, #tpu.memory_space<vmem>>, vector<1x8x1x8x128xf32>,
    %get3A_319 = arith.index_cast %rem3A_0 : i32 to index
    %get3A_320 = arith.constant 2176 : index
    %get3A_321 = arith.constant 0 : index
    %get3A_322 = vector.load %arg3[%get3A_319, %get3A_320, %get3A_321] : memref<6x4096x128xf32, #tpu.memory_space<vmem>>, vector<1x128x64xf32>
    %get3A_323 = vector.shape_cast %get3A_322 : vector<1x128x64xf32> to vector<128x64xf32>
    %transpose3A_324 = tpu.transpose %get3A_323, [1, 0] : vector<128x64xf32> -> vector<64x128xf32>
    %mul3A_325 = arith.constant 8.000000e+00 : f32
    %mul3A_326 = vector.broadcast %mul3A_325 : f32 to vector<64x128xf32>
    %mul3A_327 = arith.mulf %transpose3A_324, %mul3A_326 : vector<64x128xf32>
    %reshape3A_328 = vector.shape_cast %mul3A_327 : vector<64x128xf32> to vector<8x8x128xf32>
    %swap3A_329 = arith.constant 2 : index
    %swap3A_330 = arith.constant 0 : index
    %swap3A_331 = arith.constant 1 : index
    %swap3A_332 = arith.constant 0 : index
    %swap3A_333 = arith.constant 0 : index
    %swap3A_334 = vector.load %arg2[%swap3A_329, %swap3A_330, %swap3A_331, %swap3A_332, %swap3A_333] : memref<4x8x8x8x128xf32, #tpu.memory_space<vmem>>, vector<1x8x1x8x128xf32>
    %swap3A_335 = vector.shape_cast %swap3A_334 : vector<1x8x1x8x128xf32> to vector<8x8x128xf32>
    %swap3A_336 = vector.shape_cast %reshape3A_328 : vector<8x8x128xf32> to vector<1x8x1x8x128xf32>
    tpu.vector_store %arg2[%swap3A_329, %swap3A_330, %swap3A_331, %swap3A_332, %swap3A_333], %swap3A_336 {strides = array<i32>} : memref<4x8x8x8x128xf32, #tpu.memory_space<vmem>>, vector<1x8x1x8x128xf32>,
    %get3A_337 = arith.index_cast %rem3A_0 : i32 to index
    %get3A_338 = arith.constant 2304 : index
    %get3A_339 = arith.constant 0 : index
    %get3A_340 = vector.load %arg3[%get3A_337, %get3A_338, %get3A_339] : memref<6x4096x128xf32, #tpu.memory_space<vmem>>, vector<1x128x64xf32>
    %get3A_341 = vector.shape_cast %get3A_340 : vector<1x128x64xf32> to vector<128x64xf32>
    %transpose3A_342 = tpu.transpose %get3A_341, [1, 0] : vector<128x64xf32> -> vector<64x128xf32>
    %mul3A_343 = arith.constant 8.000000e+00 : f32
    %mul3A_344 = vector.broadcast %mul3A_343 : f32 to vector<64x128xf32>
    %mul3A_345 = arith.mulf %transpose3A_342, %mul3A_344 : vector<64x128xf32>
    %reshape3A_346 = vector.shape_cast %mul3A_345 : vector<64x128xf32> to vector<8x8x128xf32>
    %swap3A_347 = arith.constant 2 : index
    %swap3A_348 = arith.constant 0 : index
    %swap3A_349 = arith.constant 2 : index
    %swap3A_350 = arith.constant 0 : index
    %swap3A_351 = arith.constant 0 : index
    %swap3A_352 = vector.load %arg2[%swap3A_347, %swap3A_348, %swap3A_349, %swap3A_350, %swap3A_351] : memref<4x8x8x8x128xf32, #tpu.memory_space<vmem>>, vector<1x8x1x8x128xf32>
    %swap3A_353 = vector.shape_cast %swap3A_352 : vector<1x8x1x8x128xf32> to vector<8x8x128xf32>
    %swap3A_354 = vector.shape_cast %reshape3A_346 : vector<8x8x128xf32> to vector<1x8x1x8x128xf32>
    tpu.vector_store %arg2[%swap3A_347, %swap3A_348, %swap3A_349, %swap3A_350, %swap3A_351], %swap3A_354 {strides = array<i32>} : memref<4x8x8x8x128xf32, #tpu.memory_space<vmem>>, vector<1x8x1x8x128xf32>,
    %get3A_355 = arith.index_cast %rem3A_0 : i32 to index
    %get3A_356 = arith.constant 2432 : index
    %get3A_357 = arith.constant 0 : index
    %get3A_358 = vector.load %arg3[%get3A_355, %get3A_356, %get3A_357] : memref<6x4096x128xf32, #tpu.memory_space<vmem>>, vector<1x128x64xf32>
    %get3A_359 = vector.shape_cast %get3A_358 : vector<1x128x64xf32> to vector<128x64xf32>
    %transpose3A_360 = tpu.transpose %get3A_359, [1, 0] : vector<128x64xf32> -> vector<64x128xf32>
    %mul3A_361 = arith.constant 8.000000e+00 : f32
    %mul3A_362 = vector.broadcast %mul3A_361 : f32 to vector<64x128xf32>
    %mul3A_363 = arith.mulf %transpose3A_360, %mul3A_362 : vector<64x128xf32>
    %reshape3A_364 = vector.shape_cast %mul3A_363 : vector<64x128xf32> to vector<8x8x128xf32>
    %swap3A_365 = arith.constant 2 : index
    %swap3A_366 = arith.constant 0 : index
    %swap3A_367 = arith.constant 3 : index
    %swap3A_368 = arith.constant 0 : index
    %swap3A_369 = arith.constant 0 : index
    %swap3A_370 = vector.load %arg2[%swap3A_365, %swap3A_366, %swap3A_367, %swap3A_368, %swap3A_369] : memref<4x8x8x8x128xf32, #tpu.memory_space<vmem>>, vector<1x8x1x8x128xf32>
    %swap3A_371 = vector.shape_cast %swap3A_370 : vector<1x8x1x8x128xf32> to vector<8x8x128xf32>
    %swap3A_372 = vector.shape_cast %reshape3A_364 : vector<8x8x128xf32> to vector<1x8x1x8x128xf32>
    tpu.vector_store %arg2[%swap3A_365, %swap3A_366, %swap3A_367, %swap3A_368, %swap3A_369], %swap3A_372 {strides = array<i32>} : memref<4x8x8x8x128xf32, #tpu.memory_space<vmem>>, vector<1x8x1x8x128xf32>,
    %get3A_373 = arith.index_cast %rem3A_0 : i32 to index
    %get3A_374 = arith.constant 2560 : index
    %get3A_375 = arith.constant 0 : index
    %get3A_376 = vector.load %arg3[%get3A_373, %get3A_374, %get3A_375] : memref<6x4096x128xf32, #tpu.memory_space<vmem>>, vector<1x128x64xf32>
    %get3A_377 = vector.shape_cast %get3A_376 : vector<1x128x64xf32> to vector<128x64xf32>
    %transpose3A_378 = tpu.transpose %get3A_377, [1, 0] : vector<128x64xf32> -> vector<64x128xf32>
    %mul3A_379 = arith.constant 8.000000e+00 : f32
    %mul3A_380 = vector.broadcast %mul3A_379 : f32 to vector<64x128xf32>
    %mul3A_381 = arith.mulf %transpose3A_378, %mul3A_380 : vector<64x128xf32>
    %reshape3A_382 = vector.shape_cast %mul3A_381 : vector<64x128xf32> to vector<8x8x128xf32>
    %swap3A_383 = arith.constant 2 : index
    %swap3A_384 = arith.constant 0 : index
    %swap3A_385 = arith.constant 4 : index
    %swap3A_386 = arith.constant 0 : index
    %swap3A_387 = arith.constant 0 : index
    %swap3A_388 = vector.load %arg2[%swap3A_383, %swap3A_384, %swap3A_385, %swap3A_386, %swap3A_387] : memref<4x8x8x8x128xf32, #tpu.memory_space<vmem>>, vector<1x8x1x8x128xf32>
    %swap3A_389 = vector.shape_cast %swap3A_388 : vector<1x8x1x8x128xf32> to vector<8x8x128xf32>
    %swap3A_390 = vector.shape_cast %reshape3A_382 : vector<8x8x128xf32> to vector<1x8x1x8x128xf32>
    tpu.vector_store %arg2[%swap3A_383, %swap3A_384, %swap3A_385, %swap3A_386, %swap3A_387], %swap3A_390 {strides = array<i32>} : memref<4x8x8x8x128xf32, #tpu.memory_space<vmem>>, vector<1x8x1x8x128xf32>,
    %get3A_391 = arith.index_cast %rem3A_0 : i32 to index
    %get3A_392 = arith.constant 2688 : index
    %get3A_393 = arith.constant 0 : index
    %get3A_394 = vector.load %arg3[%get3A_391, %get3A_392, %get3A_393] : memref<6x4096x128xf32, #tpu.memory_space<vmem>>, vector<1x128x64xf32>
    %get3A_395 = vector.shape_cast %get3A_394 : vector<1x128x64xf32> to vector<128x64xf32>
    %transpose3A_396 = tpu.transpose %get3A_395, [1, 0] : vector<128x64xf32> -> vector<64x128xf32>
    %mul3A_397 = arith.constant 8.000000e+00 : f32
    %mul3A_398 = vector.broadcast %mul3A_397 : f32 to vector<64x128xf32>
    %mul3A_399 = arith.mulf %transpose3A_396, %mul3A_398 : vector<64x128xf32>
    %reshape3A_400 = vector.shape_cast %mul3A_399 : vector<64x128xf32> to vector<8x8x128xf32>
    %swap3A_401 = arith.constant 2 : index
    %swap3A_402 = arith.constant 0 : index
    %swap3A_403 = arith.constant 5 : index
    %swap3A_404 = arith.constant 0 : index
    %swap3A_405 = arith.constant 0 : index
    %swap3A_406 = vector.load %arg2[%swap3A_401, %swap3A_402, %swap3A_403, %swap3A_404, %swap3A_405] : memref<4x8x8x8x128xf32, #tpu.memory_space<vmem>>, vector<1x8x1x8x128xf32>
    %swap3A_407 = vector.shape_cast %swap3A_406 : vector<1x8x1x8x128xf32> to vector<8x8x128xf32>
    %swap3A_408 = vector.shape_cast %reshape3A_400 : vector<8x8x128xf32> to vector<1x8x1x8x128xf32>
    tpu.vector_store %arg2[%swap3A_401, %swap3A_402, %swap3A_403, %swap3A_404, %swap3A_405], %swap3A_408 {strides = array<i32>} : memref<4x8x8x8x128xf32, #tpu.memory_space<vmem>>, vector<1x8x1x8x128xf32>,
    %get3A_409 = arith.index_cast %rem3A_0 : i32 to index
    %get3A_410 = arith.constant 2816 : index
    %get3A_411 = arith.constant 0 : index
    %get3A_412 = vector.load %arg3[%get3A_409, %get3A_410, %get3A_411] : memref<6x4096x128xf32, #tpu.memory_space<vmem>>, vector<1x128x64xf32>
    %get3A_413 = vector.shape_cast %get3A_412 : vector<1x128x64xf32> to vector<128x64xf32>
    %transpose3A_414 = tpu.transpose %get3A_413, [1, 0] : vector<128x64xf32> -> vector<64x128xf32>
    %mul3A_415 = arith.constant 8.000000e+00 : f32
    %mul3A_416 = vector.broadcast %mul3A_415 : f32 to vector<64x128xf32>
    %mul3A_417 = arith.mulf %transpose3A_414, %mul3A_416 : vector<64x128xf32>
    %reshape3A_418 = vector.shape_cast %mul3A_417 : vector<64x128xf32> to vector<8x8x128xf32>
    %swap3A_419 = arith.constant 2 : index
    %swap3A_420 = arith.constant 0 : index
    %swap3A_421 = arith.constant 6 : index
    %swap3A_422 = arith.constant 0 : index
    %swap3A_423 = arith.constant 0 : index
    %swap3A_424 = vector.load %arg2[%swap3A_419, %swap3A_420, %swap3A_421, %swap3A_422, %swap3A_423] : memref<4x8x8x8x128xf32, #tpu.memory_space<vmem>>, vector<1x8x1x8x128xf32>
    %swap3A_425 = vector.shape_cast %swap3A_424 : vector<1x8x1x8x128xf32> to vector<8x8x128xf32>
    %swap3A_426 = vector.shape_cast %reshape3A_418 : vector<8x8x128xf32> to vector<1x8x1x8x128xf32>
    tpu.vector_store %arg2[%swap3A_419, %swap3A_420, %swap3A_421, %swap3A_422, %swap3A_423], %swap3A_426 {strides = array<i32>} : memref<4x8x8x8x128xf32, #tpu.memory_space<vmem>>, vector<1x8x1x8x128xf32>,
    %get3A_427 = arith.index_cast %rem3A_0 : i32 to index
    %get3A_428 = arith.constant 2944 : index
    %get3A_429 = arith.constant 0 : index
    %get3A_430 = vector.load %arg3[%get3A_427, %get3A_428, %get3A_429] : memref<6x4096x128xf32, #tpu.memory_space<vmem>>, vector<1x128x64xf32>
    %get3A_431 = vector.shape_cast %get3A_430 : vector<1x128x64xf32> to vector<128x64xf32>
    %transpose3A_432 = tpu.transpose %get3A_431, [1, 0] : vector<128x64xf32> -> vector<64x128xf32>
    %mul3A_433 = arith.constant 8.000000e+00 : f32
    %mul3A_434 = vector.broadcast %mul3A_433 : f32 to vector<64x128xf32>
    %mul3A_435 = arith.mulf %transpose3A_432, %mul3A_434 : vector<64x128xf32>
    %reshape3A_436 = vector.shape_cast %mul3A_435 : vector<64x128xf32> to vector<8x8x128xf32>
    %swap3A_437 = arith.constant 2 : index
    %swap3A_438 = arith.constant 0 : index
    %swap3A_439 = arith.constant 7 : index
    %swap3A_440 = arith.constant 0 : index
    %swap3A_441 = arith.constant 0 : index
    %swap3A_442 = vector.load %arg2[%swap3A_437, %swap3A_438, %swap3A_439, %swap3A_440, %swap3A_441] : memref<4x8x8x8x128xf32, #tpu.memory_space<vmem>>, vector<1x8x1x8x128xf32>
    %swap3A_443 = vector.shape_cast %swap3A_442 : vector<1x8x1x8x128xf32> to vector<8x8x128xf32>
    %swap3A_444 = vector.shape_cast %reshape3A_436 : vector<8x8x128xf32> to vector<1x8x1x8x128xf32>
    tpu.vector_store %arg2[%swap3A_437, %swap3A_438, %swap3A_439, %swap3A_440, %swap3A_441], %swap3A_444 {strides = array<i32>} : memref<4x8x8x8x128xf32, #tpu.memory_space<vmem>>, vector<1x8x1x8x128xf32>,
    %get3A_445 = arith.index_cast %rem3A_0 : i32 to index
    %get3A_446 = arith.constant 3072 : index
    %get3A_447 = arith.constant 0 : index
    %get3A_448 = vector.load %arg3[%get3A_445, %get3A_446, %get3A_447] : memref<6x4096x128xf32, #tpu.memory_space<vmem>>, vector<1x128x64xf32>
    %get3A_449 = vector.shape_cast %get3A_448 : vector<1x128x64xf32> to vector<128x64xf32>
    %transpose3A_450 = tpu.transpose %get3A_449, [1, 0] : vector<128x64xf32> -> vector<64x128xf32>
    %mul3A_451 = arith.constant 8.000000e+00 : f32
    %mul3A_452 = vector.broadcast %mul3A_451 : f32 to vector<64x128xf32>
    %mul3A_453 = arith.mulf %transpose3A_450, %mul3A_452 : vector<64x128xf32>
    %reshape3A_454 = vector.shape_cast %mul3A_453 : vector<64x128xf32> to vector<8x8x128xf32>
    %swap3A_455 = arith.constant 3 : index
    %swap3A_456 = arith.constant 0 : index
    %swap3A_457 = arith.constant 0 : index
    %swap3A_458 = arith.constant 0 : index
    %swap3A_459 = arith.constant 0 : index
    %swap3A_460 = vector.load %arg2[%swap3A_455, %swap3A_456, %swap3A_457, %swap3A_458, %swap3A_459] : memref<4x8x8x8x128xf32, #tpu.memory_space<vmem>>, vector<1x8x1x8x128xf32>
    %swap3A_461 = vector.shape_cast %swap3A_460 : vector<1x8x1x8x128xf32> to vector<8x8x128xf32>
    %swap3A_462 = vector.shape_cast %reshape3A_454 : vector<8x8x128xf32> to vector<1x8x1x8x128xf32>
    tpu.vector_store %arg2[%swap3A_455, %swap3A_456, %swap3A_457, %swap3A_458, %swap3A_459], %swap3A_462 {strides = array<i32>} : memref<4x8x8x8x128xf32, #tpu.memory_space<vmem>>, vector<1x8x1x8x128xf32>,
    %get3A_463 = arith.index_cast %rem3A_0 : i32 to index
    %get3A_464 = arith.constant 3200 : index
    %get3A_465 = arith.constant 0 : index
    %get3A_466 = vector.load %arg3[%get3A_463, %get3A_464, %get3A_465] : memref<6x4096x128xf32, #tpu.memory_space<vmem>>, vector<1x128x64xf32>
    %get3A_467 = vector.shape_cast %get3A_466 : vector<1x128x64xf32> to vector<128x64xf32>
    %transpose3A_468 = tpu.transpose %get3A_467, [1, 0] : vector<128x64xf32> -> vector<64x128xf32>
    %mul3A_469 = arith.constant 8.000000e+00 : f32
    %mul3A_470 = vector.broadcast %mul3A_469 : f32 to vector<64x128xf32>
    %mul3A_471 = arith.mulf %transpose3A_468, %mul3A_470 : vector<64x128xf32>
    %reshape3A_472 = vector.shape_cast %mul3A_471 : vector<64x128xf32> to vector<8x8x128xf32>
    %swap3A_473 = arith.constant 3 : index
    %swap3A_474 = arith.constant 0 : index
    %swap3A_475 = arith.constant 1 : index
    %swap3A_476 = arith.constant 0 : index
    %swap3A_477 = arith.constant 0 : index
    %swap3A_478 = vector.load %arg2[%swap3A_473, %swap3A_474, %swap3A_475, %swap3A_476, %swap3A_477] : memref<4x8x8x8x128xf32, #tpu.memory_space<vmem>>, vector<1x8x1x8x128xf32>
    %swap3A_479 = vector.shape_cast %swap3A_478 : vector<1x8x1x8x128xf32> to vector<8x8x128xf32>
    %swap3A_480 = vector.shape_cast %reshape3A_472 : vector<8x8x128xf32> to vector<1x8x1x8x128xf32>
    tpu.vector_store %arg2[%swap3A_473, %swap3A_474, %swap3A_475, %swap3A_476, %swap3A_477], %swap3A_480 {strides = array<i32>} : memref<4x8x8x8x128xf32, #tpu.memory_space<vmem>>, vector<1x8x1x8x128xf32>,
    %get3A_481 = arith.index_cast %rem3A_0 : i32 to index
    %get3A_482 = arith.constant 3328 : index
    %get3A_483 = arith.constant 0 : index
    %get3A_484 = vector.load %arg3[%get3A_481, %get3A_482, %get3A_483] : memref<6x4096x128xf32, #tpu.memory_space<vmem>>, vector<1x128x64xf32>
    %get3A_485 = vector.shape_cast %get3A_484 : vector<1x128x64xf32> to vector<128x64xf32>
    %transpose3A_486 = tpu.transpose %get3A_485, [1, 0] : vector<128x64xf32> -> vector<64x128xf32>
    %mul3A_487 = arith.constant 8.000000e+00 : f32
    %mul3A_488 = vector.broadcast %mul3A_487 : f32 to vector<64x128xf32>
    %mul3A_489 = arith.mulf %transpose3A_486, %mul3A_488 : vector<64x128xf32>
    %reshape3A_490 = vector.shape_cast %mul3A_489 : vector<64x128xf32> to vector<8x8x128xf32>
    %swap3A_491 = arith.constant 3 : index
    %swap3A_492 = arith.constant 0 : index
    %swap3A_493 = arith.constant 2 : index
    %swap3A_494 = arith.constant 0 : index
    %swap3A_495 = arith.constant 0 : index
    %swap3A_496 = vector.load %arg2[%swap3A_491, %swap3A_492, %swap3A_493, %swap3A_494, %swap3A_495] : memref<4x8x8x8x128xf32, #tpu.memory_space<vmem>>, vector<1x8x1x8x128xf32>
    %swap3A_497 = vector.shape_cast %swap3A_496 : vector<1x8x1x8x128xf32> to vector<8x8x128xf32>
    %swap3A_498 = vector.shape_cast %reshape3A_490 : vector<8x8x128xf32> to vector<1x8x1x8x128xf32>
    tpu.vector_store %arg2[%swap3A_491, %swap3A_492, %swap3A_493, %swap3A_494, %swap3A_495], %swap3A_498 {strides = array<i32>} : memref<4x8x8x8x128xf32, #tpu.memory_space<vmem>>, vector<1x8x1x8x128xf32>,
    %get3A_499 = arith.index_cast %rem3A_0 : i32 to index
    %get3A_500 = arith.constant 3456 : index
    %get3A_501 = arith.constant 0 : index
    %get3A_502 = vector.load %arg3[%get3A_499, %get3A_500, %get3A_501] : memref<6x4096x128xf32, #tpu.memory_space<vmem>>, vector<1x128x64xf32>
    %get3A_503 = vector.shape_cast %get3A_502 : vector<1x128x64xf32> to vector<128x64xf32>
    %transpose3A_504 = tpu.transpose %get3A_503, [1, 0] : vector<128x64xf32> -> vector<64x128xf32>
    %mul3A_505 = arith.constant 8.000000e+00 : f32
    %mul3A_506 = vector.broadcast %mul3A_505 : f32 to vector<64x128xf32>
    %mul3A_507 = arith.mulf %transpose3A_504, %mul3A_506 : vector<64x128xf32>
    %reshape3A_508 = vector.shape_cast %mul3A_507 : vector<64x128xf32> to vector<8x8x128xf32>
    %swap3A_509 = arith.constant 3 : index
    %swap3A_510 = arith.constant 0 : index
    %swap3A_511 = arith.constant 3 : index
    %swap3A_512 = arith.constant 0 : index
    %swap3A_513 = arith.constant 0 : index
    %swap3A_514 = vector.load %arg2[%swap3A_509, %swap3A_510, %swap3A_511, %swap3A_512, %swap3A_513] : memref<4x8x8x8x128xf32, #tpu.memory_space<vmem>>, vector<1x8x1x8x128xf32>
    %swap3A_515 = vector.shape_cast %swap3A_514 : vector<1x8x1x8x128xf32> to vector<8x8x128xf32>
    %swap3A_516 = vector.shape_cast %reshape3A_508 : vector<8x8x128xf32> to vector<1x8x1x8x128xf32>
    tpu.vector_store %arg2[%swap3A_509, %swap3A_510, %swap3A_511, %swap3A_512, %swap3A_513], %swap3A_516 {strides = array<i32>} : memref<4x8x8x8x128xf32, #tpu.memory_space<vmem>>, vector<1x8x1x8x128xf32>,
    %get3A_517 = arith.index_cast %rem3A_0 : i32 to index
    %get3A_518 = arith.constant 3584 : index
    %get3A_519 = arith.constant 0 : index
    %get3A_520 = vector.load %arg3[%get3A_517, %get3A_518, %get3A_519] : memref<6x4096x128xf32, #tpu.memory_space<vmem>>, vector<1x128x64xf32>
    %get3A_521 = vector.shape_cast %get3A_520 : vector<1x128x64xf32> to vector<128x64xf32>
    %transpose3A_522 = tpu.transpose %get3A_521, [1, 0] : vector<128x64xf32> -> vector<64x128xf32>
    %mul3A_523 = arith.constant 8.000000e+00 : f32
    %mul3A_524 = vector.broadcast %mul3A_523 : f32 to vector<64x128xf32>
    %mul3A_525 = arith.mulf %transpose3A_522, %mul3A_524 : vector<64x128xf32>
    %reshape3A_526 = vector.shape_cast %mul3A_525 : vector<64x128xf32> to vector<8x8x128xf32>
    %swap3A_527 = arith.constant 3 : index
    %swap3A_528 = arith.constant 0 : index
    %swap3A_529 = arith.constant 4 : index
    %swap3A_530 = arith.constant 0 : index
    %swap3A_531 = arith.constant 0 : index
    %swap3A_532 = vector.load %arg2[%swap3A_527, %swap3A_528, %swap3A_529, %swap3A_530, %swap3A_531] : memref<4x8x8x8x128xf32, #tpu.memory_space<vmem>>, vector<1x8x1x8x128xf32>
    %swap3A_533 = vector.shape_cast %swap3A_532 : vector<1x8x1x8x128xf32> to vector<8x8x128xf32>
    %swap3A_534 = vector.shape_cast %reshape3A_526 : vector<8x8x128xf32> to vector<1x8x1x8x128xf32>
    tpu.vector_store %arg2[%swap3A_527, %swap3A_528, %swap3A_529, %swap3A_530, %swap3A_531], %swap3A_534 {strides = array<i32>} : memref<4x8x8x8x128xf32, #tpu.memory_space<vmem>>, vector<1x8x1x8x128xf32>,
    %get3A_535 = arith.index_cast %rem3A_0 : i32 to index
    %get3A_536 = arith.constant 3712 : index
    %get3A_537 = arith.constant 0 : index
    %get3A_538 = vector.load %arg3[%get3A_535, %get3A_536, %get3A_537] : memref<6x4096x128xf32, #tpu.memory_space<vmem>>, vector<1x128x64xf32>
    %get3A_539 = vector.shape_cast %get3A_538 : vector<1x128x64xf32> to vector<128x64xf32>
    %transpose3A_540 = tpu.transpose %get3A_539, [1, 0] : vector<128x64xf32> -> vector<64x128xf32>
    %mul3A_541 = arith.constant 8.000000e+00 : f32
    %mul3A_542 = vector.broadcast %mul3A_541 : f32 to vector<64x128xf32>
    %mul3A_543 = arith.mulf %transpose3A_540, %mul3A_542 : vector<64x128xf32>
    %reshape3A_544 = vector.shape_cast %mul3A_543 : vector<64x128xf32> to vector<8x8x128xf32>
    %swap3A_545 = arith.constant 3 : index
    %swap3A_546 = arith.constant 0 : index
    %swap3A_547 = arith.constant 5 : index
    %swap3A_548 = arith.constant 0 : index
    %swap3A_549 = arith.constant 0 : index
    %swap3A_550 = vector.load %arg2[%swap3A_545, %swap3A_546, %swap3A_547, %swap3A_548, %swap3A_549] : memref<4x8x8x8x128xf32, #tpu.memory_space<vmem>>, vector<1x8x1x8x128xf32>
    %swap3A_551 = vector.shape_cast %swap3A_550 : vector<1x8x1x8x128xf32> to vector<8x8x128xf32>
    %swap3A_552 = vector.shape_cast %reshape3A_544 : vector<8x8x128xf32> to vector<1x8x1x8x128xf32>
    tpu.vector_store %arg2[%swap3A_545, %swap3A_546, %swap3A_547, %swap3A_548, %swap3A_549], %swap3A_552 {strides = array<i32>} : memref<4x8x8x8x128xf32, #tpu.memory_space<vmem>>, vector<1x8x1x8x128xf32>,
    %get3A_553 = arith.index_cast %rem3A_0 : i32 to index
    %get3A_554 = arith.constant 3840 : index
    %get3A_555 = arith.constant 0 : index
    %get3A_556 = vector.load %arg3[%get3A_553, %get3A_554, %get3A_555] : memref<6x4096x128xf32, #tpu.memory_space<vmem>>, vector<1x128x64xf32>
    %get3A_557 = vector.shape_cast %get3A_556 : vector<1x128x64xf32> to vector<128x64xf32>
    %transpose3A_558 = tpu.transpose %get3A_557, [1, 0] : vector<128x64xf32> -> vector<64x128xf32>
    %mul3A_559 = arith.constant 8.000000e+00 : f32
    %mul3A_560 = vector.broadcast %mul3A_559 : f32 to vector<64x128xf32>
    %mul3A_561 = arith.mulf %transpose3A_558, %mul3A_560 : vector<64x128xf32>
    %reshape3A_562 = vector.shape_cast %mul3A_561 : vector<64x128xf32> to vector<8x8x128xf32>
    %swap3A_563 = arith.constant 3 : index
    %swap3A_564 = arith.constant 0 : index
    %swap3A_565 = arith.constant 6 : index
    %swap3A_566 = arith.constant 0 : index
    %swap3A_567 = arith.constant 0 : index
    %swap3A_568 = vector.load %arg2[%swap3A_563, %swap3A_564, %swap3A_565, %swap3A_566, %swap3A_567] : memref<4x8x8x8x128xf32, #tpu.memory_space<vmem>>, vector<1x8x1x8x128xf32>
    %swap3A_569 = vector.shape_cast %swap3A_568 : vector<1x8x1x8x128xf32> to vector<8x8x128xf32>
    %swap3A_570 = vector.shape_cast %reshape3A_562 : vector<8x8x128xf32> to vector<1x8x1x8x128xf32>
    tpu.vector_store %arg2[%swap3A_563, %swap3A_564, %swap3A_565, %swap3A_566, %swap3A_567], %swap3A_570 {strides = array<i32>} : memref<4x8x8x8x128xf32, #tpu.memory_space<vmem>>, vector<1x8x1x8x128xf32>,
    %get3A_571 = arith.index_cast %rem3A_0 : i32 to index
    %get3A_572 = arith.constant 3968 : index
    %get3A_573 = arith.constant 0 : index
    %get3A_574 = vector.load %arg3[%get3A_571, %get3A_572, %get3A_573] : memref<6x4096x128xf32, #tpu.memory_space<vmem>>, vector<1x128x64xf32>
    %get3A_575 = vector.shape_cast %get3A_574 : vector<1x128x64xf32> to vector<128x64xf32>
    %transpose3A_576 = tpu.transpose %get3A_575, [1, 0] : vector<128x64xf32> -> vector<64x128xf32>
    %mul3A_577 = arith.constant 8.000000e+00 : f32
    %mul3A_578 = vector.broadcast %mul3A_577 : f32 to vector<64x128xf32>
    %mul3A_579 = arith.mulf %transpose3A_576, %mul3A_578 : vector<64x128xf32>
    %reshape3A_580 = vector.shape_cast %mul3A_579 : vector<64x128xf32> to vector<8x8x128xf32>
    %swap3A_581 = arith.constant 3 : index
    %swap3A_582 = arith.constant 0 : index
    %swap3A_583 = arith.constant 7 : index
    %swap3A_584 = arith.constant 0 : index
    %swap3A_585 = arith.constant 0 : index
    %swap3A_586 = vector.load %arg2[%swap3A_581, %swap3A_582, %swap3A_583, %swap3A_584, %swap3A_585] : memref<4x8x8x8x128xf32, #tpu.memory_space<vmem>>, vector<1x8x1x8x128xf32>
    %swap3A_587 = vector.shape_cast %swap3A_586 : vector<1x8x1x8x128xf32> to vector<8x8x128xf32>
    %swap3A_588 = vector.shape_cast %reshape3A_580 : vector<8x8x128xf32> to vector<1x8x1x8x128xf32>
    tpu.vector_store %arg2[%swap3A_581, %swap3A_582, %swap3A_583, %swap3A_584, %swap3A_585], %swap3A_588 {strides = array<i32>} : memref<4x8x8x8x128xf32, #tpu.memory_space<vmem>>, vector<1x8x1x8x128xf32>,
    return
  }
  func.func @transform_1(%arg0: i32) -> (i32, i32, i32, i32, i32) {
    %c0_i32 = arith.constant 0 : i32
    %c0_i32_0 = arith.constant 0 : i32
    %c0_i32_1 = arith.constant 0 : i32
    %c0_i32_2 = arith.constant 0 : i32
    %c0_i32_3 = arith.constant 0 : i32
    return %arg0, %c0_i32, %c0_i32_0, %c0_i32_1, %c0_i32_2 : i32, i32, i32, i32, i32
  }
}

</mosaic_0001>

<sc_bundles>
// kernel: kernel.4.cloned.1.call-start
scs
__scs_entry_jumppad:
0x0: {  	(pc) =	sbr.rel $0x88, $3  }
0x1: {  	(tag) =	ssettag $0x0;
	lr =	simm.s32 $0x1  }
0x2: {  	[smem:$0x3F9F] =	sst lr;
	_ =	strace $0xD0000000  }
0x3: {  	_ = 	snop  }
0x4: {  	_ = 	snop  }
0x5: {  	_ = 	snop  }
0x6: {  	_ = 	snop  }
0x7: {  	_ = 	snop  }
__scs_overlays_trampoline_lowered:
0x8: {  	[smem:$0x3FAE] =	sst s0  }
0x9: {  	[smem:$0x3FAF] =	sst s1  }
0xa: {  	[smem:$0x3FB0] =	sst s2  }
0xb: {  	[smem:$0x3FB1] =	sst s3  }
0xc: {  	[smem:$0x3FB2] =	sst s4  }
0xd: {  	[smem:$0x3FB3] =	sst s5  }
0xe: {  	[smem:$0x3FB4] =	sst s6  }
0xf: {  	[smem:$0x3FB5] =	sst s7  }
0x10: {  	[smem:$0x3FB6] =	sst s8  }
0x11: {  	[smem:$0x3FB7] =	sst s9;
	s0 =	simm.s32 @!p0 $0x0  }
0x12: {  	s1 =	sld [smem:$0x3F9D];
	s0 =	simm.s32 @p0 $0x1  }
0x13: {  	[smem:$0x3FB8] =	sst s0;
	s0 =	simm.s32 @!p1 $0x0  }
0x14: {  	s2 =	sld [smem:$0x3F9C];
	s0 =	simm.s32 @p1 $0x1  }
0x15: {  	[smem:$0x3FB9] =	sst s0;
	s0 =	simm.s32 @!p2 $0x0  }
0x16: {  	s3 =	sld [smem:$0x3FDB];
	s0 =	simm.s32 @p2 $0x1  }
0x17: {  	s4 =	simm.s32 $0x1BF5;
	[smem:$0x3FBB] =	sst s0  }
0x18: {  	s0 =	sld [smem:$0x3F9E];
	_ =	swait.ge [sflag:s4], $0x0  }
0x19: {  	s7 =	sld [smem:$0x3F9F]  }
0x1a: {  	s8 =	sadd.s32 $0xFFFFE003, lr  }
0x1b: {  	s9 =	sadd.s32 $0xFFFFFEF7, lr;
	s5 =	simm.s32 $0xFFFFFFFF;
	p2 =	slt.u32 s8, $0xFFFFF086  }
0x1c: {  	p1 =	slt.u32 s9, $0xF7A;
	s5 =	simm.s32 @!p2 $0x0  }
0x1d: {  	s5 =	simm.s32 @p1 $0x1;
	p0 =	seq.s32 s7, s2  }
0x1e: {  	s7 =	smul.u32 @!p0 $0xF7A, s2;
	p2 =	seq.s32 @!p0 s5, $0x0  }
0x1f: {  	s9 =	smul.u32 $0xF7A, s1;
	s8 =	simm.s32 @!p0 $0x1BF5;
	p2 =	por !p2, p0  }
0x20: {  	[sflag:s8] =	ssyncset.s32 @!p0 $0xFFFFF086;
	s6 =	sadd.s32 @!p0 s3, s7;
	s7 =	simm.s32 @!p0 $0x108  }
0x21: {  	s3 =	sadd.s32 s3, s9;
	s6 =	sadd.s32 @!p0 $0x88, s6;
	s7 =	simm.s32 @p2 $0x1082  }
0x22: {  	[simem:s7], [sflag:s8] =	dma.local @!p0 [hbm:s6], $0xF7A  }
0x23: {  	s9 =	sor.u32 $0xD0000000, s2;
	s6 =	simm.s32 $0x108;
	_ =	swait.ge @!p0 [sflag:s8], $0x0  }
0x24: {  	s3 =	sadd.s32 $0x88, s3;
	s6 =	simm.s32 @!p1 $0x1082;
	[sflag:s4] =	ssyncset.s32 $0xFFFFF086  }
0x25: {  	[simem:s6], [sflag:s4] =	dma.local [hbm:s3], $0xF7A  }
0x26: {  	[smem:$0x3F9F] =	sst s1;
	(tag) =	ssettag s2;
	_ =	strace s9  }
0x27: {  	s1 =	sld [smem:$0x3FAF]  }
0x28: {  	s2 =	sld [smem:$0x3FB0]  }
0x29: {  	s4 =	sld [smem:$0x3FB2]  }
0x2a: {  	p0 =	seq.s32 s5, $0x0;
	s5 =	sld [smem:$0x3FB3]  }
0x2b: {  	s6 =	sld [smem:$0x3FB4]  }
0x2c: {  	s7 =	sld [smem:$0x3FB5]  }
0x2d: {  	s3 =	simm.s32 $0x108;
	s8 =	sld [smem:$0x3FB6]  }
0x2e: {  	s3 =	simm.s32 @!p0 $0x1082;
	s9 =	sld [smem:$0x3FB7]  }
0x2f: {  	lr =	sadd.s32 s0, s3;
	s0 =	sld [smem:$0x3FAE]  }
0x30: {  	s3 =	sld [smem:$0x3FB1]  }
0x31: {  	[smem:$0x3FBA] =	sst s10  }
0x32: {  	s10 =	sld [smem:$0x3FB8];
	_ =	sdelay $0x3  }
0x33: {  	p0 =	seq.s32 s10, $0x1;
	s10 =	sld [smem:$0x3FBA];
	_ =	sdelay $0x3  }
0x34: {  	[smem:$0x3FBA] =	sst s10  }
0x35: {  	s10 =	sld [smem:$0x3FB9];
	_ =	sdelay $0x3  }
0x36: {  	p1 =	seq.s32 s10, $0x1;
	s10 =	sld [smem:$0x3FBA];
	_ =	sdelay $0x3  }
0x37: {  	[smem:$0x3FBA] =	sst s10  }
0x38: {  	s10 =	sld [smem:$0x3FBB]  }
0x39: {  	_ = 	snop;
	(pc) =	sbr.ind lr, $3  }
0x3a: {  	_ = 	snop  }
0x3b: {  	_ = 	snop  }
0x3c: {  	p2 =	seq.s32 s10, $0x1;
	s10 =	sld [smem:$0x3FBA]  }
0x3d: {  	_ =	shalt  }
0x3e: {  	_ =	shalt  }
0x3f: {  	_ =	shalt  }
0x40: {  	_ =	shalt  }
0x41: {  	_ =	shalt  }
0x42: {  	_ =	shalt  }
0x43: {  	_ =	shalt  }
0x44: {  	_ =	shalt  }
0x45: {  	_ =	shalt  }
0x46: {  	_ =	shalt  }
0x47: {  	_ =	shalt  }
0x48: {  	_ =	shalt  }
0x49: {  	_ =	shalt  }
0x4a: {  	_ =	shalt  }
0x4b: {  	_ =	shalt  }
0x4c: {  	_ =	shalt  }
0x4d: {  	_ =	shalt  }
0x4e: {  	_ =	shalt  }
0x4f: {  	_ =	shalt  }
0x50: {  	_ =	shalt  }
0x51: {  	_ =	shalt  }
0x52: {  	_ =	shalt  }
0x53: {  	_ =	shalt  }
0x54: {  	_ =	shalt  }
0x55: {  	_ =	shalt  }
0x56: {  	_ =	shalt  }
0x57: {  	_ =	shalt  }
0x58: {  	_ =	shalt  }
0x59: {  	_ =	shalt  }
0x5a: {  	_ =	shalt  }
0x5b: {  	_ =	shalt  }
0x5c: {  	_ =	shalt  }
0x5d: {  	_ =	shalt  }
0x5e: {  	_ =	shalt  }
0x5f: {  	_ =	shalt  }
0x60: {  	_ =	shalt  }
0x61: {  	_ =	shalt  }
0x62: {  	_ =	shalt  }
0x63: {  	_ =	shalt  }
0x64: {  	_ =	shalt  }
0x65: {  	_ =	shalt  }
0x66: {  	_ =	shalt  }
0x67: {  	_ =	shalt  }
0x68: {  	_ =	shalt  }
0x69: {  	_ =	shalt  }
0x6a: {  	_ =	shalt  }
0x6b: {  	_ =	shalt  }
0x6c: {  	_ =	shalt  }
0x6d: {  	_ =	shalt  }
0x6e: {  	_ =	shalt  }
0x6f: {  	_ =	shalt  }
0x70: {  	_ =	shalt  }
0x71: {  	_ =	shalt  }
0x72: {  	_ =	shalt  }
0x73: {  	_ =	shalt  }
0x74: {  	_ =	shalt  }
0x75: {  	_ =	shalt  }
0x76: {  	_ =	shalt  }
0x77: {  	_ =	shalt  }
0x78: {  	_ =	shalt  }
0x79: {  	_ =	shalt  }
0x7a: {  	_ =	shalt  }
0x7b: {  	_ =	shalt  }
0x7c: {  	_ =	shalt  }
0x7d: {  	_ =	shalt  }
0x7e: {  	_ =	shalt  }
0x7f: {  	_ =	shalt  }
0x80: {  	_ =	shalt  }
0x81: {  	_ =	shalt  }
0x82: {  	_ =	shalt  }
0x83: {  	_ =	shalt  }
0x84: {  	_ =	shalt  }
0x85: {  	_ =	shalt  }
0x86: {  	_ =	shalt  }
0x87: {  	_ =	shalt  }
.Lfunc_end0:
.L_simem_size_0:
called_computation_lowered:
.L_overlay_start_0:
0x88: {  	s2 =	sld [smem:$0x3FD9]  }
0x89: {  	s3 =	sld [smem:$0x3FFE];
	_ =	sdelay $0x1  }
0x8a: {  	s1 =	srdreg.scid  }
0x8b: {  	s0 =	sand.u32 $0x1, s1  }
0x8c: {  	s17 =	sshll.u32 s0, $0xA;
	s2 =	sadd.s32 s3, s2  }
0x8d: {  	s2 =	sadd.s32 s2, s17  }
0x8e: {  	[smem:$0x3FC6] =	sst s2  }
0x8f: {  	_ = 	snop  }
0x90: {  	s2 =	sld [smem:$0x3FC9];
	(tm) =	ssettm $0x1  }
0x91: {  	s18 =	sld [smem:$0x3FFB];
	_ =	sdelay $0x3  }
0x92: {  	_ =	strace s18  }
0x93: {  	s3 =	sld [smem:$0x3FFC];
	_ =	sdelay $0x3  }
0x94: {  	_ =	strace s3  }
0x95: {  	s3 =	sld [smem:$0x3FFD];
	_ =	sdelay $0x3  }
0x96: {  	_ =	strace s3  }
0x97: {  	_ =	strace $0x8FFFFFFF  }
0x98: {  	s19 =	sld [smem:$0x3FDB];
	_ =	sdelay $0x1  }
0x99: {  	s4 =	simm.s32 $_scs_section_size  }
0x9a: {  	s5 =	simm.s32 $_size__tile_overlayer_lowered;
	s6 =	simm.s32 $_tile_overlayer_lowered  }
0x9b: {  	s22 =	simm.s32 $0x1BFF;
	s21 =	sshll.u32 s6, $0x1;
	s3 =	sadd.s32 s4, s19  }
0x9c: {  	s7 =	simm.s32 $0x0;
	s20 =	sshll.u32 s5, $0x1;
	s5 =	sadd.s32 s21, s3  }
0x9d: {  	[timem:s7], [sflag:s22] =	dma.local [hbm:s5], s20  }
0x9e: {  	_ =	swait.ge [sflag:s22], s20  }
0x9f: {  	s4 =	ssub.s32 $0x0, s20;
	[sflag:s22] =	ssyncset.done $0x0  }
0xa0: {  	[sflag:s22] =	ssyncadd.s32 s4;
	_ =	sdelay $0x1  }
0xa1: {  	s23 =	simm.s32 $0x1B8B  }
0xa2: {  	_ =	swait.ge [sflag:s23], $0x1  }
0xa3: {  	[sflag:s23] =	ssyncset.done $0x0  }
0xa4: {  	s25 =	simm.s32 $0x1B8E;
	s24 =	sld [smem:$0x3FFE];
	[sflag:s23] =	ssyncadd.s32 $0xFFFFFFFF  }
0xa5: {  	s26 =	simm.s32 $execute0_lowered;
	[smem:$0x3FD2] =	sst s25  }
0xa6: {  	s5 =	sshll.u32 s26, $0x1;
	_ =	strace $0x80000046;
	[dreg:$0x1] =	wrdreg $0xFFFFFFFF  }
0xa7: {  	s28 =	simm.s32 $_size_execute0_lowered;
	s3 =	sadd.s32 s3, s5;
	[dreg:$0x0] =	wrdreg $0x0  }
0xa8: {  	s5 =	sshll.u32 s28, $0x1;
	[dreg:$0x2] =	wrdreg s3  }
0xa9: {  	[dreg:$0x3] =	wrdreg s5  }
0xaa: {  	[dreg:$0x4] =	wrdreg $0xC0  }
0xab: {  	_ =	task [dreg:s7], $0x5FFFF  }
0xac: {  	[dreg:$0x1] =	wrdreg $0xFFFFFFFF  }
0xad: {  	[dreg:$0x0] =	wrdreg $0x60  }
0xae: {  	[dreg:$0x2] =	wrdreg s2  }
0xaf: {  	[dreg:$0x3] =	wrdreg s24  }
0xb0: {  	[dreg:$0x4] =	wrdreg $0x9  }
0xb1: {  	_ =	task.clear_ibuf [dreg:s7], $0x5FFFF;
	_ =	strace $0x90000046  }
0xb2: {  	s29 =	simm.s32 $0x9;
	_ =	strace $0x80000048  }
0xb3: {  	_ =	swait.ge [sflag:s29], $0x1  }
0xb4: {  	[sflag:s29] =	ssyncadd.s32 $0xFFFFFFFF  }
0xb5: {  	_ =	strace $0x90000048  }
0xb6: {  	_ =	sfence  }
0xb7: {  	s30 =	sld [smem:$0x0];
	_ =	sdelay $0x2  }
0xb8: {  	s31 =	sshll.u32 s1, $0xD;
	s1 =	sshrl.u32 s1, $0x2  }
0xb9: {  	s3 =	sand.u32 $0x4000, s31;
	s1 =	sadd.s32 s1, s30  }
0xba: {  	s0 =	sor.u32 s3, s0;
	s1 =	sshll.u32 s1, $0x11  }
0xbb: {  	s0 =	sor.u32 s1, s0  }
0xbc: {  	s0 =	sadd.s32 $0x8F2B, s0  }
0xbd: {  	[sflag:s0] =	ssyncadd.remote.s32 $0x1  }
0xbe: {  	_ =	sfence.sel $0xFFFF  }
0xbf: {  	[dreg:$0x0] =	wrdreg $0xFFFFFFFF;
	(pc) =	sbr.abs _section_cstart, $3  }
0xc0: {  	[dreg:$0x1] =	wrdreg $0xFFFFFFFF  }
0xc1: {  	_ =	task.clear_ibuf [dreg:s7], $0x2FFFF;
	_ =	strace $0x9FFFFFFF  }
0xc2: {  	(tm) =	ssettm $0x7FFFFFFF  }
0xc3: {  	_ =	shalt  }
tec
execute0_lowered:
.L_overlay_start_1:
0x0: {  	(tag) =	ssettag $0x1  }
0x1: {  	s0 =	srdreg.scid;
	s2 =	rddreg [dreg:$0x0]  }
0x2: {  	s11 =	stileid.u32;
	s4 =	rddreg [dreg:$0x1];
	s3 =	simm.s32 $0x0  }
0x3: {  	s19 =	simm.s32 $0x9900;
	s20 =	simm.s32 $0x1;
	s21 =	simm.s32 $0x40  }
0x4: {  	s22 =	simm.s32 $0xB900;
	s23 =	simm.s32 $0x2;
	s28 =	simm.s32 $0x4  }
0x5: {  	s29 =	simm.s32 $0x11900;
	s30 =	simm.s32 $0x5;
	s31 =	simm.s32 $0x13900  }
0x6: {  	s14 =	simm.s32 $0x8;
	s16 =	simm.s32 $0x9;
	s5 =	smul.u32 $0x6400, s11  }
0x7: {  	s18 =	simm.s32 $0xA;
	s0 =	sand.u32 $0x1, s0;
	s7 =	smul.u32 $0x190000, s11  }
0x8: {  	s1 =	sshll.u32 s11, $0x1;
	[smem:$0x7FF] =	sst s3;
	s11 =	smul.u32 $0x32000, s11  }
0x9: {  	s3 =	sadd.s32 $0x400, s4;
	s4 =	sadd.s32 $0xC3A00, s4;
	s6 =	smul.u32 $0x3200, s0  }
0xa: {  	s1 =	sor.u32 s0, s1;
	s8 =	ssub.s32 $0x2, s0;
	s9 =	smul.u32 $0xC8000, s0  }
0xb: {  	_ =	strace $0x80000047;
	s0 =	smul.u32 $0x19000, s0;
	s10 =	sshrl.u32 s8, $0x1  }
0xc: {  	s1 =	smul.u32 $0x320, s1;
	s8 =	ssub.s32 s8, s10;
	s25 =	sadd.s32 s6, s5  }
0xd: {  	s26 =	sadd.s32 s9, s7;
	s0 =	sadd.s32 s0, s11;
	s11 =	simm.s32 $0x80  }
.Ltmp0:
0xe: {  	s6 =	simm.s32 $0x0;
	[dreg:$0x5] =	wrdreg s25;
	(pc) =	sbr.rel .LBB2_1-.Ltmp0, $4  }
0xf: {  	s1 =	sadd.s32 s2, s1;
	s24 =	smax.u32 s8, $0x1;
	[dreg:$0x6] =	wrdreg s26  }
0x10: {  	[dreg:$0x7] =	wrdreg s0;
	s25 =	simm.s32 $0x3;
	s26 =	simm.s32 $0xF900  }
0x11: {  	s0 =	simm.s32 $0x7;
	s8 =	simm.s32 $0xF;
	[dreg:$0x3] =	wrdreg s1  }
0x12: {  	[dreg:$0x4] =	wrdreg s24;
	s24 =	simm.s32 $0xD900;
	s1 =	simm.s32 $0x6  }
.LBB2_4:
0x13: {  	s2 =	simm.s32 $0xB  }
0x14: {  	_ =	swait.ge [sflag:s2], $0x2000  }
0x15: {  	[sflag:s2] =	ssyncset.done $0x0  }
0x16: {  	s6 =	simm.s32 $0xC;
	[sflag:s2] =	ssyncadd.s32 $0xFFFFE000  }
0x17: {  	_ =	swait.ge [sflag:s6], $0x2000  }
0x18: {  	[sflag:s6] =	ssyncset.done $0x0  }
0x19: {  	s7 =	simm.s32 $0xD;
	[sflag:s6] =	ssyncadd.s32 $0xFFFFE000  }
0x1a: {  	_ =	swait.ge [sflag:s7], $0x2000  }
0x1b: {  	[sflag:s7] =	ssyncset.done $0x0  }
0x1c: {  	s9 =	simm.s32 $0xE;
	[sflag:s7] =	ssyncadd.s32 $0xFFFFE000  }
0x1d: {  	_ =	swait.ge [sflag:s9], $0x2000  }
0x1e: {  	[sflag:s9] =	ssyncset.done $0x0  }
0x1f: {  	[sflag:s9] =	ssyncadd.s32 $0xFFFFE000  }
0x20: {  	_ =	swait.ge [sflag:s8], $0x2000  }
0x21: {  	[sflag:s8] =	ssyncset.done $0x0  }
0x22: {  	s10 =	simm.s32 $0x10;
	[sflag:s8] =	ssyncadd.s32 $0xFFFFE000  }
0x23: {  	_ =	swait.ge [sflag:s10], $0x2000  }
0x24: {  	[sflag:s10] =	ssyncset.done $0x0  }
0x25: {  	s12 =	simm.s32 $0x11;
	[sflag:s10] =	ssyncadd.s32 $0xFFFFE000  }
0x26: {  	_ =	swait.ge [sflag:s12], $0x2000  }
0x27: {  	[sflag:s12] =	ssyncset.done $0x0  }
0x28: {  	s13 =	simm.s32 $0x12;
	[sflag:s12] =	ssyncadd.s32 $0xFFFFE000  }
0x29: {  	_ =	swait.ge [sflag:s13], $0x2000  }
0x2a: {  	[sflag:s13] =	ssyncset.done $0x0  }
0x2b: {  	s15 =	simm.s32 $0x13;
	[sflag:s13] =	ssyncadd.s32 $0xFFFFE000  }
0x2c: {  	_ =	swait.ge [sflag:s15], $0x2000  }
0x2d: {  	[sflag:s15] =	ssyncset.done $0x0  }
0x2e: {  	s5 =	simm.s32 $0x14;
	[sflag:s15] =	ssyncadd.s32 $0xFFFFE000  }
0x2f: {  	_ =	swait.ge [sflag:s5], $0x2000  }
0x30: {  	s6 =	rddreg [dreg:$0x8]  }
0x31: {  	s17 =	rddreg [dreg:$0x4];
	s6 =	sadd.s32 $0x1, s6  }
0x32: {  	p0 =	sne.s32 s6, s17  }
.Ltmp1:
0x33: {  	_ = 	snop;
	(pc) =	sbr.rel @!p0 .LBB2_5-.Ltmp1, $3  }
0x34: {  	_ =	sdelay $0x1  }
0x35: {  	[sflag:s5] =	ssyncset.done $0x0  }
0x36: {  	[sflag:s5] =	ssyncadd.s32 $0xFFFFE000  }
.LBB2_1:
0x37: {  	[dreg:$0x8] =	wrdreg s6  }
0x38: {  	s2 =	simm.s32 $0x0;
	s5 =	rddreg [dreg:$0x3];
	s6 =	simm.s32 $0x15  }
0x39: {  	[tilespmem:s2], [sflag:$0x15] =	stream.linear.gather [hbm4b:s5+s2], $0x1900, $0x38;
	[tilespmem:$0x15900] =	vst v63  }
0x3a: {  	_ =	swait.ge [sflag:s6], $0x1900  }
0x3b: {  	[sflag:s6] =	ssyncset.done $0x0  }
0x3c: {  	s7 =	simm.s32 $0x1900;
	[sflag:s6] =	ssyncadd.s32 $0xFFFFE700  }
0x3d: {  	[tilespmem:s7], [sflag:$0x1] =	stream.indirect.gather [hbm4b:s3+s11], $0x40, s2, s11, $0xb8;
	[tilespmem:$0x15900] =	vst v63  }
0x3e: {  	s9 =	simm.s32 $0x3900  }
0x3f: {  	[tilespmem:s9], [sflag:$0x2] =	stream.indirect.gather [hbm4b:s3+s11], $0x40, s11, s11, $0xb8;
	[tilespmem:$0x15900] =	vst v63  }
0x40: {  	s10 =	simm.s32 $0x100;
	s12 =	simm.s32 $0x5900;
	s2 =	rddreg [dreg:$0x5]  }
0x41: {  	[tilespmem:s12], [sflag:$0x3] =	stream.indirect.gather [hbm4b:s3+s11], $0x40, s10, s11, $0xb8;
	[tilespmem:$0x15900] =	vst v63  }
0x42: {  	s13 =	simm.s32 $0x180;
	s15 =	simm.s32 $0x7900;
	s9 =	rddreg [dreg:$0x7]  }
0x43: {  	[tilespmem:s15], [sflag:$0x4] =	stream.indirect.gather [hbm4b:s3+s11], $0x40, s13, s11, $0xb8;
	[tilespmem:$0x15900] =	vst v63  }
0x44: {  	s17 =	simm.s32 $0x200;
	s5 =	simm.s32 $0x0;
	s10 =	rddreg [dreg:$0x6]  }
0x45: {  	[tilespmem:s19], [sflag:$0x5] =	stream.indirect.gather [hbm4b:s3+s11], $0x40, s17, s11, $0xb8;
	[tilespmem:$0x15900] =	vst v63  }
.LBB2_2:
0x46: {  	_ =	swait.ge [sflag:s20], $0x2000;
	s6 =	sand.u32 $0xFFE0000, s9;
	s7 =	sand.u32 $0x18000, s10  }
0x47: {  	s12 =	sand.u32 $0x3800, s2;
	p0 =	seq.s32 s5, $0x0;
	[sflag:s20] =	ssyncset.done $0x0  }
0x48: {  	s6 =	sor.u32 s7, s6;
	s17 =	sadd.s32 s4, s12;
	s12 =	simm.s32 $0x1900  }
0x49: {  	s7 =	simm.s32 @!p0 $0x10;
	[sflag:s20] =	ssyncadd.s32 $0xFFFFE000;
	s6 =	sadd.s32 s6, s17  }
0x4a: {  	[hbm4b:s6+s21] =	stream.strided.scatter [tilespmem:s12], [sflag:$0xB], $0x2000, s11, s21, $0x38;
	[tilespmem:$0x15900] =	vst v63  }
0x4b: {  	_ =	swait.ge @!p0 [sflag:s7], $0x2000  }
0x4c: {  	s6 =	sshra.s32 s5, $0x2;
	[sflag:s7] =	ssyncset.done @!p0 $0x0  }
0x4d: {  	s17 =	sadd.s32 $0x4000, s10;
	s13 =	sadd.s32 $0x280, s6;
	[sflag:s7] =	ssyncadd.s32 @!p0 $0xFFFFE000  }
0x4e: {  	[tilespmem:s22], [sflag:$0x6] =	stream.indirect.gather [hbm4b:s3+s11], $0x40, s13, s11, $0xb8;
	[tilespmem:$0x15900] =	vst v63  }
0x4f: {  	s15 =	sadd.s32 $0x800, s9;
	s12 =	sand.u32 $0x1C000, s17;
	s13 =	sadd.s32 $0x100, s2  }
0x50: {  	s7 =	sand.u32 $0xFFE0000, s15;
	_ =	swait.ge [sflag:s23], $0x2000;
	s13 =	sand.u32 $0x3800, s13  }
0x51: {  	s7 =	sor.u32 s12, s7;
	[sflag:s23] =	ssyncset.done $0x0;
	s15 =	sadd.s32 s4, s13  }
0x52: {  	s17 =	simm.s32 $0x3900;
	[sflag:s23] =	ssyncadd.s32 $0xFFFFE000;
	s7 =	sadd.s32 s7, s15  }
0x53: {  	[hbm4b:s7+s21] =	stream.strided.scatter [tilespmem:s17], [sflag:$0xC], $0x2000, s11, s21, $0x38;
	[tilespmem:$0x15900] =	vst v63  }
0x54: {  	s7 =	simm.s32 @!p0 $0x11  }
0x55: {  	s12 =	sadd.s32 $0x300, s6;
	_ =	swait.ge @!p0 [sflag:s7], $0x2000  }
0x56: {  	s13 =	sadd.s32 $0x1000, s9;
	s15 =	sadd.s32 $0x8000, s10;
	[sflag:s7] =	ssyncset.done @!p0 $0x0  }
0x57: {  	s17 =	sadd.s32 $0x200, s2;
	[sflag:s7] =	ssyncadd.s32 @!p0 $0xFFFFE000;
	s7 =	sand.u32 $0xFFE0000, s13  }
0x58: {  	[tilespmem:s24], [sflag:$0x7] =	stream.indirect.gather [hbm4b:s3+s11], $0x40, s12, s11, $0xb8;
	[tilespmem:$0x15900] =	vst v63  }
0x59: {  	s13 =	sand.u32 $0x3800, s17;
	s12 =	sand.u32 $0x18000, s15;
	_ =	swait.ge [sflag:s25], $0x2000  }
0x5a: {  	s15 =	sadd.s32 s4, s13;
	s7 =	sor.u32 s12, s7;
	[sflag:s25] =	ssyncset.done $0x0  }
0x5b: {  	s17 =	simm.s32 $0x5900;
	s7 =	sadd.s32 s7, s15;
	[sflag:s25] =	ssyncadd.s32 $0xFFFFE000  }
0x5c: {  	[hbm4b:s7+s21] =	stream.strided.scatter [tilespmem:s17], [sflag:$0xD], $0x2000, s11, s21, $0x38;
	[tilespmem:$0x15900] =	vst v63  }
0x5d: {  	s7 =	simm.s32 @!p0 $0x12  }
0x5e: {  	s13 =	sadd.s32 $0x1800, s9;
	_ =	swait.ge @!p0 [sflag:s7], $0x2000  }
0x5f: {  	s12 =	sadd.s32 $0x380, s6;
	s15 =	sadd.s32 $0xC000, s10;
	[sflag:s7] =	ssyncset.done @!p0 $0x0  }
0x60: {  	s17 =	sadd.s32 $0x300, s2;
	[sflag:s7] =	ssyncadd.s32 @!p0 $0xFFFFE000;
	s7 =	sand.u32 $0xFFE0000, s13  }
0x61: {  	[tilespmem:s26], [sflag:$0x8] =	stream.indirect.gather [hbm4b:s3+s11], $0x40, s12, s11, $0xb8;
	[tilespmem:$0x15900] =	vst v63  }
0x62: {  	s13 =	sand.u32 $0x3800, s17;
	s12 =	sand.u32 $0x1C000, s15;
	_ =	swait.ge [sflag:s28], $0x2000  }
0x63: {  	s13 =	sadd.s32 s4, s13;
	s7 =	sor.u32 s12, s7;
	[sflag:s28] =	ssyncset.done $0x0  }
0x64: {  	s15 =	simm.s32 $0x7900;
	s7 =	sadd.s32 s7, s13;
	[sflag:s28] =	ssyncadd.s32 $0xFFFFE000  }
0x65: {  	[hbm4b:s7+s21] =	stream.strided.scatter [tilespmem:s15], [sflag:$0xE], $0x2000, s11, s21, $0x38;
	[tilespmem:$0x15900] =	vst v63  }
0x66: {  	s7 =	simm.s32 @!p0 $0x13  }
0x67: {  	s17 =	sadd.s32 $0x400, s6;
	_ =	swait.ge @!p0 [sflag:s7], $0x2000  }
0x68: {  	s12 =	sadd.s32 $0x2000, s9;
	s13 =	sadd.s32 $0x10000, s10;
	[sflag:s7] =	ssyncset.done @!p0 $0x0  }
0x69: {  	s15 =	sadd.s32 $0x400, s2;
	[sflag:s7] =	ssyncadd.s32 @!p0 $0xFFFFE000;
	s7 =	sand.u32 $0xFFE0000, s12  }
0x6a: {  	[tilespmem:s29], [sflag:$0x9] =	stream.indirect.gather [hbm4b:s3+s11], $0x40, s17, s11, $0xb8;
	[tilespmem:$0x15900] =	vst v63  }
0x6b: {  	s12 =	sand.u32 $0x18000, s13;
	s13 =	sand.u32 $0x3800, s15;
	_ =	swait.ge [sflag:s30], $0x2000  }
0x6c: {  	s7 =	sor.u32 s12, s7;
	s17 =	sadd.s32 s4, s13;
	[sflag:s30] =	ssyncset.done $0x0  }
0x6d: {  	s7 =	sadd.s32 s7, s17;
	[sflag:s30] =	ssyncadd.s32 $0xFFFFE000  }
0x6e: {  	[hbm4b:s7+s21] =	stream.strided.scatter [tilespmem:s19], [sflag:$0xF], $0x2000, s11, s21, $0x38;
	[tilespmem:$0x15900] =	vst v63  }
0x6f: {  	s7 =	simm.s32 @!p0 $0x14  }
0x70: {  	s15 =	sadd.s32 $0x14000, s10;
	_ =	swait.ge @!p0 [sflag:s7], $0x2000  }
0x71: {  	s12 =	sadd.s32 $0x480, s6;
	s13 =	sadd.s32 $0x2800, s9;
	[sflag:s7] =	ssyncset.done @!p0 $0x0  }
0x72: {  	s17 =	sadd.s32 $0x500, s2;
	[sflag:s7] =	ssyncadd.s32 @!p0 $0xFFFFE000;
	s7 =	sand.u32 $0xFFE0000, s13  }
0x73: {  	[tilespmem:s31], [sflag:$0xA] =	stream.indirect.gather [hbm4b:s3+s11], $0x40, s12, s11, $0xb8;
	[tilespmem:$0x15900] =	vst v63  }
0x74: {  	s13 =	sand.u32 $0x3800, s17;
	s12 =	sand.u32 $0x1C000, s15;
	_ =	swait.ge [sflag:s1], $0x2000  }
0x75: {  	s15 =	sadd.s32 s4, s13;
	s7 =	sor.u32 s12, s7;
	[sflag:s1] =	ssyncset.done $0x0  }
0x76: {  	p0 =	seq.s32 s5, $0x5000;
	s7 =	sadd.s32 s7, s15;
	[sflag:s1] =	ssyncadd.s32 $0xFFFFE000  }
0x77: {  	[hbm4b:s7+s21] =	stream.strided.scatter [tilespmem:s22], [sflag:$0x10], $0x2000, s11, s21, $0x38;
	[tilespmem:$0x15900] =	vst v63  }
0x78: {  	s7 =	simm.s32 @!p0 $0xB  }
0x79: {  	_ =	swait.ge @!p0 [sflag:s7], $0x2000  }
0x7a: {  	[sflag:s7] =	ssyncset.done @!p0 $0x0  }
0x7b: {  	s17 =	sadd.s32 $0x600, s2;
	[sflag:s7] =	ssyncadd.s32 @!p0 $0xFFFFE000;
	s7 =	sshra.s32 @!p0 s5, $0x2  }
0x7c: {  	s13 =	simm.s32 @!p0 $0x80;
	s15 =	simm.s32 @!p0 $0x1900;
	s12 =	sadd.s32 @!p0 $0x500, s7  }
0x7d: {  	[tilespmem:s15], [sflag:$0x1] =	stream.indirect.gather @!p0 [hbm4b:s3+s13], $0x40, s12, s13, $0xb8;
	[tilespmem:$0x15900] =	vst v63  }
0x7e: {  	s17 =	sand.u32 $0x3800, s17;
	s12 =	sadd.s32 $0x3000, s9;
	s15 =	sadd.s32 $0x18000, s10  }
0x7f: {  	_ =	swait.ge [sflag:s0], $0x2000;
	s12 =	sand.u32 $0xFFE0000, s12;
	s15 =	sand.u32 $0x18000, s15  }
0x80: {  	s17 =	sadd.s32 s4, s17;
	[sflag:s0] =	ssyncset.done $0x0;
	s12 =	sor.u32 s15, s12  }
0x81: {  	[sflag:s0] =	ssyncadd.s32 $0xFFFFE000;
	s12 =	sadd.s32 s12, s17  }
0x82: {  	[hbm4b:s12+s21] =	stream.strided.scatter [tilespmem:s24], [sflag:$0x11], $0x2000, s11, s21, $0x38;
	[tilespmem:$0x15900] =	vst v63  }
0x83: {  	s12 =	simm.s32 @!p0 $0xC  }
0x84: {  	_ =	swait.ge @!p0 [sflag:s12], $0x2000  }
0x85: {  	s15 =	simm.s32 @!p0 $0x3900;
	[sflag:s12] =	ssyncset.done @!p0 $0x0  }
0x86: {  	s17 =	sadd.s32 $0x700, s2;
	[sflag:s12] =	ssyncadd.s32 @!p0 $0xFFFFE000;
	s12 =	sadd.s32 @!p0 $0x580, s7  }
0x87: {  	[tilespmem:s15], [sflag:$0x2] =	stream.indirect.gather @!p0 [hbm4b:s3+s13], $0x40, s12, s13, $0xb8;
	[tilespmem:$0x15900] =	vst v63  }
0x88: {  	s17 =	sand.u32 $0x3800, s17;
	s12 =	sadd.s32 $0x3800, s9;
	s15 =	sadd.s32 $0x1C000, s10  }
0x89: {  	_ =	swait.ge [sflag:s14], $0x2000;
	s12 =	sand.u32 $0xFFE0000, s12;
	s15 =	sand.u32 $0x1C000, s15  }
0x8a: {  	s17 =	sadd.s32 s4, s17;
	[sflag:s14] =	ssyncset.done $0x0;
	s12 =	sor.u32 s15, s12  }
0x8b: {  	[sflag:s14] =	ssyncadd.s32 $0xFFFFE000;
	s12 =	sadd.s32 s12, s17  }
0x8c: {  	[hbm4b:s12+s21] =	stream.strided.scatter [tilespmem:s26], [sflag:$0x12], $0x2000, s11, s21, $0x38;
	[tilespmem:$0x15900] =	vst v63  }
0x8d: {  	s12 =	simm.s32 @!p0 $0xD  }
0x8e: {  	_ =	swait.ge @!p0 [sflag:s12], $0x2000  }
0x8f: {  	s15 =	simm.s32 @!p0 $0x5900;
	[sflag:s12] =	ssyncset.done @!p0 $0x0  }
0x90: {  	s17 =	sadd.s32 $0x800, s2;
	[sflag:s12] =	ssyncadd.s32 @!p0 $0xFFFFE000;
	s12 =	sadd.s32 @!p0 $0x600, s7  }
0x91: {  	[tilespmem:s15], [sflag:$0x3] =	stream.indirect.gather @!p0 [hbm4b:s3+s13], $0x40, s12, s13, $0xb8;
	[tilespmem:$0x15900] =	vst v63  }
0x92: {  	s17 =	sand.u32 $0x3800, s17;
	s12 =	sadd.s32 $0x4000, s9;
	s15 =	sadd.s32 $0x20000, s10  }
0x93: {  	_ =	swait.ge [sflag:s16], $0x2000;
	s12 =	sand.u32 $0xFFE0000, s12;
	s15 =	sand.u32 $0x18000, s15  }
0x94: {  	s17 =	sadd.s32 s4, s17;
	s12 =	sor.u32 s15, s12;
	[sflag:s16] =	ssyncset.done $0x0  }
0x95: {  	s12 =	sadd.s32 s12, s17;
	[sflag:s16] =	ssyncadd.s32 $0xFFFFE000  }
0x96: {  	[hbm4b:s12+s21] =	stream.strided.scatter [tilespmem:s29], [sflag:$0x13], $0x2000, s11, s21, $0x38;
	[tilespmem:$0x15900] =	vst v63  }
0x97: {  	s12 =	simm.s32 @!p0 $0xE  }
0x98: {  	_ =	swait.ge @!p0 [sflag:s12], $0x2000  }
0x99: {  	[sflag:s12] =	ssyncset.done @!p0 $0x0  }
0x9a: {  	s7 =	sadd.s32 @!p0 $0x680, s7;
	[sflag:s12] =	ssyncadd.s32 @!p0 $0xFFFFE000;
	s12 =	simm.s32 @!p0 $0x7900  }
0x9b: {  	[tilespmem:s12], [sflag:$0x4] =	stream.indirect.gather @!p0 [hbm4b:s3+s13], $0x40, s7, s13, $0xb8;
	[tilespmem:$0x15900] =	vst v63  }
0x9c: {  	s15 =	sadd.s32 $0x900, s2;
	s12 =	sadd.s32 $0x4800, s9  }
.Ltmp2:
0x9d: {  	s13 =	sadd.s32 $0x24000, s10;
	_ =	swait.ge [sflag:s18], $0x2000;
	(pc) =	sbr.rel @p0 .LBB2_4-.Ltmp2, $4  }
0x9e: {  	s7 =	sand.u32 $0xFFE0000, s12;
	s12 =	sand.u32 $0x1C000, s13;
	s13 =	sand.u32 $0x3800, s15  }
0x9f: {  	s7 =	sor.u32 s12, s7;
	[sflag:s18] =	ssyncset.done $0x0;
	s17 =	sadd.s32 s4, s13  }
0xa0: {  	s7 =	sadd.s32 s7, s17;
	[sflag:s18] =	ssyncadd.s32 $0xFFFFE000  }
0xa1: {  	[hbm4b:s7+s21] =	stream.strided.scatter [tilespmem:s31], [sflag:$0x14], $0x2000, s11, s21, $0x38;
	[tilespmem:$0x15900] =	vst v63  }
.Ltmp3:
0xa2: {  	(pc) =	sbr.rel .LBB2_2-.Ltmp3, $4  }
0xa3: {  	_ =	swait.ge [sflag:s8], $0x2000;
	s6 =	sadd.s32 $0x700, s6  }
0xa4: {  	s5 =	sadd.s32 $0x1400, s5;
	s2 =	sadd.s32 $0xA00, s2;
	[sflag:s8] =	ssyncset.done $0x0  }
0xa5: {  	s10 =	sadd.s32 $0x28000, s10;
	s9 =	sadd.s32 $0x5000, s9;
	[sflag:s8] =	ssyncadd.s32 $0xFFFFE000  }
0xa6: {  	[tilespmem:s19], [sflag:$0x5] =	stream.indirect.gather [hbm4b:s3+s11], $0x40, s6, s11, $0xb8;
	[tilespmem:$0x15900] =	vst v63  }
.LBB2_5:
0xa7: {  	_ =	sfence.sel $0x180000  }
0xa8: {  	[bflag:$0x0] =	sbarrier.arrive $0xFFFF  }
0xa9: {  	_ =	strace $0x90000047  }
0xaa: {  	s0 =	stileid.u32;
	[bflag:$0x2] =	sbarrier.arrive $0xFFFF  }
0xab: {  	p0 =	sne.s32 s0, $0x0;
	s0 =	rddreg [dreg:$0x2]  }
0xac: {  	s0 =	sadd.s32 @!p0 $0x100000, s0  }
0xad: {  	[sflag:s0] =	ssyncadd.tile.s32 @!p0 $0x1;
	_ =	shalt  }
.Lfunc_end2:
_tile_overlayer_lowered:
.L_overlay_start_2:
0xae: {  	(tag) =	ssettag $0x2  }
0xaf: {  	s0 =	rddreg [dreg:$0x0];
	s2 =	stileid.u32  }
0xb0: {  	s1 =	rddreg [dreg:$0x1];
	p0 =	sne.s32 s2, $0x0  }
0xb1: {  	s3 =	rddreg [dreg:$0x2];
	[bflag:$0x3] =	sbarrier.arrive $0xFFFF;
	s2 =	simm.s32 @!p0 $0x1C15  }
0xb2: {  	[timem:s3], [sflag:s2] =	dma.local @!p0 [hbm:s0], s1  }
0xb3: {  	s0 =	simm.s32 @!p0 $0x15  }
0xb4: {  	_ =	swait.ge @!p0 [sflag:s0], s1  }
0xb5: {  	s1 =	ssub.s32 @!p0 $0x0, s1;
	[sflag:s0] =	ssyncset.done @!p0 $0x0  }
0xb6: {  	[sflag:s0] =	ssyncadd.s32 @!p0 s1  }
0xb7: {  	[bflag:$0x3] =	sbarrier.arrive $0xFFFF  }
0xb8: {  	_ =	shalt  }

</sc_bundles>
